<compile_context>
chip_gen: v7x
topology: tpu7x:2x2x1
jax: 0.10.2.dev20260603
libtpu: 0.0.44.dev20260713+nightly
codegen_flags: <defaults>
</compile_context>

<pallas_src>
import functools

import numpy as np
import jax
import jax.numpy as jnp
from jax import lax
from jax.experimental import pallas as pl
from jax.experimental.pallas import tpu as pltpu
from jax.experimental.pallas import tpu_sc as plsc

D = 128
E = 256
S = 64
BUCKET = 64
N_BLOCK = 2


def _dot(a, b, dims):
    return jax.lax.dot_general(a, b, (dims, ((), ())),
                               preferred_element_type=jnp.float32)


def _dot_fast(a, b, dims):
    return jax.lax.dot_general(a.astype(jnp.bfloat16), b.astype(jnp.bfloat16),
                               (dims, ((), ())),
                               preferred_element_type=jnp.float32)


def _proj_body(xs_ref, w_ref, b_ref, o_ref):
    o_ref[0] = _dot(xs_ref[0], w_ref[...], ((1,), (0,))) + b_ref[...]


def _proj(xs, W_in, b_in):
    Bn, n0, din = xs.shape
    RB = 2048
    return pl.pallas_call(
        _proj_body,
        grid=(Bn, n0 // RB),
        in_specs=[
            pl.BlockSpec((1, RB, din), lambda s, r: (s, r, 0)),
            pl.BlockSpec((din, D), lambda s, r: (0, 0)),
            pl.BlockSpec((1, D), lambda s, r: (0, 0)),
        ],
        out_specs=pl.BlockSpec((1, RB, D), lambda s, r: (s, r, 0)),
        out_shape=jax.ShapeDtypeStruct((Bn, n0, D), jnp.float32),
    )(xs, W_in, b_in.reshape(1, D))


def _cw_body(x_ref, cw_ref):
    x = x_ref[0]
    n = x.shape[0]
    ones = jnp.ones((1, D), jnp.float32)
    lens2 = _dot(ones, x * x, ((1,), (1,)))
    m = jnp.max(lens2)
    iota = jax.lax.broadcasted_iota(jnp.int32, (1, n), 1)
    idx = jnp.min(jnp.where(lens2 == m, iota, n))
    onehot = (iota == idx).astype(jnp.float32)
    v1 = _dot(onehot, x, ((1,), (0,)))
    v1n = jnp.sqrt(jnp.sum(v1 * v1))
    dots = _dot(v1, x, ((1,), (1,)))
    denom = jnp.maximum(v1n * jnp.sqrt(lens2), 1e-8)
    cw_ref[0] = dots / denom


def _cosine_weights(x):
    Bn, n, _ = x.shape
    out = pl.pallas_call(
        _cw_body,
        grid=(Bn,),
        in_specs=[pl.BlockSpec((1, n, D), lambda s: (s, 0, 0))],
        out_specs=pl.BlockSpec((1, 1, n), lambda s: (s, 0, 0)),
        out_shape=jax.ShapeDtypeStruct((Bn, 1, n), jnp.float32),
    )(x)
    return out[:, 0]


def _gau_body(G, g_ref, lng_ref, lnb_ref, wuv_ref, buv_ref, wz_ref, bz_ref,
              gam_ref, bet_ref, wo_ref, bo_ref, trg_ref, trb_ref, wtr_ref,
              btr_ref, gys_ref, ys_ref):
    x = g_ref[0]
    PAIR = G % 2 == 0
    if PAIR:
        r2 = jax.lax.broadcasted_iota(jnp.int32, (2 * BUCKET, 2 * BUCKET), 0)
        c2 = jax.lax.broadcasted_iota(jnp.int32, (2 * BUCKET, 2 * BUCKET), 1)
        bdmask = (r2 // BUCKET == c2 // BUCKET).astype(jnp.float32)
    for j in range(N_BLOCK):
        mean = jnp.mean(x, axis=1, keepdims=True)
        var = jnp.mean((x - mean) ** 2, axis=1, keepdims=True)
        xn = (x - mean) / jnp.sqrt(var + 1e-5) * lng_ref[j:j + 1] \
            + lnb_ref[j:j + 1]
        uv = _dot(xn.astype(jnp.bfloat16), wuv_ref[j], ((1,), (0,))) \
            + buv_ref[j:j + 1]
        uv = uv * jax.nn.sigmoid(uv)
        u = uv[:, :E]
        v = uv[:, E:]
        z = _dot(xn, wz_ref[j], ((1,), (0,))) + bz_ref[j:j + 1]
        q = z * gam_ref[2 * j:2 * j + 1] + bet_ref[2 * j:2 * j + 1]
        k = z * gam_ref[2 * j + 1:2 * j + 2] + bet_ref[2 * j + 1:2 * j + 2]
        outs = []
        if PAIR:
            for t in range(G // 2):
                sl = slice(t * 2 * BUCKET, (t + 1) * 2 * BUCKET)
                qk = _dot(q[sl], k[sl], ((1,), (1,))) * (1.0 / BUCKET)
                A = jnp.square(jnp.maximum(qk, 0.0)) * bdmask
                outs.append(_dot(A, v[sl], ((1,), (0,))))
        else:
            for t in range(G):
                sl = slice(t * BUCKET, (t + 1) * BUCKET)
                qk = _dot(q[sl], k[sl], ((1,), (1,))) * (1.0 / BUCKET)
                A = jnp.square(jnp.maximum(qk, 0.0))
                outs.append(_dot(A, v[sl], ((1,), (0,))))
        av = jnp.concatenate(outs, axis=0) if len(outs) > 1 else outs[0]
        x = x + _dot((u * av).astype(jnp.bfloat16), wo_ref[j], ((1,), (0,))) \
            + bo_ref[j:j + 1]
    rg = jax.lax.broadcasted_iota(jnp.int32, (G, G * BUCKET), 0)
    cg = jax.lax.broadcasted_iota(jnp.int32, (G, G * BUCKET), 1)
    pool = jnp.where(cg // BUCKET == rg, 1.0 / BUCKET, 0.0)
    rows = _dot(pool, x, ((1,), (0,)))
    gys_ref[0] = rows
    m2 = jnp.mean(rows, axis=1, keepdims=True)
    v2 = jnp.mean((rows - m2) ** 2, axis=1, keepdims=True)
    t_ = (rows - m2) / jnp.sqrt(v2 + 1e-5) * trg_ref[...] + trb_ref[...]
    t_ = jnp.where(t_ >= 0, t_, 0.01 * t_)
    ys_ref[0] = _dot(t_, wtr_ref[...], ((1,), (0,))) + btr_ref[...]


def _gau_level(g, G, wts):
    (lng, lnb, wuv, buv, wz, bz, gam, bet, wo, bo, trg, trb, wtr, btr) = wts
    Bn, rows, _ = g.shape
    nbp = rows // BUCKET
    grid = (Bn, nbp // G)
    const3 = lambda shp: pl.BlockSpec(shp, lambda s, b: (0, 0, 0))
    const2 = lambda shp: pl.BlockSpec(shp, lambda s, b: (0, 0))
    return pl.pallas_call(
        functools.partial(_gau_body, G),
        grid=grid,
        in_specs=[
            pl.BlockSpec((1, G * BUCKET, D), lambda s, b: (s, b, 0)),
            const2((N_BLOCK, D)), const2((N_BLOCK, D)),
            const3((N_BLOCK, D, 2 * E)), const2((N_BLOCK, 2 * E)),
            const3((N_BLOCK, D, S)), const2((N_BLOCK, S)),
            const2((2 * N_BLOCK, S)), const2((2 * N_BLOCK, S)),
            const3((N_BLOCK, E, D)), const2((N_BLOCK, D)),
            const2((1, D)), const2((1, D)),
            const2((D, D)), const2((1, D)),
        ],
        out_specs=[
            pl.BlockSpec((1, G, D), lambda s, b: (s, b, 0)),
            pl.BlockSpec((1, G, D), lambda s, b: (s, b, 0)),
        ],
        out_shape=[
            jax.ShapeDtypeStruct((Bn, nbp, D), jnp.float32),
            jax.ShapeDtypeStruct((Bn, nbp, D), jnp.float32),
        ],
    )(g, lng, lnb, wuv, buv, wz, bz, gam, bet, wo, bo, trg, trb, wtr, btr)


def _rank_desc(cw_row, valid_row, n):
    ii = jax.lax.broadcasted_iota(jnp.int32, (n, n), 0)
    jj = jax.lax.broadcasted_iota(jnp.int32, (n, n), 1)
    eye = (ii == jj).astype(jnp.float32)
    cw_col = _dot(eye, cw_row, ((1,), (1,)))
    gt = jnp.where((cw_row > cw_col) & valid_row, 1.0, 0.0)
    tie = jnp.where((cw_row == cw_col) & (jj < ii) & valid_row, 1.0, 0.0)
    ones = jnp.ones((n, 1), jnp.float32)
    return _dot(gt + tie, ones, ((1,), (0,)))


def _sort_pad(x, n_valid, n_rows, n_out):
    iota_r = jax.lax.broadcasted_iota(jnp.int32, (1, n_rows), 1)
    valid = iota_r < n_valid
    ones = jnp.ones((1, D), jnp.float32)
    lens2 = _dot(ones, x * x, ((1,), (1,)))
    lens2m = jnp.where(valid, lens2, -1.0)
    m = jnp.max(lens2m)
    idx = jnp.min(jnp.where(lens2m == m, iota_r, n_rows))
    onehot = (iota_r == idx).astype(jnp.float32)
    v1 = _dot(onehot, x, ((1,), (0,)))
    v1n = jnp.sqrt(jnp.sum(v1 * v1))
    dots = _dot(v1, x, ((1,), (1,)))
    denom = jnp.maximum(v1n * jnp.sqrt(jnp.maximum(lens2, 0.0)), 1e-8)
    cw = jnp.where(valid, dots / denom, -3.0)
    rank = _rank_desc(cw, valid, n_rows)
    validc = jax.lax.broadcasted_iota(jnp.int32, (n_rows, 1), 0) < n_valid
    ranks = jnp.where(validc, rank, -1.0)
    kk = jax.lax.broadcasted_iota(jnp.int32, (n_rows, n_out), 1)
    PT = jnp.where(ranks == kk.astype(jnp.float32), 1.0, 0.0)
    xs_sorted = _dot(PT, x, ((0,), (0,)))
    ko = jax.lax.broadcasted_iota(jnp.int32, (n_out, D), 0)
    do = jax.lax.broadcasted_iota(jnp.int32, (n_out, D), 1)
    padfill = jnp.where((ko >= n_valid) & (do == (ko - n_valid) % D),
                        1.0, 0.0)
    return xs_sorted + padfill


def _gau_blocks(x, G, wts, bdmask):
    (lng, lnb, wuv, buv, wz, bz, gam, bet, wo, bo) = wts
    for j in range(N_BLOCK):
        mean = jnp.mean(x, axis=1, keepdims=True)
        var = jnp.mean((x - mean) ** 2, axis=1, keepdims=True)
        xn = (x - mean) / jnp.sqrt(var + 1e-5) * lng[j:j + 1] + lnb[j:j + 1]
        uv = _dot(xn.astype(jnp.bfloat16), wuv[j], ((1,), (0,))) + buv[j:j + 1]
        uv = uv * jax.nn.sigmoid(uv)
        u = uv[:, :E]
        v = uv[:, E:]
        z = _dot(xn, wz[j], ((1,), (0,))) + bz[j:j + 1]
        q = z * gam[2 * j:2 * j + 1] + bet[2 * j:2 * j + 1]
        k = z * gam[2 * j + 1:2 * j + 2] + bet[2 * j + 1:2 * j + 2]
        qk = _dot(q, k, ((1,), (1,))) * (1.0 / BUCKET)
        A = jnp.square(jnp.maximum(qk, 0.0))
        if bdmask is not None:
            A = A * bdmask
        av = _dot(A, v, ((1,), (0,)))
        x = x + _dot((u * av).astype(jnp.bfloat16), wo[j], ((1,), (0,))) \
            + bo[j:j + 1]
    return x


def _trans_head(rows, trg, trb, wtr, btr):
    m = jnp.mean(rows, axis=1, keepdims=True)
    v = jnp.mean((rows - m) ** 2, axis=1, keepdims=True)
    t_ = (rows - m) / jnp.sqrt(v + 1e-5) * trg + trb
    t_ = jnp.where(t_ >= 0, t_, 0.01 * t_)
    return _dot(t_, wtr, ((1,), (0,))) + btr


def _tail_body(n1, gw, g_ref, ys0_ref, lng_ref, lnb_ref, wuv_ref, buv_ref,
               wz_ref, bz_ref, gam_ref, bet_ref, wo_ref, bo_ref, trg_ref,
               trb_ref, wtr_ref, btr_ref, og_ref, ob_ref, wout_ref, bout_ref,
               o_ref):
    x = g_ref[0]
    n_rows = x.shape[0]
    wts = (lng_ref[...], lnb_ref[...], wuv_ref[...], buv_ref[...],
           wz_ref[...], bz_ref[...], gam_ref[...], bet_ref[...],
           wo_ref[...], bo_ref[...])
    trg, trb = trg_ref[...], trb_ref[...]
    wtr, btr = wtr_ref[...], btr_ref[...]

    g1 = _sort_pad(x, n1, n_rows, 5 * BUCKET)
    r5 = jax.lax.broadcasted_iota(jnp.int32, (5 * BUCKET, 5 * BUCKET), 0)
    c5 = jax.lax.broadcasted_iota(jnp.int32, (5 * BUCKET, 5 * BUCKET), 1)
    bdmask = (r5 // BUCKET == c5 // BUCKET).astype(jnp.float32)
    g1 = _gau_blocks(g1, 5, wts, bdmask)
    rg = jax.lax.broadcasted_iota(jnp.int32, (5, 5 * BUCKET), 0)
    cg = jax.lax.broadcasted_iota(jnp.int32, (5, 5 * BUCKET), 1)
    pool1 = jnp.where(cg // BUCKET == rg, 1.0 / BUCKET, 0.0)
    rows5 = _dot(pool1, g1, ((1,), (0,)))
    ys1 = _trans_head(rows5, trg, trb, wtr, btr)

    g2 = _sort_pad(rows5, 5, 5, BUCKET)
    g2 = _gau_blocks(g2, 1, wts, None)
    onesb = jnp.full((1, BUCKET), 1.0 / BUCKET, jnp.float32)
    row1 = _dot(onesb, g2, ((1,), (0,)))
    ys2 = _trans_head(row1, trg, trb, wtr, btr)

    iota0 = jax.lax.broadcasted_iota(jnp.int32, (1, n_rows), 1)
    w0 = (iota0 < n1).astype(jnp.float32)
    sum0 = _dot(w0, ys0_ref[0], ((1,), (0,)))
    ones5 = jnp.ones((1, 5), jnp.float32)
    sum1 = _dot(ones5, ys1, ((1,), (0,)))
    y = (sum0 + sum1 + ys2) * (1.0 / (n1 + 5 + 1))
    m = jnp.mean(y, axis=1, keepdims=True)
    v = jnp.mean((y - m) ** 2, axis=1, keepdims=True)
    y = (y - m) / jnp.sqrt(v + 1e-5) * og_ref[...] + ob_ref[...]
    y = jnp.where(y >= 0, y, 0.01 * y)
    o_ref[0] = _dot(y, wout_ref[...], ((1,), (0,))) + bout_ref[...]


def _tail(gys, ys0, n1, wts, out_g, out_b, W_out, b_out):
    (lng, lnb, wuv, buv, wz, bz, gam, bet, wo, bo, trg, trb, wtr, btr) = wts
    Bn, n_rows, _ = gys.shape
    od = W_out.shape[1]
    const3 = lambda shp: pl.BlockSpec(shp, lambda s: (0, 0, 0))
    const2 = lambda shp: pl.BlockSpec(shp, lambda s: (0, 0))
    return pl.pallas_call(
        functools.partial(_tail_body, n1, None),
        grid=(Bn,),
        in_specs=[
            pl.BlockSpec((1, n_rows, D), lambda s: (s, 0, 0)),
            pl.BlockSpec((1, n_rows, D), lambda s: (s, 0, 0)),
            const2((N_BLOCK, D)), const2((N_BLOCK, D)),
            const3((N_BLOCK, D, 2 * E)), const2((N_BLOCK, 2 * E)),
            const3((N_BLOCK, D, S)), const2((N_BLOCK, S)),
            const2((2 * N_BLOCK, S)), const2((2 * N_BLOCK, S)),
            const3((N_BLOCK, E, D)), const2((N_BLOCK, D)),
            const2((1, D)), const2((1, D)),
            const2((D, D)), const2((1, D)),
            const2((1, D)), const2((1, D)),
            const2((D, od)), const2((1, od)),
        ],
        out_specs=pl.BlockSpec((1, 1, od), lambda s: (s, 0, 0)),
        out_shape=jax.ShapeDtypeStruct((Bn, 1, od), jnp.float32),
    )(gys, ys0, lng, lnb, wuv, buv, wz, bz, gam, bet, wo, bo, trg, trb,
      wtr, btr, out_g.reshape(1, D), out_b.reshape(1, D), W_out,
      b_out.reshape(1, od))[:, 0]


def _final_body(ys_ref, og_ref, ob_ref, wout_ref, bout_ref, o_ref):
    Bn = ys_ref.shape[0]
    rows = [jnp.mean(ys_ref[i], axis=0, keepdims=True) for i in range(Bn)]
    y = jnp.concatenate(rows, axis=0)
    m = jnp.mean(y, axis=1, keepdims=True)
    v = jnp.mean((y - m) ** 2, axis=1, keepdims=True)
    y = (y - m) / jnp.sqrt(v + 1e-5) * og_ref[...] + ob_ref[...]
    y = jnp.where(y >= 0, y, 0.01 * y)
    o_ref[...] = _dot(y, wout_ref[...], ((1,), (0,))) + bout_ref[...]


def _final(ys, out_g, out_b, W_out, b_out):
    Bn, nrows, _ = ys.shape
    od = W_out.shape[1]
    return pl.pallas_call(
        _final_body,
        in_specs=[
            pl.BlockSpec((Bn, nrows, D), lambda: (0, 0, 0)),
            pl.BlockSpec((1, D), lambda: (0, 0)),
            pl.BlockSpec((1, D), lambda: (0, 0)),
            pl.BlockSpec((D, od), lambda: (0, 0)),
            pl.BlockSpec((1, od), lambda: (0, 0)),
        ],
        out_specs=pl.BlockSpec((Bn, od), lambda: (0, 0)),
        out_shape=jax.ShapeDtypeStruct((Bn, od), jnp.float32),
    )(ys, out_g.reshape(1, D), out_b.reshape(1, D), W_out,
      b_out.reshape(1, od))


N0 = 16384
NP0 = 17408
CHUNK = 128
ROWS_PER_W = 2048


def _sc_sort_gather(x_flat, idx_flat, pad_blk):
    mesh = plsc.VectorSubcoreMesh(core_axis_name="c", subcore_axis_name="s")

    @functools.partial(
        pl.kernel, mesh=mesh,
        out_type=jax.ShapeDtypeStruct((4 * NP0, D), jnp.float32),
        scratch_types=[
            pltpu.VMEM((CHUNK,), jnp.int32),
            pltpu.VMEM((CHUNK, D), jnp.float32),
            pltpu.VMEM((CHUNK,), jnp.int32),
            pltpu.VMEM((CHUNK, D), jnp.float32),
            pltpu.SemaphoreType.DMA,
            pltpu.SemaphoreType.DMA,
        ],
    )
    def k(x_hbm, idx_hbm, pad_hbm, out_hbm, idx_a, rows_a, idx_b, rows_b,
          sem_a, sem_b):
        wid = lax.axis_index("s") * 2 + lax.axis_index("c")
        smp = wid // 8
        part = wid % 8
        src = smp * N0 + part * ROWS_PER_W
        dst = smp * NP0 + part * ROWS_PER_W
        idx_v = [idx_a, idx_b]
        rows_v = [rows_a, rows_b]
        sems = [sem_a, sem_b]
        nch = ROWS_PER_W // CHUNK
        cps = [None, None]
        for c in range(nch):
            b = c % 2
            pltpu.sync_copy(idx_hbm.at[pl.ds(src + c * CHUNK, CHUNK)],
                            idx_v[b])
            cps[b] = pltpu.async_copy(x_hbm.at[idx_v[b]], rows_v[b], sems[b])
            if c > 0:
                pb = (c - 1) % 2
                cps[pb].wait()
                pltpu.sync_copy(rows_v[pb],
                                out_hbm.at[pl.ds(dst + (c - 1) * CHUNK,
                                                 CHUNK)])
        cps[(nch - 1) % 2].wait()
        pltpu.sync_copy(rows_v[(nch - 1) % 2],
                        out_hbm.at[pl.ds(dst + (nch - 1) * CHUNK, CHUNK)])

        @pl.when(part == 0)
        def _():
            for c in range((NP0 - N0) // CHUNK):
                pltpu.sync_copy(pad_hbm.at[pl.ds(c * CHUNK, CHUNK)], rows_a)
                pltpu.sync_copy(
                    rows_a,
                    out_hbm.at[pl.ds(smp * NP0 + N0 + c * CHUNK, CHUNK)])

    return k(x_flat, idx_flat, pad_blk)


def _pad_rows(n_pad):
    ids = np.arange(n_pad)
    pad = np.zeros((n_pad, D), np.float32)
    pad[ids, ids % D] = 1.0
    return jnp.asarray(pad)


def kernel(xs, W_in, b_in, blk_ln_g, blk_ln_b, blk_Wuv, blk_buv, blk_Wz,
           blk_bz, blk_gam, blk_bet, blk_Wo, blk_bo, tr_g, tr_b, W_tr, b_tr,
           out_g, out_b, W_out, b_out):
    Bn = xs.shape[0]
    wts = (blk_ln_g, blk_ln_b, blk_Wuv, blk_buv, blk_Wz, blk_bz,
           blk_gam.reshape(2 * N_BLOCK, S), blk_bet.reshape(2 * N_BLOCK, S),
           blk_Wo, blk_bo, tr_g.reshape(1, D), tr_b.reshape(1, D), W_tr,
           b_tr.reshape(1, D))

    x = _proj(xs, W_in, b_in)

    cw = _cosine_weights(x)
    order = jnp.argsort(-cw, axis=1).astype(jnp.int32)
    offs = (jnp.arange(Bn, dtype=jnp.int32) * N0)[:, None]
    idx_flat = (order + offs).reshape(-1)
    pad_blk = jnp.concatenate(
        [_pad_rows(BUCKET), jnp.zeros((NP0 - N0 - BUCKET, D), jnp.float32)],
        axis=0)
    g = _sc_sort_gather(x.reshape(Bn * N0, D), idx_flat,
                        pad_blk).reshape(Bn, NP0, D)
    gys, ys_l = _gau_level(g, 16, wts)

    n_bucket0 = (N0 + BUCKET) // BUCKET
    return _tail(gys, ys_l, n_bucket0, wts, out_g, out_b, W_out, b_out)

# --- scband reference (transcript-rebuilt; emitter-appended) ---
"""Pipeline reference for scband-net-50319836839953 (READ-ONLY COPY).

The authoritative reference and input builder live on the scoring server;
editing this copy changes nothing except your own understanding.
"""

import jax, jax.numpy as jnp
import numpy as np

IN_DIM = 64
OUT_DIM = 64
D = 128
N_BLOCK = 2
E = 256
S = 64
BUCKET = 64
BBN = 512


def _layernorm(x, g, b, eps=1e-5):
    m = jnp.mean(x, axis=-1, keepdims=True)
    v = jnp.mean((x - m) ** 2, axis=-1, keepdims=True)
    return (x - m) / jnp.sqrt(v + eps) * g + b


def _leaky_relu(x):
    return jnp.where(x >= 0, x, 0.01 * x)


def _ortho_pad_1d(s, base):
    n_pad = base - s.shape[0] % base
    n_ch = s.shape[1]
    ids1 = np.arange(n_pad)
    ids2 = ids1 % n_ch
    pad = jnp.zeros((n_pad, n_ch), dtype=s.dtype).at[ids1, ids2].set(1.0)
    return jnp.concatenate([s, pad], axis=0)


def _split_group_v4(s, bucket_size):
    s = s[0]
    lens = jnp.linalg.norm(s, ord=2, axis=1)
    v1 = s[jnp.argmax(lens)]
    denom = jnp.maximum(jnp.linalg.norm(v1) * lens, 1e-8)
    cw = (s @ v1) / denom
    order = jnp.argsort(-cw)
    s = s[order]
    s = _ortho_pad_1d(s, bucket_size)
    n_bucket = s.shape[0] // bucket_size
    return s.reshape(1, n_bucket, bucket_size, s.shape[1])


def _gau_block(x, ln_g, ln_b, Wuv, buv, Wz, bz, gam, bet, Wo, bo):
    # FLASH-style gated attention unit (quadratic variant) with pre-norm + skip
    shortcut = x
    xn = _layernorm(x, ln_g, ln_b)
    uv = jax.nn.silu(xn @ Wuv + buv)
    u = uv[..., :E]
    v = uv[..., E:]
    z = xn @ Wz + bz
    q = z * gam[0] + bet[0]
    k = z * gam[1] + bet[1]
    n = x.shape[-2]
    qk = jnp.einsum('bgnd,bgmd->bgnm', q, k) / n
    A = jnp.square(jax.nn.relu(qk))
    o = u * jnp.einsum('bgnm,bgme->bgne', A, v)
    return shortcut + (o @ Wo + bo)


def _forward(xs, W_in, b_in, blk_ln_g, blk_ln_b, blk_Wuv, blk_buv, blk_Wz, blk_bz, blk_gam, blk_bet, blk_Wo, blk_bo, tr_g, tr_b, W_tr, b_tr, out_g, out_b, W_out, b_out):
    outs = []
    for i in range(xs.shape[0]):
        x = xs[i][None]
        x = x @ W_in + b_in
        ys = []
        while True:
            gxs = _split_group_v4(x, BUCKET)
            gys_list = []
            n_batches = int(np.ceil(gxs.shape[1] / BBN))
            for bi in range(n_batches):
                gy = gxs[:, bi * BBN:(bi + 1) * BBN]
                for j in range(N_BLOCK):
                    gy = _gau_block(gy, blk_ln_g[j], blk_ln_b[j], blk_Wuv[j], blk_buv[j], blk_Wz[j], blk_bz[j], blk_gam[j], blk_bet[j], blk_Wo[j], blk_bo[j])
                gys_list.append(jnp.mean(gy, axis=2))
            gys = jnp.concatenate(gys_list, axis=1)
            t = _layernorm(gys, tr_g, tr_b)
            t = _leaky_relu(t)
            ys.append(t @ W_tr + b_tr)
            if gys.shape[1] == 1:
                break
            x = gys
        ys = jnp.concatenate(ys, axis=1)
        outs.append(jnp.mean(ys, axis=1))
    y = jnp.concatenate(outs, axis=0)
    y = _layernorm(y, out_g, out_b)
    y = _leaky_relu(y)
    return y @ W_out + b_out


def setup_inputs(seed: int = 0):
    key = jax.random.key(seed)
    ks = jax.random.split(key, 8)
    sc = 0.02
    inp = {}
    inp['xs'] = jax.random.normal(ks[0], (4, 16384, IN_DIM), dtype=jnp.float32)
    inp['W_in'] = jax.random.normal(ks[1], (IN_DIM, D), dtype=jnp.float32) * sc
    inp['b_in'] = jnp.zeros((D,), dtype=jnp.float32)
    inp['blk_ln_g'] = jnp.ones((N_BLOCK, D), dtype=jnp.float32)
    inp['blk_ln_b'] = jnp.zeros((N_BLOCK, D), dtype=jnp.float32)
    inp['blk_Wuv'] = jax.random.normal(ks[2], (N_BLOCK, D, 2 * E), dtype=jnp.float32) * sc
    inp['blk_buv'] = jnp.zeros((N_BLOCK, 2 * E), dtype=jnp.float32)
    inp['blk_Wz'] = jax.random.normal(ks[3], (N_BLOCK, D, S), dtype=jnp.float32) * sc
    inp['blk_bz'] = jnp.zeros((N_BLOCK, S), dtype=jnp.float32)
    inp['blk_gam'] = jnp.ones((N_BLOCK, 2, S), dtype=jnp.float32)
    inp['blk_bet'] = jnp.zeros((N_BLOCK, 2, S), dtype=jnp.float32)
    inp['blk_Wo'] = jax.random.normal(ks[4], (N_BLOCK, E, D), dtype=jnp.float32) * sc
    inp['blk_bo'] = jnp.zeros((N_BLOCK, D), dtype=jnp.float32)
    inp['tr_g'] = jnp.ones((D,), dtype=jnp.float32)
    inp['tr_b'] = jnp.zeros((D,), dtype=jnp.float32)
    inp['W_tr'] = jax.random.normal(ks[5], (D, D), dtype=jnp.float32) * sc
    inp['b_tr'] = jnp.zeros((D,), dtype=jnp.float32)
    inp['out_g'] = jnp.ones((D,), dtype=jnp.float32)
    inp['out_b'] = jnp.zeros((D,), dtype=jnp.float32)
    inp['W_out'] = jax.random.normal(ks[6], (D, OUT_DIM), dtype=jnp.float32) * sc
    inp['b_out'] = jnp.zeros((OUT_DIM,), dtype=jnp.float32)
    return inp


def reference(xs, W_in, b_in, blk_ln_g, blk_ln_b, blk_Wuv, blk_buv, blk_Wz, blk_bz, blk_gam, blk_bet, blk_Wo, blk_bo, tr_g, tr_b, W_tr, b_tr, out_g, out_b, W_out, b_out):
    return _forward(xs, W_in, b_in, blk_ln_g, blk_ln_b, blk_Wuv, blk_buv, blk_Wz, blk_bz, blk_gam, blk_bet, blk_Wo, blk_bo, tr_g, tr_b, W_tr, b_tr, out_g, out_b, W_out, b_out)

if __name__ == "__main__":
    import jax
    _d = setup_inputs()
    print(jax.jit(kernel)(*tuple(_d.values())))

</pallas_src>

<mosaic_0001>
#map = affine_map<(d0, d1) -> (0, 0)>
#map1 = affine_map<(d0, d1) -> (0)>
module attributes {stable_mosaic.version = 14 : i64} {
  func.func @k(%arg0: i32, %arg1: i32, %arg2: memref<65536x128xf32, #tpu.memory_space<hbm>>, %arg3: memref<65536xi32, #tpu.memory_space<hbm>>, %arg4: memref<1024x128xf32, #tpu.memory_space<hbm>>, %arg5: memref<69632x128xf32, #tpu.memory_space<hbm>>, %arg6: memref<128xi32, #tpu.memory_space<vmem>>, %arg7: memref<128x128xf32, #tpu.memory_space<vmem>>, %arg8: memref<128xi32, #tpu.memory_space<vmem>>, %arg9: memref<128x128xf32, #tpu.memory_space<vmem>>, %arg10: memref<!tpu.dma_semaphore, #tpu.memory_space<semaphore_mem>>, %arg11: memref<!tpu.dma_semaphore, #tpu.memory_space<semaphore_mem>>) attributes {dimension_semantics = [#tpu.dimension_semantics<core_parallel>, #tpu.dimension_semantics<subcore_parallel>], iteration_bounds = array<i64: 2, 16>, scalar_prefetch = 0 : i64, scratch_operands = 6 : i64, tpu.core_type = #tpu.core_type<sc_vector_subcore>, window_params = [{transform_indices = #map}, {transform_indices = #map1}, {transform_indices = #map}, {transform_indices = #map}]} {
    %mul3A = arith.constant 2 : i32
    %mul3A_0 = arith.muli %arg1, %mul3A : i32
    %add3A = arith.addi %mul3A_0, %arg0 : i32
    %jit3A = arith.constant 8 : i32
    %div3A = arith.divsi %add3A, %jit3A : i32
    %sign3A = arith.constant 0 : i32
    %sign3A_1 = arith.cmpi sgt, %add3A, %sign3A : i32
    %sign3A_2 = arith.extui %sign3A_1 : i1 to i32
    %sign3A_3 = arith.constant 0 : i32
    %sign3A_4 = arith.cmpi slt, %add3A, %sign3A_3 : i32
    %sign3A_5 = arith.extui %sign3A_4 : i1 to i32
    %sign3A_6 = arith.subi %sign3A_2, %sign3A_5 : i32
    %sign3A_7 = arith.constant 0 : i32
    %sign3A_8 = arith.cmpi sgt, %jit3A, %sign3A_7 : i32
    %sign3A_9 = arith.extui %sign3A_8 : i1 to i32
    %sign3A_10 = arith.constant 0 : i32
    %sign3A_11 = arith.cmpi slt, %jit3A, %sign3A_10 : i32
    %sign3A_12 = arith.extui %sign3A_11 : i1 to i32
    %sign3A_13 = arith.subi %sign3A_9, %sign3A_12 : i32
    %ne3A = arith.cmpi ne, %sign3A_6, %sign3A_13 : i32
    %rem3A = arith.remsi %add3A, %jit3A : i32
    %ne3A_14 = arith.constant 0 : i32
    %ne3A_15 = arith.cmpi ne, %rem3A, %ne3A_14 : i32
    %and3A = arith.andi %ne3A, %ne3A_15 : i1
    %sub3A = arith.constant 1 : i32
    %sub3A_16 = arith.subi %div3A, %sub3A : i32
    %select_n3A = arith.select %and3A, %sub3A_16, %div3A : i32
    %jit3A_17 = arith.constant 8 : i32
    %eq3A = arith.constant 0 : i32
    %eq3A_18 = arith.cmpi eq, %jit3A_17, %eq3A : i32
    %jit3A_19 = arith.constant 1 : i32
    %select_n3A_20 = arith.select %eq3A_18, %jit3A_19, %jit3A_17 : i32
    %rem3A_21 = arith.remsi %add3A, %select_n3A_20 : i32
    %ne3A_22 = arith.constant 0 : i32
    %ne3A_23 = arith.cmpi ne, %rem3A_21, %ne3A_22 : i32
    %lt3A = arith.constant 0 : i32
    %lt3A_24 = arith.cmpi slt, %rem3A_21, %lt3A : i32
    %lt3A_25 = arith.constant 0 : i32
    %lt3A_26 = arith.cmpi slt, %select_n3A_20, %lt3A_25 : i32
    %ne3A_27 = arith.xori %lt3A_24, %lt3A_26 : i1
    %and3A_28 = arith.andi %ne3A_27, %ne3A_23 : i1
    %add3A_29 = arith.addi %rem3A_21, %select_n3A_20 : i32
    %select_n3A_30 = arith.select %and3A_28, %add3A_29, %rem3A_21 : i32
    %mul3A_31 = arith.constant 16384 : i32
    %mul3A_32 = arith.muli %select_n3A, %mul3A_31 : i32
    %mul3A_33 = arith.constant 2048 : i32
    %mul3A_34 = arith.muli %select_n3A_30, %mul3A_33 : i32
    %add3A_35 = arith.addi %mul3A_32, %mul3A_34 : i32
    %mul3A_36 = arith.constant 17408 : i32
    %mul3A_37 = arith.muli %select_n3A, %mul3A_36 : i32
    %mul3A_38 = arith.constant 2048 : i32
    %mul3A_39 = arith.muli %select_n3A_30, %mul3A_38 : i32
    %add3A_40 = arith.addi %mul3A_37, %mul3A_39 : i32
    %add3A_41 = arith.constant 0 : i32
    %add3A_42 = arith.addi %add3A_35, %add3A_41 : i32
    "tpu.region"() ({
      %run_scoped3A = tpu.sem_alloc : memref<!tpu.dma_semaphore, #tpu.memory_space<semaphore_mem>>
      %dma_start3A_202 = tpu.memref_slice %arg3[%add3A_42] : memref<65536xi32, #tpu.memory_space<hbm>> -> memref<128xi32, #tpu.memory_space<hbm>>
      %dma_start3A_203 = tpu.memref_slice %arg3[%add3A_42] : memref<65536xi32, #tpu.memory_space<hbm>> -> memref<128xi32, #tpu.memory_space<hbm>>
      tpu.enqueue_dma source(%dma_start3A_203 : memref<128xi32, #tpu.memory_space<hbm>>) target(%arg6 : memref<128xi32, #tpu.memory_space<vmem>>) target_semaphore(%run_scoped3A : memref<!tpu.dma_semaphore, #tpu.memory_space<semaphore_mem>>)
      %dma_wait3A_204 = tpu.memref_slice %arg3[%add3A_42] : memref<65536xi32, #tpu.memory_space<hbm>> -> memref<128xi32, #tpu.memory_space<hbm>>
      %dma_wait3A_205 = tpu.memref_slice %arg3[%add3A_42] : memref<65536xi32, #tpu.memory_space<hbm>> -> memref<128xi32, #tpu.memory_space<hbm>>
      tpu.wait_dma2 semaphore(%run_scoped3A : memref<!tpu.dma_semaphore, #tpu.memory_space<semaphore_mem>>) src(%dma_wait3A_205 : memref<128xi32, #tpu.memory_space<hbm>>) dst(%arg6 : memref<128xi32, #tpu.memory_space<vmem>>)
      tpu.yield
    }) : () -> ()
    %dma_start3A = arith.constant 0 : i32
    %dma_start3A_43 = arith.constant 0 : i32
    %dma_start3A_44 = tpu.memref_slice %arg2[%dma_start3A, %dma_start3A_43] : memref<65536x128xf32, #tpu.memory_space<hbm>> -> memref<65536x128xf32, #tpu.memory_space<hbm>>
    tpu.enqueue_indirect_dma source(%dma_start3A_44 : memref<65536x128xf32, #tpu.memory_space<hbm>>) target(%arg7 : memref<128x128xf32, #tpu.memory_space<vmem>>) offsets(%arg6 : memref<128xi32, #tpu.memory_space<vmem>>) semaphore(%arg10 : memref<!tpu.dma_semaphore, #tpu.memory_space<semaphore_mem>>)
    %add3A_45 = arith.constant 128 : i32
    %add3A_46 = arith.addi %add3A_35, %add3A_45 : i32
    "tpu.region"() ({
      %run_scoped3A = tpu.sem_alloc : memref<!tpu.dma_semaphore, #tpu.memory_space<semaphore_mem>>
      %dma_start3A_202 = tpu.memref_slice %arg3[%add3A_46] : memref<65536xi32, #tpu.memory_space<hbm>> -> memref<128xi32, #tpu.memory_space<hbm>>
      %dma_start3A_203 = tpu.memref_slice %arg3[%add3A_46] : memref<65536xi32, #tpu.memory_space<hbm>> -> memref<128xi32, #tpu.memory_space<hbm>>
      tpu.enqueue_dma source(%dma_start3A_203 : memref<128xi32, #tpu.memory_space<hbm>>) target(%arg8 : memref<128xi32, #tpu.memory_space<vmem>>) target_semaphore(%run_scoped3A : memref<!tpu.dma_semaphore, #tpu.memory_space<semaphore_mem>>)
      %dma_wait3A_204 = tpu.memref_slice %arg3[%add3A_46] : memref<65536xi32, #tpu.memory_space<hbm>> -> memref<128xi32, #tpu.memory_space<hbm>>
      %dma_wait3A_205 = tpu.memref_slice %arg3[%add3A_46] : memref<65536xi32, #tpu.memory_space<hbm>> -> memref<128xi32, #tpu.memory_space<hbm>>
      tpu.wait_dma2 semaphore(%run_scoped3A : memref<!tpu.dma_semaphore, #tpu.memory_space<semaphore_mem>>) src(%dma_wait3A_205 : memref<128xi32, #tpu.memory_space<hbm>>) dst(%arg8 : memref<128xi32, #tpu.memory_space<vmem>>)
      tpu.yield
    }) : () -> ()
    %dma_start3A_47 = arith.constant 0 : i32
    %dma_start3A_48 = arith.constant 0 : i32
    %dma_start3A_49 = tpu.memref_slice %arg2[%dma_start3A_47, %dma_start3A_48] : memref<65536x128xf32, #tpu.memory_space<hbm>> -> memref<65536x128xf32, #tpu.memory_space<hbm>>
    tpu.enqueue_indirect_dma source(%dma_start3A_49 : memref<65536x128xf32, #tpu.memory_space<hbm>>) target(%arg9 : memref<128x128xf32, #tpu.memory_space<vmem>>) offsets(%arg8 : memref<128xi32, #tpu.memory_space<vmem>>) semaphore(%arg11 : memref<!tpu.dma_semaphore, #tpu.memory_space<semaphore_mem>>)
    %dma_wait3A = arith.constant 0 : i32
    %dma_wait3A_50 = arith.constant 0 : i32
    %dma_wait3A_51 = tpu.memref_slice %arg2[%dma_wait3A, %dma_wait3A_50] : memref<65536x128xf32, #tpu.memory_space<hbm>> -> memref<65536x128xf32, #tpu.memory_space<hbm>>
    tpu.wait_indirect_dma semaphore(%arg10 : memref<!tpu.dma_semaphore, #tpu.memory_space<semaphore_mem>>) src(%dma_wait3A_51 : memref<65536x128xf32, #tpu.memory_space<hbm>>) dst(%arg7 : memref<128x128xf32, #tpu.memory_space<vmem>>)
    %add3A_52 = arith.constant 0 : i32
    %add3A_53 = arith.addi %add3A_40, %add3A_52 : i32
    "tpu.region"() ({
      %run_scoped3A = tpu.sem_alloc : memref<!tpu.dma_semaphore, #tpu.memory_space<semaphore_mem>>
      %dma_start3A_202 = arith.constant 0 : i32
      %dma_start3A_203 = tpu.memref_slice %arg5[%add3A_53, %dma_start3A_202] : memref<69632x128xf32, #tpu.memory_space<hbm>> -> memref<128x128xf32, #tpu.memory_space<hbm>>
      %dma_start3A_204 = arith.constant 0 : i32
      %dma_start3A_205 = tpu.memref_slice %arg5[%add3A_53, %dma_start3A_204] : memref<69632x128xf32, #tpu.memory_space<hbm>> -> memref<128x128xf32, #tpu.memory_space<hbm>>
      tpu.enqueue_dma source(%arg7 : memref<128x128xf32, #tpu.memory_space<vmem>>) target(%dma_start3A_205 : memref<128x128xf32, #tpu.memory_space<hbm>>) target_semaphore(%run_scoped3A : memref<!tpu.dma_semaphore, #tpu.memory_space<semaphore_mem>>)
      %dma_wait3A_206 = arith.constant 0 : i32
      %dma_wait3A_207 = tpu.memref_slice %arg5[%add3A_53, %dma_wait3A_206] : memref<69632x128xf32, #tpu.memory_space<hbm>> -> memref<128x128xf32, #tpu.memory_space<hbm>>
      %dma_wait3A_208 = arith.constant 0 : i32
      %dma_wait3A_209 = tpu.memref_slice %arg5[%add3A_53, %dma_wait3A_208] : memref<69632x128xf32, #tpu.memory_space<hbm>> -> memref<128x128xf32, #tpu.memory_space<hbm>>
      tpu.wait_dma2 semaphore(%run_scoped3A : memref<!tpu.dma_semaphore, #tpu.memory_space<semaphore_mem>>) src(%arg7 : memref<128x128xf32, #tpu.memory_space<vmem>>) dst(%dma_wait3A_209 : memref<128x128xf32, #tpu.memory_space<hbm>>)
      tpu.yield
    }) : () -> ()
    %add3A_54 = arith.constant 256 : i32
    %add3A_55 = arith.addi %add3A_35, %add3A_54 : i32
    "tpu.region"() ({
      %run_scoped3A = tpu.sem_alloc : memref<!tpu.dma_semaphore, #tpu.memory_space<semaphore_mem>>
      %dma_start3A_202 = tpu.memref_slice %arg3[%add3A_55] : memref<65536xi32, #tpu.memory_space<hbm>> -> memref<128xi32, #tpu.memory_space<hbm>>
      %dma_start3A_203 = tpu.memref_slice %arg3[%add3A_55] : memref<65536xi32, #tpu.memory_space<hbm>> -> memref<128xi32, #tpu.memory_space<hbm>>
      tpu.enqueue_dma source(%dma_start3A_203 : memref<128xi32, #tpu.memory_space<hbm>>) target(%arg6 : memref<128xi32, #tpu.memory_space<vmem>>) target_semaphore(%run_scoped3A : memref<!tpu.dma_semaphore, #tpu.memory_space<semaphore_mem>>)
      %dma_wait3A_204 = tpu.memref_slice %arg3[%add3A_55] : memref<65536xi32, #tpu.memory_space<hbm>> -> memref<128xi32, #tpu.memory_space<hbm>>
      %dma_wait3A_205 = tpu.memref_slice %arg3[%add3A_55] : memref<65536xi32, #tpu.memory_space<hbm>> -> memref<128xi32, #tpu.memory_space<hbm>>
      tpu.wait_dma2 semaphore(%run_scoped3A : memref<!tpu.dma_semaphore, #tpu.memory_space<semaphore_mem>>) src(%dma_wait3A_205 : memref<128xi32, #tpu.memory_space<hbm>>) dst(%arg6 : memref<128xi32, #tpu.memory_space<vmem>>)
      tpu.yield
    }) : () -> ()
    %dma_start3A_56 = arith.constant 0 : i32
    %dma_start3A_57 = arith.constant 0 : i32
    %dma_start3A_58 = tpu.memref_slice %arg2[%dma_start3A_56, %dma_start3A_57] : memref<65536x128xf32, #tpu.memory_space<hbm>> -> memref<65536x128xf32, #tpu.memory_space<hbm>>
    tpu.enqueue_indirect_dma source(%dma_start3A_58 : memref<65536x128xf32, #tpu.memory_space<hbm>>) target(%arg7 : memref<128x128xf32, #tpu.memory_space<vmem>>) offsets(%arg6 : memref<128xi32, #tpu.memory_space<vmem>>) semaphore(%arg10 : memref<!tpu.dma_semaphore, #tpu.memory_space<semaphore_mem>>)
    %dma_wait3A_59 = arith.constant 0 : i32
    %dma_wait3A_60 = arith.constant 0 : i32
    %dma_wait3A_61 = tpu.memref_slice %arg2[%dma_wait3A_59, %dma_wait3A_60] : memref<65536x128xf32, #tpu.memory_space<hbm>> -> memref<65536x128xf32, #tpu.memory_space<hbm>>
    tpu.wait_indirect_dma semaphore(%arg11 : memref<!tpu.dma_semaphore, #tpu.memory_space<semaphore_mem>>) src(%dma_wait3A_61 : memref<65536x128xf32, #tpu.memory_space<hbm>>) dst(%arg9 : memref<128x128xf32, #tpu.memory_space<vmem>>)
    %add3A_62 = arith.constant 128 : i32
    %add3A_63 = arith.addi %add3A_40, %add3A_62 : i32
    "tpu.region"() ({
      %run_scoped3A = tpu.sem_alloc : memref<!tpu.dma_semaphore, #tpu.memory_space<semaphore_mem>>
      %dma_start3A_202 = arith.constant 0 : i32
      %dma_start3A_203 = tpu.memref_slice %arg5[%add3A_63, %dma_start3A_202] : memref<69632x128xf32, #tpu.memory_space<hbm>> -> memref<128x128xf32, #tpu.memory_space<hbm>>
      %dma_start3A_204 = arith.constant 0 : i32
      %dma_start3A_205 = tpu.memref_slice %arg5[%add3A_63, %dma_start3A_204] : memref<69632x128xf32, #tpu.memory_space<hbm>> -> memref<128x128xf32, #tpu.memory_space<hbm>>
      tpu.enqueue_dma source(%arg9 : memref<128x128xf32, #tpu.memory_space<vmem>>) target(%dma_start3A_205 : memref<128x128xf32, #tpu.memory_space<hbm>>) target_semaphore(%run_scoped3A : memref<!tpu.dma_semaphore, #tpu.memory_space<semaphore_mem>>)
      %dma_wait3A_206 = arith.constant 0 : i32
      %dma_wait3A_207 = tpu.memref_slice %arg5[%add3A_63, %dma_wait3A_206] : memref<69632x128xf32, #tpu.memory_space<hbm>> -> memref<128x128xf32, #tpu.memory_space<hbm>>
      %dma_wait3A_208 = arith.constant 0 : i32
      %dma_wait3A_209 = tpu.memref_slice %arg5[%add3A_63, %dma_wait3A_208] : memref<69632x128xf32, #tpu.memory_space<hbm>> -> memref<128x128xf32, #tpu.memory_space<hbm>>
      tpu.wait_dma2 semaphore(%run_scoped3A : memref<!tpu.dma_semaphore, #tpu.memory_space<semaphore_mem>>) src(%arg9 : memref<128x128xf32, #tpu.memory_space<vmem>>) dst(%dma_wait3A_209 : memref<128x128xf32, #tpu.memory_space<hbm>>)
      tpu.yield
    }) : () -> ()
    %add3A_64 = arith.constant 384 : i32
    %add3A_65 = arith.addi %add3A_35, %add3A_64 : i32
    "tpu.region"() ({
      %run_scoped3A = tpu.sem_alloc : memref<!tpu.dma_semaphore, #tpu.memory_space<semaphore_mem>>
      %dma_start3A_202 = tpu.memref_slice %arg3[%add3A_65] : memref<65536xi32, #tpu.memory_space<hbm>> -> memref<128xi32, #tpu.memory_space<hbm>>
      %dma_start3A_203 = tpu.memref_slice %arg3[%add3A_65] : memref<65536xi32, #tpu.memory_space<hbm>> -> memref<128xi32, #tpu.memory_space<hbm>>
      tpu.enqueue_dma source(%dma_start3A_203 : memref<128xi32, #tpu.memory_space<hbm>>) target(%arg8 : memref<128xi32, #tpu.memory_space<vmem>>) target_semaphore(%run_scoped3A : memref<!tpu.dma_semaphore, #tpu.memory_space<semaphore_mem>>)
      %dma_wait3A_204 = tpu.memref_slice %arg3[%add3A_65] : memref<65536xi32, #tpu.memory_space<hbm>> -> memref<128xi32, #tpu.memory_space<hbm>>
      %dma_wait3A_205 = tpu.memref_slice %arg3[%add3A_65] : memref<65536xi32, #tpu.memory_space<hbm>> -> memref<128xi32, #tpu.memory_space<hbm>>
      tpu.wait_dma2 semaphore(%run_scoped3A : memref<!tpu.dma_semaphore, #tpu.memory_space<semaphore_mem>>) src(%dma_wait3A_205 : memref<128xi32, #tpu.memory_space<hbm>>) dst(%arg8 : memref<128xi32, #tpu.memory_space<vmem>>)
      tpu.yield
    }) : () -> ()
    %dma_start3A_66 = arith.constant 0 : i32
    %dma_start3A_67 = arith.constant 0 : i32
    %dma_start3A_68 = tpu.memref_slice %arg2[%dma_start3A_66, %dma_start3A_67] : memref<65536x128xf32, #tpu.memory_space<hbm>> -> memref<65536x128xf32, #tpu.memory_space<hbm>>
    tpu.enqueue_indirect_dma source(%dma_start3A_68 : memref<65536x128xf32, #tpu.memory_space<hbm>>) target(%arg9 : memref<128x128xf32, #tpu.memory_space<vmem>>) offsets(%arg8 : memref<128xi32, #tpu.memory_space<vmem>>) semaphore(%arg11 : memref<!tpu.dma_semaphore, #tpu.memory_space<semaphore_mem>>)
    %dma_wait3A_69 = arith.constant 0 : i32
    %dma_wait3A_70 = arith.constant 0 : i32
    %dma_wait3A_71 = tpu.memref_slice %arg2[%dma_wait3A_69, %dma_wait3A_70] : memref<65536x128xf32, #tpu.memory_space<hbm>> -> memref<65536x128xf32, #tpu.memory_space<hbm>>
    tpu.wait_indirect_dma semaphore(%arg10 : memref<!tpu.dma_semaphore, #tpu.memory_space<semaphore_mem>>) src(%dma_wait3A_71 : memref<65536x128xf32, #tpu.memory_space<hbm>>) dst(%arg7 : memref<128x128xf32, #tpu.memory_space<vmem>>)
    %add3A_72 = arith.constant 256 : i32
    %add3A_73 = arith.addi %add3A_40, %add3A_72 : i32
    "tpu.region"() ({
      %run_scoped3A = tpu.sem_alloc : memref<!tpu.dma_semaphore, #tpu.memory_space<semaphore_mem>>
      %dma_start3A_202 = arith.constant 0 : i32
      %dma_start3A_203 = tpu.memref_slice %arg5[%add3A_73, %dma_start3A_202] : memref<69632x128xf32, #tpu.memory_space<hbm>> -> memref<128x128xf32, #tpu.memory_space<hbm>>
      %dma_start3A_204 = arith.constant 0 : i32
      %dma_start3A_205 = tpu.memref_slice %arg5[%add3A_73, %dma_start3A_204] : memref<69632x128xf32, #tpu.memory_space<hbm>> -> memref<128x128xf32, #tpu.memory_space<hbm>>
      tpu.enqueue_dma source(%arg7 : memref<128x128xf32, #tpu.memory_space<vmem>>) target(%dma_start3A_205 : memref<128x128xf32, #tpu.memory_space<hbm>>) target_semaphore(%run_scoped3A : memref<!tpu.dma_semaphore, #tpu.memory_space<semaphore_mem>>)
      %dma_wait3A_206 = arith.constant 0 : i32
      %dma_wait3A_207 = tpu.memref_slice %arg5[%add3A_73, %dma_wait3A_206] : memref<69632x128xf32, #tpu.memory_space<hbm>> -> memref<128x128xf32, #tpu.memory_space<hbm>>
      %dma_wait3A_208 = arith.constant 0 : i32
      %dma_wait3A_209 = tpu.memref_slice %arg5[%add3A_73, %dma_wait3A_208] : memref<69632x128xf32, #tpu.memory_space<hbm>> -> memref<128x128xf32, #tpu.memory_space<hbm>>
      tpu.wait_dma2 semaphore(%run_scoped3A : memref<!tpu.dma_semaphore, #tpu.memory_space<semaphore_mem>>) src(%arg7 : memref<128x128xf32, #tpu.memory_space<vmem>>) dst(%dma_wait3A_209 : memref<128x128xf32, #tpu.memory_space<hbm>>)
      tpu.yield
    }) : () -> ()
    %add3A_74 = arith.constant 512 : i32
    %add3A_75 = arith.addi %add3A_35, %add3A_74 : i32
    "tpu.region"() ({
      %run_scoped3A = tpu.sem_alloc : memref<!tpu.dma_semaphore, #tpu.memory_space<semaphore_mem>>
      %dma_start3A_202 = tpu.memref_slice %arg3[%add3A_75] : memref<65536xi32, #tpu.memory_space<hbm>> -> memref<128xi32, #tpu.memory_space<hbm>>
      %dma_start3A_203 = tpu.memref_slice %arg3[%add3A_75] : memref<65536xi32, #tpu.memory_space<hbm>> -> memref<128xi32, #tpu.memory_space<hbm>>
      tpu.enqueue_dma source(%dma_start3A_203 : memref<128xi32, #tpu.memory_space<hbm>>) target(%arg6 : memref<128xi32, #tpu.memory_space<vmem>>) target_semaphore(%run_scoped3A : memref<!tpu.dma_semaphore, #tpu.memory_space<semaphore_mem>>)
      %dma_wait3A_204 = tpu.memref_slice %arg3[%add3A_75] : memref<65536xi32, #tpu.memory_space<hbm>> -> memref<128xi32, #tpu.memory_space<hbm>>
      %dma_wait3A_205 = tpu.memref_slice %arg3[%add3A_75] : memref<65536xi32, #tpu.memory_space<hbm>> -> memref<128xi32, #tpu.memory_space<hbm>>
      tpu.wait_dma2 semaphore(%run_scoped3A : memref<!tpu.dma_semaphore, #tpu.memory_space<semaphore_mem>>) src(%dma_wait3A_205 : memref<128xi32, #tpu.memory_space<hbm>>) dst(%arg6 : memref<128xi32, #tpu.memory_space<vmem>>)
      tpu.yield
    }) : () -> ()
    %dma_start3A_76 = arith.constant 0 : i32
    %dma_start3A_77 = arith.constant 0 : i32
    %dma_start3A_78 = tpu.memref_slice %arg2[%dma_start3A_76, %dma_start3A_77] : memref<65536x128xf32, #tpu.memory_space<hbm>> -> memref<65536x128xf32, #tpu.memory_space<hbm>>
    tpu.enqueue_indirect_dma source(%dma_start3A_78 : memref<65536x128xf32, #tpu.memory_space<hbm>>) target(%arg7 : memref<128x128xf32, #tpu.memory_space<vmem>>) offsets(%arg6 : memref<128xi32, #tpu.memory_space<vmem>>) semaphore(%arg10 : memref<!tpu.dma_semaphore, #tpu.memory_space<semaphore_mem>>)
    %dma_wait3A_79 = arith.constant 0 : i32
    %dma_wait3A_80 = arith.constant 0 : i32
    %dma_wait3A_81 = tpu.memref_slice %arg2[%dma_wait3A_79, %dma_wait3A_80] : memref<65536x128xf32, #tpu.memory_space<hbm>> -> memref<65536x128xf32, #tpu.memory_space<hbm>>
    tpu.wait_indirect_dma semaphore(%arg11 : memref<!tpu.dma_semaphore, #tpu.memory_space<semaphore_mem>>) src(%dma_wait3A_81 : memref<65536x128xf32, #tpu.memory_space<hbm>>) dst(%arg9 : memref<128x128xf32, #tpu.memory_space<vmem>>)
    %add3A_82 = arith.constant 384 : i32
    %add3A_83 = arith.addi %add3A_40, %add3A_82 : i32
    "tpu.region"() ({
      %run_scoped3A = tpu.sem_alloc : memref<!tpu.dma_semaphore, #tpu.memory_space<semaphore_mem>>
      %dma_start3A_202 = arith.constant 0 : i32
      %dma_start3A_203 = tpu.memref_slice %arg5[%add3A_83, %dma_start3A_202] : memref<69632x128xf32, #tpu.memory_space<hbm>> -> memref<128x128xf32, #tpu.memory_space<hbm>>
      %dma_start3A_204 = arith.constant 0 : i32
      %dma_start3A_205 = tpu.memref_slice %arg5[%add3A_83, %dma_start3A_204] : memref<69632x128xf32, #tpu.memory_space<hbm>> -> memref<128x128xf32, #tpu.memory_space<hbm>>
      tpu.enqueue_dma source(%arg9 : memref<128x128xf32, #tpu.memory_space<vmem>>) target(%dma_start3A_205 : memref<128x128xf32, #tpu.memory_space<hbm>>) target_semaphore(%run_scoped3A : memref<!tpu.dma_semaphore, #tpu.memory_space<semaphore_mem>>)
      %dma_wait3A_206 = arith.constant 0 : i32
      %dma_wait3A_207 = tpu.memref_slice %arg5[%add3A_83, %dma_wait3A_206] : memref<69632x128xf32, #tpu.memory_space<hbm>> -> memref<128x128xf32, #tpu.memory_space<hbm>>
      %dma_wait3A_208 = arith.constant 0 : i32
      %dma_wait3A_209 = tpu.memref_slice %arg5[%add3A_83, %dma_wait3A_208] : memref<69632x128xf32, #tpu.memory_space<hbm>> -> memref<128x128xf32, #tpu.memory_space<hbm>>
      tpu.wait_dma2 semaphore(%run_scoped3A : memref<!tpu.dma_semaphore, #tpu.memory_space<semaphore_mem>>) src(%arg9 : memref<128x128xf32, #tpu.memory_space<vmem>>) dst(%dma_wait3A_209 : memref<128x128xf32, #tpu.memory_space<hbm>>)
      tpu.yield
    }) : () -> ()
    %add3A_84 = arith.constant 640 : i32
    %add3A_85 = arith.addi %add3A_35, %add3A_84 : i32
    "tpu.region"() ({
      %run_scoped3A = tpu.sem_alloc : memref<!tpu.dma_semaphore, #tpu.memory_space<semaphore_mem>>
      %dma_start3A_202 = tpu.memref_slice %arg3[%add3A_85] : memref<65536xi32, #tpu.memory_space<hbm>> -> memref<128xi32, #tpu.memory_space<hbm>>
      %dma_start3A_203 = tpu.memref_slice %arg3[%add3A_85] : memref<65536xi32, #tpu.memory_space<hbm>> -> memref<128xi32, #tpu.memory_space<hbm>>
      tpu.enqueue_dma source(%dma_start3A_203 : memref<128xi32, #tpu.memory_space<hbm>>) target(%arg8 : memref<128xi32, #tpu.memory_space<vmem>>) target_semaphore(%run_scoped3A : memref<!tpu.dma_semaphore, #tpu.memory_space<semaphore_mem>>)
      %dma_wait3A_204 = tpu.memref_slice %arg3[%add3A_85] : memref<65536xi32, #tpu.memory_space<hbm>> -> memref<128xi32, #tpu.memory_space<hbm>>
      %dma_wait3A_205 = tpu.memref_slice %arg3[%add3A_85] : memref<65536xi32, #tpu.memory_space<hbm>> -> memref<128xi32, #tpu.memory_space<hbm>>
      tpu.wait_dma2 semaphore(%run_scoped3A : memref<!tpu.dma_semaphore, #tpu.memory_space<semaphore_mem>>) src(%dma_wait3A_205 : memref<128xi32, #tpu.memory_space<hbm>>) dst(%arg8 : memref<128xi32, #tpu.memory_space<vmem>>)
      tpu.yield
    }) : () -> ()
    %dma_start3A_86 = arith.constant 0 : i32
    %dma_start3A_87 = arith.constant 0 : i32
    %dma_start3A_88 = tpu.memref_slice %arg2[%dma_start3A_86, %dma_start3A_87] : memref<65536x128xf32, #tpu.memory_space<hbm>> -> memref<65536x128xf32, #tpu.memory_space<hbm>>
    tpu.enqueue_indirect_dma source(%dma_start3A_88 : memref<65536x128xf32, #tpu.memory_space<hbm>>) target(%arg9 : memref<128x128xf32, #tpu.memory_space<vmem>>) offsets(%arg8 : memref<128xi32, #tpu.memory_space<vmem>>) semaphore(%arg11 : memref<!tpu.dma_semaphore, #tpu.memory_space<semaphore_mem>>)
    %dma_wait3A_89 = arith.constant 0 : i32
    %dma_wait3A_90 = arith.constant 0 : i32
    %dma_wait3A_91 = tpu.memref_slice %arg2[%dma_wait3A_89, %dma_wait3A_90] : memref<65536x128xf32, #tpu.memory_space<hbm>> -> memref<65536x128xf32, #tpu.memory_space<hbm>>
    tpu.wait_indirect_dma semaphore(%arg10 : memref<!tpu.dma_semaphore, #tpu.memory_space<semaphore_mem>>) src(%dma_wait3A_91 : memref<65536x128xf32, #tpu.memory_space<hbm>>) dst(%arg7 : memref<128x128xf32, #tpu.memory_space<vmem>>)
    %add3A_92 = arith.constant 512 : i32
    %add3A_93 = arith.addi %add3A_40, %add3A_92 : i32
    "tpu.region"() ({
      %run_scoped3A = tpu.sem_alloc : memref<!tpu.dma_semaphore, #tpu.memory_space<semaphore_mem>>
      %dma_start3A_202 = arith.constant 0 : i32
      %dma_start3A_203 = tpu.memref_slice %arg5[%add3A_93, %dma_start3A_202] : memref<69632x128xf32, #tpu.memory_space<hbm>> -> memref<128x128xf32, #tpu.memory_space<hbm>>
      %dma_start3A_204 = arith.constant 0 : i32
      %dma_start3A_205 = tpu.memref_slice %arg5[%add3A_93, %dma_start3A_204] : memref<69632x128xf32, #tpu.memory_space<hbm>> -> memref<128x128xf32, #tpu.memory_space<hbm>>
      tpu.enqueue_dma source(%arg7 : memref<128x128xf32, #tpu.memory_space<vmem>>) target(%dma_start3A_205 : memref<128x128xf32, #tpu.memory_space<hbm>>) target_semaphore(%run_scoped3A : memref<!tpu.dma_semaphore, #tpu.memory_space<semaphore_mem>>)
      %dma_wait3A_206 = arith.constant 0 : i32
      %dma_wait3A_207 = tpu.memref_slice %arg5[%add3A_93, %dma_wait3A_206] : memref<69632x128xf32, #tpu.memory_space<hbm>> -> memref<128x128xf32, #tpu.memory_space<hbm>>
      %dma_wait3A_208 = arith.constant 0 : i32
      %dma_wait3A_209 = tpu.memref_slice %arg5[%add3A_93, %dma_wait3A_208] : memref<69632x128xf32, #tpu.memory_space<hbm>> -> memref<128x128xf32, #tpu.memory_space<hbm>>
      tpu.wait_dma2 semaphore(%run_scoped3A : memref<!tpu.dma_semaphore, #tpu.memory_space<semaphore_mem>>) src(%arg7 : memref<128x128xf32, #tpu.memory_space<vmem>>) dst(%dma_wait3A_209 : memref<128x128xf32, #tpu.memory_space<hbm>>)
      tpu.yield
    }) : () -> ()
    %add3A_94 = arith.constant 768 : i32
    %add3A_95 = arith.addi %add3A_35, %add3A_94 : i32
    "tpu.region"() ({
      %run_scoped3A = tpu.sem_alloc : memref<!tpu.dma_semaphore, #tpu.memory_space<semaphore_mem>>
      %dma_start3A_202 = tpu.memref_slice %arg3[%add3A_95] : memref<65536xi32, #tpu.memory_space<hbm>> -> memref<128xi32, #tpu.memory_space<hbm>>
      %dma_start3A_203 = tpu.memref_slice %arg3[%add3A_95] : memref<65536xi32, #tpu.memory_space<hbm>> -> memref<128xi32, #tpu.memory_space<hbm>>
      tpu.enqueue_dma source(%dma_start3A_203 : memref<128xi32, #tpu.memory_space<hbm>>) target(%arg6 : memref<128xi32, #tpu.memory_space<vmem>>) target_semaphore(%run_scoped3A : memref<!tpu.dma_semaphore, #tpu.memory_space<semaphore_mem>>)
      %dma_wait3A_204 = tpu.memref_slice %arg3[%add3A_95] : memref<65536xi32, #tpu.memory_space<hbm>> -> memref<128xi32, #tpu.memory_space<hbm>>
      %dma_wait3A_205 = tpu.memref_slice %arg3[%add3A_95] : memref<65536xi32, #tpu.memory_space<hbm>> -> memref<128xi32, #tpu.memory_space<hbm>>
      tpu.wait_dma2 semaphore(%run_scoped3A : memref<!tpu.dma_semaphore, #tpu.memory_space<semaphore_mem>>) src(%dma_wait3A_205 : memref<128xi32, #tpu.memory_space<hbm>>) dst(%arg6 : memref<128xi32, #tpu.memory_space<vmem>>)
      tpu.yield
    }) : () -> ()
    %dma_start3A_96 = arith.constant 0 : i32
    %dma_start3A_97 = arith.constant 0 : i32
    %dma_start3A_98 = tpu.memref_slice %arg2[%dma_start3A_96, %dma_start3A_97] : memref<65536x128xf32, #tpu.memory_space<hbm>> -> memref<65536x128xf32, #tpu.memory_space<hbm>>
    tpu.enqueue_indirect_dma source(%dma_start3A_98 : memref<65536x128xf32, #tpu.memory_space<hbm>>) target(%arg7 : memref<128x128xf32, #tpu.memory_space<vmem>>) offsets(%arg6 : memref<128xi32, #tpu.memory_space<vmem>>) semaphore(%arg10 : memref<!tpu.dma_semaphore, #tpu.memory_space<semaphore_mem>>)
    %dma_wait3A_99 = arith.constant 0 : i32
    %dma_wait3A_100 = arith.constant 0 : i32
    %dma_wait3A_101 = tpu.memref_slice %arg2[%dma_wait3A_99, %dma_wait3A_100] : memref<65536x128xf32, #tpu.memory_space<hbm>> -> memref<65536x128xf32, #tpu.memory_space<hbm>>
    tpu.wait_indirect_dma semaphore(%arg11 : memref<!tpu.dma_semaphore, #tpu.memory_space<semaphore_mem>>) src(%dma_wait3A_101 : memref<65536x128xf32, #tpu.memory_space<hbm>>) dst(%arg9 : memref<128x128xf32, #tpu.memory_space<vmem>>)
    %add3A_102 = arith.constant 640 : i32
    %add3A_103 = arith.addi %add3A_40, %add3A_102 : i32
    "tpu.region"() ({
      %run_scoped3A = tpu.sem_alloc : memref<!tpu.dma_semaphore, #tpu.memory_space<semaphore_mem>>
      %dma_start3A_202 = arith.constant 0 : i32
      %dma_start3A_203 = tpu.memref_slice %arg5[%add3A_103, %dma_start3A_202] : memref<69632x128xf32, #tpu.memory_space<hbm>> -> memref<128x128xf32, #tpu.memory_space<hbm>>
      %dma_start3A_204 = arith.constant 0 : i32
      %dma_start3A_205 = tpu.memref_slice %arg5[%add3A_103, %dma_start3A_204] : memref<69632x128xf32, #tpu.memory_space<hbm>> -> memref<128x128xf32, #tpu.memory_space<hbm>>
      tpu.enqueue_dma source(%arg9 : memref<128x128xf32, #tpu.memory_space<vmem>>) target(%dma_start3A_205 : memref<128x128xf32, #tpu.memory_space<hbm>>) target_semaphore(%run_scoped3A : memref<!tpu.dma_semaphore, #tpu.memory_space<semaphore_mem>>)
      %dma_wait3A_206 = arith.constant 0 : i32
      %dma_wait3A_207 = tpu.memref_slice %arg5[%add3A_103, %dma_wait3A_206] : memref<69632x128xf32, #tpu.memory_space<hbm>> -> memref<128x128xf32, #tpu.memory_space<hbm>>
      %dma_wait3A_208 = arith.constant 0 : i32
      %dma_wait3A_209 = tpu.memref_slice %arg5[%add3A_103, %dma_wait3A_208] : memref<69632x128xf32, #tpu.memory_space<hbm>> -> memref<128x128xf32, #tpu.memory_space<hbm>>
      tpu.wait_dma2 semaphore(%run_scoped3A : memref<!tpu.dma_semaphore, #tpu.memory_space<semaphore_mem>>) src(%arg9 : memref<128x128xf32, #tpu.memory_space<vmem>>) dst(%dma_wait3A_209 : memref<128x128xf32, #tpu.memory_space<hbm>>)
      tpu.yield
    }) : () -> ()
    %add3A_104 = arith.constant 896 : i32
    %add3A_105 = arith.addi %add3A_35, %add3A_104 : i32
    "tpu.region"() ({
      %run_scoped3A = tpu.sem_alloc : memref<!tpu.dma_semaphore, #tpu.memory_space<semaphore_mem>>
      %dma_start3A_202 = tpu.memref_slice %arg3[%add3A_105] : memref<65536xi32, #tpu.memory_space<hbm>> -> memref<128xi32, #tpu.memory_space<hbm>>
      %dma_start3A_203 = tpu.memref_slice %arg3[%add3A_105] : memref<65536xi32, #tpu.memory_space<hbm>> -> memref<128xi32, #tpu.memory_space<hbm>>
      tpu.enqueue_dma source(%dma_start3A_203 : memref<128xi32, #tpu.memory_space<hbm>>) target(%arg8 : memref<128xi32, #tpu.memory_space<vmem>>) target_semaphore(%run_scoped3A : memref<!tpu.dma_semaphore, #tpu.memory_space<semaphore_mem>>)
      %dma_wait3A_204 = tpu.memref_slice %arg3[%add3A_105] : memref<65536xi32, #tpu.memory_space<hbm>> -> memref<128xi32, #tpu.memory_space<hbm>>
      %dma_wait3A_205 = tpu.memref_slice %arg3[%add3A_105] : memref<65536xi32, #tpu.memory_space<hbm>> -> memref<128xi32, #tpu.memory_space<hbm>>
      tpu.wait_dma2 semaphore(%run_scoped3A : memref<!tpu.dma_semaphore, #tpu.memory_space<semaphore_mem>>) src(%dma_wait3A_205 : memref<128xi32, #tpu.memory_space<hbm>>) dst(%arg8 : memref<128xi32, #tpu.memory_space<vmem>>)
      tpu.yield
    }) : () -> ()
    %dma_start3A_106 = arith.constant 0 : i32
    %dma_start3A_107 = arith.constant 0 : i32
    %dma_start3A_108 = tpu.memref_slice %arg2[%dma_start3A_106, %dma_start3A_107] : memref<65536x128xf32, #tpu.memory_space<hbm>> -> memref<65536x128xf32, #tpu.memory_space<hbm>>
    tpu.enqueue_indirect_dma source(%dma_start3A_108 : memref<65536x128xf32, #tpu.memory_space<hbm>>) target(%arg9 : memref<128x128xf32, #tpu.memory_space<vmem>>) offsets(%arg8 : memref<128xi32, #tpu.memory_space<vmem>>) semaphore(%arg11 : memref<!tpu.dma_semaphore, #tpu.memory_space<semaphore_mem>>)
    %dma_wait3A_109 = arith.constant 0 : i32
    %dma_wait3A_110 = arith.constant 0 : i32
    %dma_wait3A_111 = tpu.memref_slice %arg2[%dma_wait3A_109, %dma_wait3A_110] : memref<65536x128xf32, #tpu.memory_space<hbm>> -> memref<65536x128xf32, #tpu.memory_space<hbm>>
    tpu.wait_indirect_dma semaphore(%arg10 : memref<!tpu.dma_semaphore, #tpu.memory_space<semaphore_mem>>) src(%dma_wait3A_111 : memref<65536x128xf32, #tpu.memory_space<hbm>>) dst(%arg7 : memref<128x128xf32, #tpu.memory_space<vmem>>)
    %add3A_112 = arith.constant 768 : i32
    %add3A_113 = arith.addi %add3A_40, %add3A_112 : i32
    "tpu.region"() ({
      %run_scoped3A = tpu.sem_alloc : memref<!tpu.dma_semaphore, #tpu.memory_space<semaphore_mem>>
      %dma_start3A_202 = arith.constant 0 : i32
      %dma_start3A_203 = tpu.memref_slice %arg5[%add3A_113, %dma_start3A_202] : memref<69632x128xf32, #tpu.memory_space<hbm>> -> memref<128x128xf32, #tpu.memory_space<hbm>>
      %dma_start3A_204 = arith.constant 0 : i32
      %dma_start3A_205 = tpu.memref_slice %arg5[%add3A_113, %dma_start3A_204] : memref<69632x128xf32, #tpu.memory_space<hbm>> -> memref<128x128xf32, #tpu.memory_space<hbm>>
      tpu.enqueue_dma source(%arg7 : memref<128x128xf32, #tpu.memory_space<vmem>>) target(%dma_start3A_205 : memref<128x128xf32, #tpu.memory_space<hbm>>) target_semaphore(%run_scoped3A : memref<!tpu.dma_semaphore, #tpu.memory_space<semaphore_mem>>)
      %dma_wait3A_206 = arith.constant 0 : i32
      %dma_wait3A_207 = tpu.memref_slice %arg5[%add3A_113, %dma_wait3A_206] : memref<69632x128xf32, #tpu.memory_space<hbm>> -> memref<128x128xf32, #tpu.memory_space<hbm>>
      %dma_wait3A_208 = arith.constant 0 : i32
      %dma_wait3A_209 = tpu.memref_slice %arg5[%add3A_113, %dma_wait3A_208] : memref<69632x128xf32, #tpu.memory_space<hbm>> -> memref<128x128xf32, #tpu.memory_space<hbm>>
      tpu.wait_dma2 semaphore(%run_scoped3A : memref<!tpu.dma_semaphore, #tpu.memory_space<semaphore_mem>>) src(%arg7 : memref<128x128xf32, #tpu.memory_space<vmem>>) dst(%dma_wait3A_209 : memref<128x128xf32, #tpu.memory_space<hbm>>)
      tpu.yield
    }) : () -> ()
    %add3A_114 = arith.constant 1024 : i32
    %add3A_115 = arith.addi %add3A_35, %add3A_114 : i32
    "tpu.region"() ({
      %run_scoped3A = tpu.sem_alloc : memref<!tpu.dma_semaphore, #tpu.memory_space<semaphore_mem>>
      %dma_start3A_202 = tpu.memref_slice %arg3[%add3A_115] : memref<65536xi32, #tpu.memory_space<hbm>> -> memref<128xi32, #tpu.memory_space<hbm>>
      %dma_start3A_203 = tpu.memref_slice %arg3[%add3A_115] : memref<65536xi32, #tpu.memory_space<hbm>> -> memref<128xi32, #tpu.memory_space<hbm>>
      tpu.enqueue_dma source(%dma_start3A_203 : memref<128xi32, #tpu.memory_space<hbm>>) target(%arg6 : memref<128xi32, #tpu.memory_space<vmem>>) target_semaphore(%run_scoped3A : memref<!tpu.dma_semaphore, #tpu.memory_space<semaphore_mem>>)
      %dma_wait3A_204 = tpu.memref_slice %arg3[%add3A_115] : memref<65536xi32, #tpu.memory_space<hbm>> -> memref<128xi32, #tpu.memory_space<hbm>>
      %dma_wait3A_205 = tpu.memref_slice %arg3[%add3A_115] : memref<65536xi32, #tpu.memory_space<hbm>> -> memref<128xi32, #tpu.memory_space<hbm>>
      tpu.wait_dma2 semaphore(%run_scoped3A : memref<!tpu.dma_semaphore, #tpu.memory_space<semaphore_mem>>) src(%dma_wait3A_205 : memref<128xi32, #tpu.memory_space<hbm>>) dst(%arg6 : memref<128xi32, #tpu.memory_space<vmem>>)
      tpu.yield
    }) : () -> ()
    %dma_start3A_116 = arith.constant 0 : i32
    %dma_start3A_117 = arith.constant 0 : i32
    %dma_start3A_118 = tpu.memref_slice %arg2[%dma_start3A_116, %dma_start3A_117] : memref<65536x128xf32, #tpu.memory_space<hbm>> -> memref<65536x128xf32, #tpu.memory_space<hbm>>
    tpu.enqueue_indirect_dma source(%dma_start3A_118 : memref<65536x128xf32, #tpu.memory_space<hbm>>) target(%arg7 : memref<128x128xf32, #tpu.memory_space<vmem>>) offsets(%arg6 : memref<128xi32, #tpu.memory_space<vmem>>) semaphore(%arg10 : memref<!tpu.dma_semaphore, #tpu.memory_space<semaphore_mem>>)
    %dma_wait3A_119 = arith.constant 0 : i32
    %dma_wait3A_120 = arith.constant 0 : i32
    %dma_wait3A_121 = tpu.memref_slice %arg2[%dma_wait3A_119, %dma_wait3A_120] : memref<65536x128xf32, #tpu.memory_space<hbm>> -> memref<65536x128xf32, #tpu.memory_space<hbm>>
    tpu.wait_indirect_dma semaphore(%arg11 : memref<!tpu.dma_semaphore, #tpu.memory_space<semaphore_mem>>) src(%dma_wait3A_121 : memref<65536x128xf32, #tpu.memory_space<hbm>>) dst(%arg9 : memref<128x128xf32, #tpu.memory_space<vmem>>)
    %add3A_122 = arith.constant 896 : i32
    %add3A_123 = arith.addi %add3A_40, %add3A_122 : i32
    "tpu.region"() ({
      %run_scoped3A = tpu.sem_alloc : memref<!tpu.dma_semaphore, #tpu.memory_space<semaphore_mem>>
      %dma_start3A_202 = arith.constant 0 : i32
      %dma_start3A_203 = tpu.memref_slice %arg5[%add3A_123, %dma_start3A_202] : memref<69632x128xf32, #tpu.memory_space<hbm>> -> memref<128x128xf32, #tpu.memory_space<hbm>>
      %dma_start3A_204 = arith.constant 0 : i32
      %dma_start3A_205 = tpu.memref_slice %arg5[%add3A_123, %dma_start3A_204] : memref<69632x128xf32, #tpu.memory_space<hbm>> -> memref<128x128xf32, #tpu.memory_space<hbm>>
      tpu.enqueue_dma source(%arg9 : memref<128x128xf32, #tpu.memory_space<vmem>>) target(%dma_start3A_205 : memref<128x128xf32, #tpu.memory_space<hbm>>) target_semaphore(%run_scoped3A : memref<!tpu.dma_semaphore, #tpu.memory_space<semaphore_mem>>)
      %dma_wait3A_206 = arith.constant 0 : i32
      %dma_wait3A_207 = tpu.memref_slice %arg5[%add3A_123, %dma_wait3A_206] : memref<69632x128xf32, #tpu.memory_space<hbm>> -> memref<128x128xf32, #tpu.memory_space<hbm>>
      %dma_wait3A_208 = arith.constant 0 : i32
      %dma_wait3A_209 = tpu.memref_slice %arg5[%add3A_123, %dma_wait3A_208] : memref<69632x128xf32, #tpu.memory_space<hbm>> -> memref<128x128xf32, #tpu.memory_space<hbm>>
      tpu.wait_dma2 semaphore(%run_scoped3A : memref<!tpu.dma_semaphore, #tpu.memory_space<semaphore_mem>>) src(%arg9 : memref<128x128xf32, #tpu.memory_space<vmem>>) dst(%dma_wait3A_209 : memref<128x128xf32, #tpu.memory_space<hbm>>)
      tpu.yield
    }) : () -> ()
    %add3A_124 = arith.constant 1152 : i32
    %add3A_125 = arith.addi %add3A_35, %add3A_124 : i32
    "tpu.region"() ({
      %run_scoped3A = tpu.sem_alloc : memref<!tpu.dma_semaphore, #tpu.memory_space<semaphore_mem>>
      %dma_start3A_202 = tpu.memref_slice %arg3[%add3A_125] : memref<65536xi32, #tpu.memory_space<hbm>> -> memref<128xi32, #tpu.memory_space<hbm>>
      %dma_start3A_203 = tpu.memref_slice %arg3[%add3A_125] : memref<65536xi32, #tpu.memory_space<hbm>> -> memref<128xi32, #tpu.memory_space<hbm>>
      tpu.enqueue_dma source(%dma_start3A_203 : memref<128xi32, #tpu.memory_space<hbm>>) target(%arg8 : memref<128xi32, #tpu.memory_space<vmem>>) target_semaphore(%run_scoped3A : memref<!tpu.dma_semaphore, #tpu.memory_space<semaphore_mem>>)
      %dma_wait3A_204 = tpu.memref_slice %arg3[%add3A_125] : memref<65536xi32, #tpu.memory_space<hbm>> -> memref<128xi32, #tpu.memory_space<hbm>>
      %dma_wait3A_205 = tpu.memref_slice %arg3[%add3A_125] : memref<65536xi32, #tpu.memory_space<hbm>> -> memref<128xi32, #tpu.memory_space<hbm>>
      tpu.wait_dma2 semaphore(%run_scoped3A : memref<!tpu.dma_semaphore, #tpu.memory_space<semaphore_mem>>) src(%dma_wait3A_205 : memref<128xi32, #tpu.memory_space<hbm>>) dst(%arg8 : memref<128xi32, #tpu.memory_space<vmem>>)
      tpu.yield
    }) : () -> ()
    %dma_start3A_126 = arith.constant 0 : i32
    %dma_start3A_127 = arith.constant 0 : i32
    %dma_start3A_128 = tpu.memref_slice %arg2[%dma_start3A_126, %dma_start3A_127] : memref<65536x128xf32, #tpu.memory_space<hbm>> -> memref<65536x128xf32, #tpu.memory_space<hbm>>
    tpu.enqueue_indirect_dma source(%dma_start3A_128 : memref<65536x128xf32, #tpu.memory_space<hbm>>) target(%arg9 : memref<128x128xf32, #tpu.memory_space<vmem>>) offsets(%arg8 : memref<128xi32, #tpu.memory_space<vmem>>) semaphore(%arg11 : memref<!tpu.dma_semaphore, #tpu.memory_space<semaphore_mem>>)
    %dma_wait3A_129 = arith.constant 0 : i32
    %dma_wait3A_130 = arith.constant 0 : i32
    %dma_wait3A_131 = tpu.memref_slice %arg2[%dma_wait3A_129, %dma_wait3A_130] : memref<65536x128xf32, #tpu.memory_space<hbm>> -> memref<65536x128xf32, #tpu.memory_space<hbm>>
    tpu.wait_indirect_dma semaphore(%arg10 : memref<!tpu.dma_semaphore, #tpu.memory_space<semaphore_mem>>) src(%dma_wait3A_131 : memref<65536x128xf32, #tpu.memory_space<hbm>>) dst(%arg7 : memref<128x128xf32, #tpu.memory_space<vmem>>)
    %add3A_132 = arith.constant 1024 : i32
    %add3A_133 = arith.addi %add3A_40, %add3A_132 : i32
    "tpu.region"() ({
      %run_scoped3A = tpu.sem_alloc : memref<!tpu.dma_semaphore, #tpu.memory_space<semaphore_mem>>
      %dma_start3A_202 = arith.constant 0 : i32
      %dma_start3A_203 = tpu.memref_slice %arg5[%add3A_133, %dma_start3A_202] : memref<69632x128xf32, #tpu.memory_space<hbm>> -> memref<128x128xf32, #tpu.memory_space<hbm>>
      %dma_start3A_204 = arith.constant 0 : i32
      %dma_start3A_205 = tpu.memref_slice %arg5[%add3A_133, %dma_start3A_204] : memref<69632x128xf32, #tpu.memory_space<hbm>> -> memref<128x128xf32, #tpu.memory_space<hbm>>
      tpu.enqueue_dma source(%arg7 : memref<128x128xf32, #tpu.memory_space<vmem>>) target(%dma_start3A_205 : memref<128x128xf32, #tpu.memory_space<hbm>>) target_semaphore(%run_scoped3A : memref<!tpu.dma_semaphore, #tpu.memory_space<semaphore_mem>>)
      %dma_wait3A_206 = arith.constant 0 : i32
      %dma_wait3A_207 = tpu.memref_slice %arg5[%add3A_133, %dma_wait3A_206] : memref<69632x128xf32, #tpu.memory_space<hbm>> -> memref<128x128xf32, #tpu.memory_space<hbm>>
      %dma_wait3A_208 = arith.constant 0 : i32
      %dma_wait3A_209 = tpu.memref_slice %arg5[%add3A_133, %dma_wait3A_208] : memref<69632x128xf32, #tpu.memory_space<hbm>> -> memref<128x128xf32, #tpu.memory_space<hbm>>
      tpu.wait_dma2 semaphore(%run_scoped3A : memref<!tpu.dma_semaphore, #tpu.memory_space<semaphore_mem>>) src(%arg7 : memref<128x128xf32, #tpu.memory_space<vmem>>) dst(%dma_wait3A_209 : memref<128x128xf32, #tpu.memory_space<hbm>>)
      tpu.yield
    }) : () -> ()
    %add3A_134 = arith.constant 1280 : i32
    %add3A_135 = arith.addi %add3A_35, %add3A_134 : i32
    "tpu.region"() ({
      %run_scoped3A = tpu.sem_alloc : memref<!tpu.dma_semaphore, #tpu.memory_space<semaphore_mem>>
      %dma_start3A_202 = tpu.memref_slice %arg3[%add3A_135] : memref<65536xi32, #tpu.memory_space<hbm>> -> memref<128xi32, #tpu.memory_space<hbm>>
      %dma_start3A_203 = tpu.memref_slice %arg3[%add3A_135] : memref<65536xi32, #tpu.memory_space<hbm>> -> memref<128xi32, #tpu.memory_space<hbm>>
      tpu.enqueue_dma source(%dma_start3A_203 : memref<128xi32, #tpu.memory_space<hbm>>) target(%arg6 : memref<128xi32, #tpu.memory_space<vmem>>) target_semaphore(%run_scoped3A : memref<!tpu.dma_semaphore, #tpu.memory_space<semaphore_mem>>)
      %dma_wait3A_204 = tpu.memref_slice %arg3[%add3A_135] : memref<65536xi32, #tpu.memory_space<hbm>> -> memref<128xi32, #tpu.memory_space<hbm>>
      %dma_wait3A_205 = tpu.memref_slice %arg3[%add3A_135] : memref<65536xi32, #tpu.memory_space<hbm>> -> memref<128xi32, #tpu.memory_space<hbm>>
      tpu.wait_dma2 semaphore(%run_scoped3A : memref<!tpu.dma_semaphore, #tpu.memory_space<semaphore_mem>>) src(%dma_wait3A_205 : memref<128xi32, #tpu.memory_space<hbm>>) dst(%arg6 : memref<128xi32, #tpu.memory_space<vmem>>)
      tpu.yield
    }) : () -> ()
    %dma_start3A_136 = arith.constant 0 : i32
    %dma_start3A_137 = arith.constant 0 : i32
    %dma_start3A_138 = tpu.memref_slice %arg2[%dma_start3A_136, %dma_start3A_137] : memref<65536x128xf32, #tpu.memory_space<hbm>> -> memref<65536x128xf32, #tpu.memory_space<hbm>>
    tpu.enqueue_indirect_dma source(%dma_start3A_138 : memref<65536x128xf32, #tpu.memory_space<hbm>>) target(%arg7 : memref<128x128xf32, #tpu.memory_space<vmem>>) offsets(%arg6 : memref<128xi32, #tpu.memory_space<vmem>>) semaphore(%arg10 : memref<!tpu.dma_semaphore, #tpu.memory_space<semaphore_mem>>)
    %dma_wait3A_139 = arith.constant 0 : i32
    %dma_wait3A_140 = arith.constant 0 : i32
    %dma_wait3A_141 = tpu.memref_slice %arg2[%dma_wait3A_139, %dma_wait3A_140] : memref<65536x128xf32, #tpu.memory_space<hbm>> -> memref<65536x128xf32, #tpu.memory_space<hbm>>
    tpu.wait_indirect_dma semaphore(%arg11 : memref<!tpu.dma_semaphore, #tpu.memory_space<semaphore_mem>>) src(%dma_wait3A_141 : memref<65536x128xf32, #tpu.memory_space<hbm>>) dst(%arg9 : memref<128x128xf32, #tpu.memory_space<vmem>>)
    %add3A_142 = arith.constant 1152 : i32
    %add3A_143 = arith.addi %add3A_40, %add3A_142 : i32
    "tpu.region"() ({
      %run_scoped3A = tpu.sem_alloc : memref<!tpu.dma_semaphore, #tpu.memory_space<semaphore_mem>>
      %dma_start3A_202 = arith.constant 0 : i32
      %dma_start3A_203 = tpu.memref_slice %arg5[%add3A_143, %dma_start3A_202] : memref<69632x128xf32, #tpu.memory_space<hbm>> -> memref<128x128xf32, #tpu.memory_space<hbm>>
      %dma_start3A_204 = arith.constant 0 : i32
      %dma_start3A_205 = tpu.memref_slice %arg5[%add3A_143, %dma_start3A_204] : memref<69632x128xf32, #tpu.memory_space<hbm>> -> memref<128x128xf32, #tpu.memory_space<hbm>>
      tpu.enqueue_dma source(%arg9 : memref<128x128xf32, #tpu.memory_space<vmem>>) target(%dma_start3A_205 : memref<128x128xf32, #tpu.memory_space<hbm>>) target_semaphore(%run_scoped3A : memref<!tpu.dma_semaphore, #tpu.memory_space<semaphore_mem>>)
      %dma_wait3A_206 = arith.constant 0 : i32
      %dma_wait3A_207 = tpu.memref_slice %arg5[%add3A_143, %dma_wait3A_206] : memref<69632x128xf32, #tpu.memory_space<hbm>> -> memref<128x128xf32, #tpu.memory_space<hbm>>
      %dma_wait3A_208 = arith.constant 0 : i32
      %dma_wait3A_209 = tpu.memref_slice %arg5[%add3A_143, %dma_wait3A_208] : memref<69632x128xf32, #tpu.memory_space<hbm>> -> memref<128x128xf32, #tpu.memory_space<hbm>>
      tpu.wait_dma2 semaphore(%run_scoped3A : memref<!tpu.dma_semaphore, #tpu.memory_space<semaphore_mem>>) src(%arg9 : memref<128x128xf32, #tpu.memory_space<vmem>>) dst(%dma_wait3A_209 : memref<128x128xf32, #tpu.memory_space<hbm>>)
      tpu.yield
    }) : () -> ()
    %add3A_144 = arith.constant 1408 : i32
    %add3A_145 = arith.addi %add3A_35, %add3A_144 : i32
    "tpu.region"() ({
      %run_scoped3A = tpu.sem_alloc : memref<!tpu.dma_semaphore, #tpu.memory_space<semaphore_mem>>
      %dma_start3A_202 = tpu.memref_slice %arg3[%add3A_145] : memref<65536xi32, #tpu.memory_space<hbm>> -> memref<128xi32, #tpu.memory_space<hbm>>
      %dma_start3A_203 = tpu.memref_slice %arg3[%add3A_145] : memref<65536xi32, #tpu.memory_space<hbm>> -> memref<128xi32, #tpu.memory_space<hbm>>
      tpu.enqueue_dma source(%dma_start3A_203 : memref<128xi32, #tpu.memory_space<hbm>>) target(%arg8 : memref<128xi32, #tpu.memory_space<vmem>>) target_semaphore(%run_scoped3A : memref<!tpu.dma_semaphore, #tpu.memory_space<semaphore_mem>>)
      %dma_wait3A_204 = tpu.memref_slice %arg3[%add3A_145] : memref<65536xi32, #tpu.memory_space<hbm>> -> memref<128xi32, #tpu.memory_space<hbm>>
      %dma_wait3A_205 = tpu.memref_slice %arg3[%add3A_145] : memref<65536xi32, #tpu.memory_space<hbm>> -> memref<128xi32, #tpu.memory_space<hbm>>
      tpu.wait_dma2 semaphore(%run_scoped3A : memref<!tpu.dma_semaphore, #tpu.memory_space<semaphore_mem>>) src(%dma_wait3A_205 : memref<128xi32, #tpu.memory_space<hbm>>) dst(%arg8 : memref<128xi32, #tpu.memory_space<vmem>>)
      tpu.yield
    }) : () -> ()
    %dma_start3A_146 = arith.constant 0 : i32
    %dma_start3A_147 = arith.constant 0 : i32
    %dma_start3A_148 = tpu.memref_slice %arg2[%dma_start3A_146, %dma_start3A_147] : memref<65536x128xf32, #tpu.memory_space<hbm>> -> memref<65536x128xf32, #tpu.memory_space<hbm>>
    tpu.enqueue_indirect_dma source(%dma_start3A_148 : memref<65536x128xf32, #tpu.memory_space<hbm>>) target(%arg9 : memref<128x128xf32, #tpu.memory_space<vmem>>) offsets(%arg8 : memref<128xi32, #tpu.memory_space<vmem>>) semaphore(%arg11 : memref<!tpu.dma_semaphore, #tpu.memory_space<semaphore_mem>>)
    %dma_wait3A_149 = arith.constant 0 : i32
    %dma_wait3A_150 = arith.constant 0 : i32
    %dma_wait3A_151 = tpu.memref_slice %arg2[%dma_wait3A_149, %dma_wait3A_150] : memref<65536x128xf32, #tpu.memory_space<hbm>> -> memref<65536x128xf32, #tpu.memory_space<hbm>>
    tpu.wait_indirect_dma semaphore(%arg10 : memref<!tpu.dma_semaphore, #tpu.memory_space<semaphore_mem>>) src(%dma_wait3A_151 : memref<65536x128xf32, #tpu.memory_space<hbm>>) dst(%arg7 : memref<128x128xf32, #tpu.memory_space<vmem>>)
    %add3A_152 = arith.constant 1280 : i32
    %add3A_153 = arith.addi %add3A_40, %add3A_152 : i32
    "tpu.region"() ({
      %run_scoped3A = tpu.sem_alloc : memref<!tpu.dma_semaphore, #tpu.memory_space<semaphore_mem>>
      %dma_start3A_202 = arith.constant 0 : i32
      %dma_start3A_203 = tpu.memref_slice %arg5[%add3A_153, %dma_start3A_202] : memref<69632x128xf32, #tpu.memory_space<hbm>> -> memref<128x128xf32, #tpu.memory_space<hbm>>
      %dma_start3A_204 = arith.constant 0 : i32
      %dma_start3A_205 = tpu.memref_slice %arg5[%add3A_153, %dma_start3A_204] : memref<69632x128xf32, #tpu.memory_space<hbm>> -> memref<128x128xf32, #tpu.memory_space<hbm>>
      tpu.enqueue_dma source(%arg7 : memref<128x128xf32, #tpu.memory_space<vmem>>) target(%dma_start3A_205 : memref<128x128xf32, #tpu.memory_space<hbm>>) target_semaphore(%run_scoped3A : memref<!tpu.dma_semaphore, #tpu.memory_space<semaphore_mem>>)
      %dma_wait3A_206 = arith.constant 0 : i32
      %dma_wait3A_207 = tpu.memref_slice %arg5[%add3A_153, %dma_wait3A_206] : memref<69632x128xf32, #tpu.memory_space<hbm>> -> memref<128x128xf32, #tpu.memory_space<hbm>>
      %dma_wait3A_208 = arith.constant 0 : i32
      %dma_wait3A_209 = tpu.memref_slice %arg5[%add3A_153, %dma_wait3A_208] : memref<69632x128xf32, #tpu.memory_space<hbm>> -> memref<128x128xf32, #tpu.memory_space<hbm>>
      tpu.wait_dma2 semaphore(%run_scoped3A : memref<!tpu.dma_semaphore, #tpu.memory_space<semaphore_mem>>) src(%arg7 : memref<128x128xf32, #tpu.memory_space<vmem>>) dst(%dma_wait3A_209 : memref<128x128xf32, #tpu.memory_space<hbm>>)
      tpu.yield
    }) : () -> ()
    %add3A_154 = arith.constant 1536 : i32
    %add3A_155 = arith.addi %add3A_35, %add3A_154 : i32
    "tpu.region"() ({
      %run_scoped3A = tpu.sem_alloc : memref<!tpu.dma_semaphore, #tpu.memory_space<semaphore_mem>>
      %dma_start3A_202 = tpu.memref_slice %arg3[%add3A_155] : memref<65536xi32, #tpu.memory_space<hbm>> -> memref<128xi32, #tpu.memory_space<hbm>>
      %dma_start3A_203 = tpu.memref_slice %arg3[%add3A_155] : memref<65536xi32, #tpu.memory_space<hbm>> -> memref<128xi32, #tpu.memory_space<hbm>>
      tpu.enqueue_dma source(%dma_start3A_203 : memref<128xi32, #tpu.memory_space<hbm>>) target(%arg6 : memref<128xi32, #tpu.memory_space<vmem>>) target_semaphore(%run_scoped3A : memref<!tpu.dma_semaphore, #tpu.memory_space<semaphore_mem>>)
      %dma_wait3A_204 = tpu.memref_slice %arg3[%add3A_155] : memref<65536xi32, #tpu.memory_space<hbm>> -> memref<128xi32, #tpu.memory_space<hbm>>
      %dma_wait3A_205 = tpu.memref_slice %arg3[%add3A_155] : memref<65536xi32, #tpu.memory_space<hbm>> -> memref<128xi32, #tpu.memory_space<hbm>>
      tpu.wait_dma2 semaphore(%run_scoped3A : memref<!tpu.dma_semaphore, #tpu.memory_space<semaphore_mem>>) src(%dma_wait3A_205 : memref<128xi32, #tpu.memory_space<hbm>>) dst(%arg6 : memref<128xi32, #tpu.memory_space<vmem>>)
      tpu.yield
    }) : () -> ()
    %dma_start3A_156 = arith.constant 0 : i32
    %dma_start3A_157 = arith.constant 0 : i32
    %dma_start3A_158 = tpu.memref_slice %arg2[%dma_start3A_156, %dma_start3A_157] : memref<65536x128xf32, #tpu.memory_space<hbm>> -> memref<65536x128xf32, #tpu.memory_space<hbm>>
    tpu.enqueue_indirect_dma source(%dma_start3A_158 : memref<65536x128xf32, #tpu.memory_space<hbm>>) target(%arg7 : memref<128x128xf32, #tpu.memory_space<vmem>>) offsets(%arg6 : memref<128xi32, #tpu.memory_space<vmem>>) semaphore(%arg10 : memref<!tpu.dma_semaphore, #tpu.memory_space<semaphore_mem>>)
    %dma_wait3A_159 = arith.constant 0 : i32
    %dma_wait3A_160 = arith.constant 0 : i32
    %dma_wait3A_161 = tpu.memref_slice %arg2[%dma_wait3A_159, %dma_wait3A_160] : memref<65536x128xf32, #tpu.memory_space<hbm>> -> memref<65536x128xf32, #tpu.memory_space<hbm>>
    tpu.wait_indirect_dma semaphore(%arg11 : memref<!tpu.dma_semaphore, #tpu.memory_space<semaphore_mem>>) src(%dma_wait3A_161 : memref<65536x128xf32, #tpu.memory_space<hbm>>) dst(%arg9 : memref<128x128xf32, #tpu.memory_space<vmem>>)
    %add3A_162 = arith.constant 1408 : i32
    %add3A_163 = arith.addi %add3A_40, %add3A_162 : i32
    "tpu.region"() ({
      %run_scoped3A = tpu.sem_alloc : memref<!tpu.dma_semaphore, #tpu.memory_space<semaphore_mem>>
      %dma_start3A_202 = arith.constant 0 : i32
      %dma_start3A_203 = tpu.memref_slice %arg5[%add3A_163, %dma_start3A_202] : memref<69632x128xf32, #tpu.memory_space<hbm>> -> memref<128x128xf32, #tpu.memory_space<hbm>>
      %dma_start3A_204 = arith.constant 0 : i32
      %dma_start3A_205 = tpu.memref_slice %arg5[%add3A_163, %dma_start3A_204] : memref<69632x128xf32, #tpu.memory_space<hbm>> -> memref<128x128xf32, #tpu.memory_space<hbm>>
      tpu.enqueue_dma source(%arg9 : memref<128x128xf32, #tpu.memory_space<vmem>>) target(%dma_start3A_205 : memref<128x128xf32, #tpu.memory_space<hbm>>) target_semaphore(%run_scoped3A : memref<!tpu.dma_semaphore, #tpu.memory_space<semaphore_mem>>)
      %dma_wait3A_206 = arith.constant 0 : i32
      %dma_wait3A_207 = tpu.memref_slice %arg5[%add3A_163, %dma_wait3A_206] : memref<69632x128xf32, #tpu.memory_space<hbm>> -> memref<128x128xf32, #tpu.memory_space<hbm>>
      %dma_wait3A_208 = arith.constant 0 : i32
      %dma_wait3A_209 = tpu.memref_slice %arg5[%add3A_163, %dma_wait3A_208] : memref<69632x128xf32, #tpu.memory_space<hbm>> -> memref<128x128xf32, #tpu.memory_space<hbm>>
      tpu.wait_dma2 semaphore(%run_scoped3A : memref<!tpu.dma_semaphore, #tpu.memory_space<semaphore_mem>>) src(%arg9 : memref<128x128xf32, #tpu.memory_space<vmem>>) dst(%dma_wait3A_209 : memref<128x128xf32, #tpu.memory_space<hbm>>)
      tpu.yield
    }) : () -> ()
    %add3A_164 = arith.constant 1664 : i32
    %add3A_165 = arith.addi %add3A_35, %add3A_164 : i32
    "tpu.region"() ({
      %run_scoped3A = tpu.sem_alloc : memref<!tpu.dma_semaphore, #tpu.memory_space<semaphore_mem>>
      %dma_start3A_202 = tpu.memref_slice %arg3[%add3A_165] : memref<65536xi32, #tpu.memory_space<hbm>> -> memref<128xi32, #tpu.memory_space<hbm>>
      %dma_start3A_203 = tpu.memref_slice %arg3[%add3A_165] : memref<65536xi32, #tpu.memory_space<hbm>> -> memref<128xi32, #tpu.memory_space<hbm>>
      tpu.enqueue_dma source(%dma_start3A_203 : memref<128xi32, #tpu.memory_space<hbm>>) target(%arg8 : memref<128xi32, #tpu.memory_space<vmem>>) target_semaphore(%run_scoped3A : memref<!tpu.dma_semaphore, #tpu.memory_space<semaphore_mem>>)
      %dma_wait3A_204 = tpu.memref_slice %arg3[%add3A_165] : memref<65536xi32, #tpu.memory_space<hbm>> -> memref<128xi32, #tpu.memory_space<hbm>>
      %dma_wait3A_205 = tpu.memref_slice %arg3[%add3A_165] : memref<65536xi32, #tpu.memory_space<hbm>> -> memref<128xi32, #tpu.memory_space<hbm>>
      tpu.wait_dma2 semaphore(%run_scoped3A : memref<!tpu.dma_semaphore, #tpu.memory_space<semaphore_mem>>) src(%dma_wait3A_205 : memref<128xi32, #tpu.memory_space<hbm>>) dst(%arg8 : memref<128xi32, #tpu.memory_space<vmem>>)
      tpu.yield
    }) : () -> ()
    %dma_start3A_166 = arith.constant 0 : i32
    %dma_start3A_167 = arith.constant 0 : i32
    %dma_start3A_168 = tpu.memref_slice %arg2[%dma_start3A_166, %dma_start3A_167] : memref<65536x128xf32, #tpu.memory_space<hbm>> -> memref<65536x128xf32, #tpu.memory_space<hbm>>
    tpu.enqueue_indirect_dma source(%dma_start3A_168 : memref<65536x128xf32, #tpu.memory_space<hbm>>) target(%arg9 : memref<128x128xf32, #tpu.memory_space<vmem>>) offsets(%arg8 : memref<128xi32, #tpu.memory_space<vmem>>) semaphore(%arg11 : memref<!tpu.dma_semaphore, #tpu.memory_space<semaphore_mem>>)
    %dma_wait3A_169 = arith.constant 0 : i32
    %dma_wait3A_170 = arith.constant 0 : i32
    %dma_wait3A_171 = tpu.memref_slice %arg2[%dma_wait3A_169, %dma_wait3A_170] : memref<65536x128xf32, #tpu.memory_space<hbm>> -> memref<65536x128xf32, #tpu.memory_space<hbm>>
    tpu.wait_indirect_dma semaphore(%arg10 : memref<!tpu.dma_semaphore, #tpu.memory_space<semaphore_mem>>) src(%dma_wait3A_171 : memref<65536x128xf32, #tpu.memory_space<hbm>>) dst(%arg7 : memref<128x128xf32, #tpu.memory_space<vmem>>)
    %add3A_172 = arith.constant 1536 : i32
    %add3A_173 = arith.addi %add3A_40, %add3A_172 : i32
    "tpu.region"() ({
      %run_scoped3A = tpu.sem_alloc : memref<!tpu.dma_semaphore, #tpu.memory_space<semaphore_mem>>
      %dma_start3A_202 = arith.constant 0 : i32
      %dma_start3A_203 = tpu.memref_slice %arg5[%add3A_173, %dma_start3A_202] : memref<69632x128xf32, #tpu.memory_space<hbm>> -> memref<128x128xf32, #tpu.memory_space<hbm>>
      %dma_start3A_204 = arith.constant 0 : i32
      %dma_start3A_205 = tpu.memref_slice %arg5[%add3A_173, %dma_start3A_204] : memref<69632x128xf32, #tpu.memory_space<hbm>> -> memref<128x128xf32, #tpu.memory_space<hbm>>
      tpu.enqueue_dma source(%arg7 : memref<128x128xf32, #tpu.memory_space<vmem>>) target(%dma_start3A_205 : memref<128x128xf32, #tpu.memory_space<hbm>>) target_semaphore(%run_scoped3A : memref<!tpu.dma_semaphore, #tpu.memory_space<semaphore_mem>>)
      %dma_wait3A_206 = arith.constant 0 : i32
      %dma_wait3A_207 = tpu.memref_slice %arg5[%add3A_173, %dma_wait3A_206] : memref<69632x128xf32, #tpu.memory_space<hbm>> -> memref<128x128xf32, #tpu.memory_space<hbm>>
      %dma_wait3A_208 = arith.constant 0 : i32
      %dma_wait3A_209 = tpu.memref_slice %arg5[%add3A_173, %dma_wait3A_208] : memref<69632x128xf32, #tpu.memory_space<hbm>> -> memref<128x128xf32, #tpu.memory_space<hbm>>
      tpu.wait_dma2 semaphore(%run_scoped3A : memref<!tpu.dma_semaphore, #tpu.memory_space<semaphore_mem>>) src(%arg7 : memref<128x128xf32, #tpu.memory_space<vmem>>) dst(%dma_wait3A_209 : memref<128x128xf32, #tpu.memory_space<hbm>>)
      tpu.yield
    }) : () -> ()
    %add3A_174 = arith.constant 1792 : i32
    %add3A_175 = arith.addi %add3A_35, %add3A_174 : i32
    "tpu.region"() ({
      %run_scoped3A = tpu.sem_alloc : memref<!tpu.dma_semaphore, #tpu.memory_space<semaphore_mem>>
      %dma_start3A_202 = tpu.memref_slice %arg3[%add3A_175] : memref<65536xi32, #tpu.memory_space<hbm>> -> memref<128xi32, #tpu.memory_space<hbm>>
      %dma_start3A_203 = tpu.memref_slice %arg3[%add3A_175] : memref<65536xi32, #tpu.memory_space<hbm>> -> memref<128xi32, #tpu.memory_space<hbm>>
      tpu.enqueue_dma source(%dma_start3A_203 : memref<128xi32, #tpu.memory_space<hbm>>) target(%arg6 : memref<128xi32, #tpu.memory_space<vmem>>) target_semaphore(%run_scoped3A : memref<!tpu.dma_semaphore, #tpu.memory_space<semaphore_mem>>)
      %dma_wait3A_204 = tpu.memref_slice %arg3[%add3A_175] : memref<65536xi32, #tpu.memory_space<hbm>> -> memref<128xi32, #tpu.memory_space<hbm>>
      %dma_wait3A_205 = tpu.memref_slice %arg3[%add3A_175] : memref<65536xi32, #tpu.memory_space<hbm>> -> memref<128xi32, #tpu.memory_space<hbm>>
      tpu.wait_dma2 semaphore(%run_scoped3A : memref<!tpu.dma_semaphore, #tpu.memory_space<semaphore_mem>>) src(%dma_wait3A_205 : memref<128xi32, #tpu.memory_space<hbm>>) dst(%arg6 : memref<128xi32, #tpu.memory_space<vmem>>)
      tpu.yield
    }) : () -> ()
    %dma_start3A_176 = arith.constant 0 : i32
    %dma_start3A_177 = arith.constant 0 : i32
    %dma_start3A_178 = tpu.memref_slice %arg2[%dma_start3A_176, %dma_start3A_177] : memref<65536x128xf32, #tpu.memory_space<hbm>> -> memref<65536x128xf32, #tpu.memory_space<hbm>>
    tpu.enqueue_indirect_dma source(%dma_start3A_178 : memref<65536x128xf32, #tpu.memory_space<hbm>>) target(%arg7 : memref<128x128xf32, #tpu.memory_space<vmem>>) offsets(%arg6 : memref<128xi32, #tpu.memory_space<vmem>>) semaphore(%arg10 : memref<!tpu.dma_semaphore, #tpu.memory_space<semaphore_mem>>)
    %dma_wait3A_179 = arith.constant 0 : i32
    %dma_wait3A_180 = arith.constant 0 : i32
    %dma_wait3A_181 = tpu.memref_slice %arg2[%dma_wait3A_179, %dma_wait3A_180] : memref<65536x128xf32, #tpu.memory_space<hbm>> -> memref<65536x128xf32, #tpu.memory_space<hbm>>
    tpu.wait_indirect_dma semaphore(%arg11 : memref<!tpu.dma_semaphore, #tpu.memory_space<semaphore_mem>>) src(%dma_wait3A_181 : memref<65536x128xf32, #tpu.memory_space<hbm>>) dst(%arg9 : memref<128x128xf32, #tpu.memory_space<vmem>>)
    %add3A_182 = arith.constant 1664 : i32
    %add3A_183 = arith.addi %add3A_40, %add3A_182 : i32
    "tpu.region"() ({
      %run_scoped3A = tpu.sem_alloc : memref<!tpu.dma_semaphore, #tpu.memory_space<semaphore_mem>>
      %dma_start3A_202 = arith.constant 0 : i32
      %dma_start3A_203 = tpu.memref_slice %arg5[%add3A_183, %dma_start3A_202] : memref<69632x128xf32, #tpu.memory_space<hbm>> -> memref<128x128xf32, #tpu.memory_space<hbm>>
      %dma_start3A_204 = arith.constant 0 : i32
      %dma_start3A_205 = tpu.memref_slice %arg5[%add3A_183, %dma_start3A_204] : memref<69632x128xf32, #tpu.memory_space<hbm>> -> memref<128x128xf32, #tpu.memory_space<hbm>>
      tpu.enqueue_dma source(%arg9 : memref<128x128xf32, #tpu.memory_space<vmem>>) target(%dma_start3A_205 : memref<128x128xf32, #tpu.memory_space<hbm>>) target_semaphore(%run_scoped3A : memref<!tpu.dma_semaphore, #tpu.memory_space<semaphore_mem>>)
      %dma_wait3A_206 = arith.constant 0 : i32
      %dma_wait3A_207 = tpu.memref_slice %arg5[%add3A_183, %dma_wait3A_206] : memref<69632x128xf32, #tpu.memory_space<hbm>> -> memref<128x128xf32, #tpu.memory_space<hbm>>
      %dma_wait3A_208 = arith.constant 0 : i32
      %dma_wait3A_209 = tpu.memref_slice %arg5[%add3A_183, %dma_wait3A_208] : memref<69632x128xf32, #tpu.memory_space<hbm>> -> memref<128x128xf32, #tpu.memory_space<hbm>>
      tpu.wait_dma2 semaphore(%run_scoped3A : memref<!tpu.dma_semaphore, #tpu.memory_space<semaphore_mem>>) src(%arg9 : memref<128x128xf32, #tpu.memory_space<vmem>>) dst(%dma_wait3A_209 : memref<128x128xf32, #tpu.memory_space<hbm>>)
      tpu.yield
    }) : () -> ()
    %add3A_184 = arith.constant 1920 : i32
    %add3A_185 = arith.addi %add3A_35, %add3A_184 : i32
    "tpu.region"() ({
      %run_scoped3A = tpu.sem_alloc : memref<!tpu.dma_semaphore, #tpu.memory_space<semaphore_mem>>
      %dma_start3A_202 = tpu.memref_slice %arg3[%add3A_185] : memref<65536xi32, #tpu.memory_space<hbm>> -> memref<128xi32, #tpu.memory_space<hbm>>
      %dma_start3A_203 = tpu.memref_slice %arg3[%add3A_185] : memref<65536xi32, #tpu.memory_space<hbm>> -> memref<128xi32, #tpu.memory_space<hbm>>
      tpu.enqueue_dma source(%dma_start3A_203 : memref<128xi32, #tpu.memory_space<hbm>>) target(%arg8 : memref<128xi32, #tpu.memory_space<vmem>>) target_semaphore(%run_scoped3A : memref<!tpu.dma_semaphore, #tpu.memory_space<semaphore_mem>>)
      %dma_wait3A_204 = tpu.memref_slice %arg3[%add3A_185] : memref<65536xi32, #tpu.memory_space<hbm>> -> memref<128xi32, #tpu.memory_space<hbm>>
      %dma_wait3A_205 = tpu.memref_slice %arg3[%add3A_185] : memref<65536xi32, #tpu.memory_space<hbm>> -> memref<128xi32, #tpu.memory_space<hbm>>
      tpu.wait_dma2 semaphore(%run_scoped3A : memref<!tpu.dma_semaphore, #tpu.memory_space<semaphore_mem>>) src(%dma_wait3A_205 : memref<128xi32, #tpu.memory_space<hbm>>) dst(%arg8 : memref<128xi32, #tpu.memory_space<vmem>>)
      tpu.yield
    }) : () -> ()
    %dma_start3A_186 = arith.constant 0 : i32
    %dma_start3A_187 = arith.constant 0 : i32
    %dma_start3A_188 = tpu.memref_slice %arg2[%dma_start3A_186, %dma_start3A_187] : memref<65536x128xf32, #tpu.memory_space<hbm>> -> memref<65536x128xf32, #tpu.memory_space<hbm>>
    tpu.enqueue_indirect_dma source(%dma_start3A_188 : memref<65536x128xf32, #tpu.memory_space<hbm>>) target(%arg9 : memref<128x128xf32, #tpu.memory_space<vmem>>) offsets(%arg8 : memref<128xi32, #tpu.memory_space<vmem>>) semaphore(%arg11 : memref<!tpu.dma_semaphore, #tpu.memory_space<semaphore_mem>>)
    %dma_wait3A_189 = arith.constant 0 : i32
    %dma_wait3A_190 = arith.constant 0 : i32
    %dma_wait3A_191 = tpu.memref_slice %arg2[%dma_wait3A_189, %dma_wait3A_190] : memref<65536x128xf32, #tpu.memory_space<hbm>> -> memref<65536x128xf32, #tpu.memory_space<hbm>>
    tpu.wait_indirect_dma semaphore(%arg10 : memref<!tpu.dma_semaphore, #tpu.memory_space<semaphore_mem>>) src(%dma_wait3A_191 : memref<65536x128xf32, #tpu.memory_space<hbm>>) dst(%arg7 : memref<128x128xf32, #tpu.memory_space<vmem>>)
    %add3A_192 = arith.constant 1792 : i32
    %add3A_193 = arith.addi %add3A_40, %add3A_192 : i32
    "tpu.region"() ({
      %run_scoped3A = tpu.sem_alloc : memref<!tpu.dma_semaphore, #tpu.memory_space<semaphore_mem>>
      %dma_start3A_202 = arith.constant 0 : i32
      %dma_start3A_203 = tpu.memref_slice %arg5[%add3A_193, %dma_start3A_202] : memref<69632x128xf32, #tpu.memory_space<hbm>> -> memref<128x128xf32, #tpu.memory_space<hbm>>
      %dma_start3A_204 = arith.constant 0 : i32
      %dma_start3A_205 = tpu.memref_slice %arg5[%add3A_193, %dma_start3A_204] : memref<69632x128xf32, #tpu.memory_space<hbm>> -> memref<128x128xf32, #tpu.memory_space<hbm>>
      tpu.enqueue_dma source(%arg7 : memref<128x128xf32, #tpu.memory_space<vmem>>) target(%dma_start3A_205 : memref<128x128xf32, #tpu.memory_space<hbm>>) target_semaphore(%run_scoped3A : memref<!tpu.dma_semaphore, #tpu.memory_space<semaphore_mem>>)
      %dma_wait3A_206 = arith.constant 0 : i32
      %dma_wait3A_207 = tpu.memref_slice %arg5[%add3A_193, %dma_wait3A_206] : memref<69632x128xf32, #tpu.memory_space<hbm>> -> memref<128x128xf32, #tpu.memory_space<hbm>>
      %dma_wait3A_208 = arith.constant 0 : i32
      %dma_wait3A_209 = tpu.memref_slice %arg5[%add3A_193, %dma_wait3A_208] : memref<69632x128xf32, #tpu.memory_space<hbm>> -> memref<128x128xf32, #tpu.memory_space<hbm>>
      tpu.wait_dma2 semaphore(%run_scoped3A : memref<!tpu.dma_semaphore, #tpu.memory_space<semaphore_mem>>) src(%arg7 : memref<128x128xf32, #tpu.memory_space<vmem>>) dst(%dma_wait3A_209 : memref<128x128xf32, #tpu.memory_space<hbm>>)
      tpu.yield
    }) : () -> ()
    %dma_wait3A_194 = arith.constant 0 : i32
    %dma_wait3A_195 = arith.constant 0 : i32
    %dma_wait3A_196 = tpu.memref_slice %arg2[%dma_wait3A_194, %dma_wait3A_195] : memref<65536x128xf32, #tpu.memory_space<hbm>> -> memref<65536x128xf32, #tpu.memory_space<hbm>>
    tpu.wait_indirect_dma semaphore(%arg11 : memref<!tpu.dma_semaphore, #tpu.memory_space<semaphore_mem>>) src(%dma_wait3A_196 : memref<65536x128xf32, #tpu.memory_space<hbm>>) dst(%arg9 : memref<128x128xf32, #tpu.memory_space<vmem>>)
    %add3A_197 = arith.constant 1920 : i32
    %add3A_198 = arith.addi %add3A_40, %add3A_197 : i32
    "tpu.region"() ({
      %run_scoped3A = tpu.sem_alloc : memref<!tpu.dma_semaphore, #tpu.memory_space<semaphore_mem>>
      %dma_start3A_202 = arith.constant 0 : i32
      %dma_start3A_203 = tpu.memref_slice %arg5[%add3A_198, %dma_start3A_202] : memref<69632x128xf32, #tpu.memory_space<hbm>> -> memref<128x128xf32, #tpu.memory_space<hbm>>
      %dma_start3A_204 = arith.constant 0 : i32
      %dma_start3A_205 = tpu.memref_slice %arg5[%add3A_198, %dma_start3A_204] : memref<69632x128xf32, #tpu.memory_space<hbm>> -> memref<128x128xf32, #tpu.memory_space<hbm>>
      tpu.enqueue_dma source(%arg9 : memref<128x128xf32, #tpu.memory_space<vmem>>) target(%dma_start3A_205 : memref<128x128xf32, #tpu.memory_space<hbm>>) target_semaphore(%run_scoped3A : memref<!tpu.dma_semaphore, #tpu.memory_space<semaphore_mem>>)
      %dma_wait3A_206 = arith.constant 0 : i32
      %dma_wait3A_207 = tpu.memref_slice %arg5[%add3A_198, %dma_wait3A_206] : memref<69632x128xf32, #tpu.memory_space<hbm>> -> memref<128x128xf32, #tpu.memory_space<hbm>>
      %dma_wait3A_208 = arith.constant 0 : i32
      %dma_wait3A_209 = tpu.memref_slice %arg5[%add3A_198, %dma_wait3A_208] : memref<69632x128xf32, #tpu.memory_space<hbm>> -> memref<128x128xf32, #tpu.memory_space<hbm>>
      tpu.wait_dma2 semaphore(%run_scoped3A : memref<!tpu.dma_semaphore, #tpu.memory_space<semaphore_mem>>) src(%arg9 : memref<128x128xf32, #tpu.memory_space<vmem>>) dst(%dma_wait3A_209 : memref<128x128xf32, #tpu.memory_space<hbm>>)
      tpu.yield
    }) : () -> ()
    %eq3A_199 = arith.constant 0 : i32
    %eq3A_200 = arith.cmpi eq, %select_n3A_30, %eq3A_199 : i32
    %convert_element_type3A = arith.extui %eq3A_200 : i1 to i32
    %cond3A = arith.constant 0 : i32
    %cond3A_201 = arith.cmpi ne, %convert_element_type3A, %cond3A : i32
    scf.if %cond3A_201 {
      "tpu.region"() ({
        %run_scoped3A = tpu.sem_alloc : memref<!tpu.dma_semaphore, #tpu.memory_space<semaphore_mem>>
        %dma_start3A_250 = arith.constant 0 : i32
        %dma_start3A_251 = arith.constant 0 : i32
        %dma_start3A_252 = tpu.memref_slice %arg4[%dma_start3A_250, %dma_start3A_251] : memref<1024x128xf32, #tpu.memory_space<hbm>> -> memref<128x128xf32, #tpu.memory_space<hbm>>
        %dma_start3A_253 = arith.constant 0 : i32
        %dma_start3A_254 = arith.constant 0 : i32
        %dma_start3A_255 = tpu.memref_slice %arg4[%dma_start3A_253, %dma_start3A_254] : memref<1024x128xf32, #tpu.memory_space<hbm>> -> memref<128x128xf32, #tpu.memory_space<hbm>>
        tpu.enqueue_dma source(%dma_start3A_255 : memref<128x128xf32, #tpu.memory_space<hbm>>) target(%arg7 : memref<128x128xf32, #tpu.memory_space<vmem>>) target_semaphore(%run_scoped3A : memref<!tpu.dma_semaphore, #tpu.memory_space<semaphore_mem>>)
        %dma_wait3A_256 = arith.constant 0 : i32
        %dma_wait3A_257 = arith.constant 0 : i32
        %dma_wait3A_258 = tpu.memref_slice %arg4[%dma_wait3A_256, %dma_wait3A_257] : memref<1024x128xf32, #tpu.memory_space<hbm>> -> memref<128x128xf32, #tpu.memory_space<hbm>>
        %dma_wait3A_259 = arith.constant 0 : i32
        %dma_wait3A_260 = arith.constant 0 : i32
        %dma_wait3A_261 = tpu.memref_slice %arg4[%dma_wait3A_259, %dma_wait3A_260] : memref<1024x128xf32, #tpu.memory_space<hbm>> -> memref<128x128xf32, #tpu.memory_space<hbm>>
        tpu.wait_dma2 semaphore(%run_scoped3A : memref<!tpu.dma_semaphore, #tpu.memory_space<semaphore_mem>>) src(%dma_wait3A_261 : memref<128x128xf32, #tpu.memory_space<hbm>>) dst(%arg7 : memref<128x128xf32, #tpu.memory_space<vmem>>)
        tpu.yield
      }) : () -> ()
      %mul3A_202 = arith.constant 17408 : i32
      %mul3A_203 = arith.muli %select_n3A, %mul3A_202 : i32
      %add3A_204 = arith.constant 16384 : i32
      %add3A_205 = arith.addi %mul3A_203, %add3A_204 : i32
      %add3A_206 = arith.constant 0 : i32
      %add3A_207 = arith.addi %add3A_205, %add3A_206 : i32
      "tpu.region"() ({
        %run_scoped3A = tpu.sem_alloc : memref<!tpu.dma_semaphore, #tpu.memory_space<semaphore_mem>>
        %dma_start3A_250 = arith.constant 0 : i32
        %dma_start3A_251 = tpu.memref_slice %arg5[%add3A_207, %dma_start3A_250] : memref<69632x128xf32, #tpu.memory_space<hbm>> -> memref<128x128xf32, #tpu.memory_space<hbm>>
        %dma_start3A_252 = arith.constant 0 : i32
        %dma_start3A_253 = tpu.memref_slice %arg5[%add3A_207, %dma_start3A_252] : memref<69632x128xf32, #tpu.memory_space<hbm>> -> memref<128x128xf32, #tpu.memory_space<hbm>>
        tpu.enqueue_dma source(%arg7 : memref<128x128xf32, #tpu.memory_space<vmem>>) target(%dma_start3A_253 : memref<128x128xf32, #tpu.memory_space<hbm>>) target_semaphore(%run_scoped3A : memref<!tpu.dma_semaphore, #tpu.memory_space<semaphore_mem>>)
        %dma_wait3A_254 = arith.constant 0 : i32
        %dma_wait3A_255 = tpu.memref_slice %arg5[%add3A_207, %dma_wait3A_254] : memref<69632x128xf32, #tpu.memory_space<hbm>> -> memref<128x128xf32, #tpu.memory_space<hbm>>
        %dma_wait3A_256 = arith.constant 0 : i32
        %dma_wait3A_257 = tpu.memref_slice %arg5[%add3A_207, %dma_wait3A_256] : memref<69632x128xf32, #tpu.memory_space<hbm>> -> memref<128x128xf32, #tpu.memory_space<hbm>>
        tpu.wait_dma2 semaphore(%run_scoped3A : memref<!tpu.dma_semaphore, #tpu.memory_space<semaphore_mem>>) src(%arg7 : memref<128x128xf32, #tpu.memory_space<vmem>>) dst(%dma_wait3A_257 : memref<128x128xf32, #tpu.memory_space<hbm>>)
        tpu.yield
      }) : () -> ()
      "tpu.region"() ({
        %run_scoped3A = tpu.sem_alloc : memref<!tpu.dma_semaphore, #tpu.memory_space<semaphore_mem>>
        %dma_start3A_250 = arith.constant 128 : i32
        %dma_start3A_251 = arith.constant 0 : i32
        %dma_start3A_252 = tpu.memref_slice %arg4[%dma_start3A_250, %dma_start3A_251] : memref<1024x128xf32, #tpu.memory_space<hbm>> -> memref<128x128xf32, #tpu.memory_space<hbm>>
        %dma_start3A_253 = arith.constant 128 : i32
        %dma_start3A_254 = arith.constant 0 : i32
        %dma_start3A_255 = tpu.memref_slice %arg4[%dma_start3A_253, %dma_start3A_254] : memref<1024x128xf32, #tpu.memory_space<hbm>> -> memref<128x128xf32, #tpu.memory_space<hbm>>
        tpu.enqueue_dma source(%dma_start3A_255 : memref<128x128xf32, #tpu.memory_space<hbm>>) target(%arg7 : memref<128x128xf32, #tpu.memory_space<vmem>>) target_semaphore(%run_scoped3A : memref<!tpu.dma_semaphore, #tpu.memory_space<semaphore_mem>>)
        %dma_wait3A_256 = arith.constant 128 : i32
        %dma_wait3A_257 = arith.constant 0 : i32
        %dma_wait3A_258 = tpu.memref_slice %arg4[%dma_wait3A_256, %dma_wait3A_257] : memref<1024x128xf32, #tpu.memory_space<hbm>> -> memref<128x128xf32, #tpu.memory_space<hbm>>
        %dma_wait3A_259 = arith.constant 128 : i32
        %dma_wait3A_260 = arith.constant 0 : i32
        %dma_wait3A_261 = tpu.memref_slice %arg4[%dma_wait3A_259, %dma_wait3A_260] : memref<1024x128xf32, #tpu.memory_space<hbm>> -> memref<128x128xf32, #tpu.memory_space<hbm>>
        tpu.wait_dma2 semaphore(%run_scoped3A : memref<!tpu.dma_semaphore, #tpu.memory_space<semaphore_mem>>) src(%dma_wait3A_261 : memref<128x128xf32, #tpu.memory_space<hbm>>) dst(%arg7 : memref<128x128xf32, #tpu.memory_space<vmem>>)
        tpu.yield
      }) : () -> ()
      %mul3A_208 = arith.constant 17408 : i32
      %mul3A_209 = arith.muli %select_n3A, %mul3A_208 : i32
      %add3A_210 = arith.constant 16384 : i32
      %add3A_211 = arith.addi %mul3A_209, %add3A_210 : i32
      %add3A_212 = arith.constant 128 : i32
      %add3A_213 = arith.addi %add3A_211, %add3A_212 : i32
      "tpu.region"() ({
        %run_scoped3A = tpu.sem_alloc : memref<!tpu.dma_semaphore, #tpu.memory_space<semaphore_mem>>
        %dma_start3A_250 = arith.constant 0 : i32
        %dma_start3A_251 = tpu.memref_slice %arg5[%add3A_213, %dma_start3A_250] : memref<69632x128xf32, #tpu.memory_space<hbm>> -> memref<128x128xf32, #tpu.memory_space<hbm>>
        %dma_start3A_252 = arith.constant 0 : i32
        %dma_start3A_253 = tpu.memref_slice %arg5[%add3A_213, %dma_start3A_252] : memref<69632x128xf32, #tpu.memory_space<hbm>> -> memref<128x128xf32, #tpu.memory_space<hbm>>
        tpu.enqueue_dma source(%arg7 : memref<128x128xf32, #tpu.memory_space<vmem>>) target(%dma_start3A_253 : memref<128x128xf32, #tpu.memory_space<hbm>>) target_semaphore(%run_scoped3A : memref<!tpu.dma_semaphore, #tpu.memory_space<semaphore_mem>>)
        %dma_wait3A_254 = arith.constant 0 : i32
        %dma_wait3A_255 = tpu.memref_slice %arg5[%add3A_213, %dma_wait3A_254] : memref<69632x128xf32, #tpu.memory_space<hbm>> -> memref<128x128xf32, #tpu.memory_space<hbm>>
        %dma_wait3A_256 = arith.constant 0 : i32
        %dma_wait3A_257 = tpu.memref_slice %arg5[%add3A_213, %dma_wait3A_256] : memref<69632x128xf32, #tpu.memory_space<hbm>> -> memref<128x128xf32, #tpu.memory_space<hbm>>
        tpu.wait_dma2 semaphore(%run_scoped3A : memref<!tpu.dma_semaphore, #tpu.memory_space<semaphore_mem>>) src(%arg7 : memref<128x128xf32, #tpu.memory_space<vmem>>) dst(%dma_wait3A_257 : memref<128x128xf32, #tpu.memory_space<hbm>>)
        tpu.yield
      }) : () -> ()
      "tpu.region"() ({
        %run_scoped3A = tpu.sem_alloc : memref<!tpu.dma_semaphore, #tpu.memory_space<semaphore_mem>>
        %dma_start3A_250 = arith.constant 256 : i32
        %dma_start3A_251 = arith.constant 0 : i32
        %dma_start3A_252 = tpu.memref_slice %arg4[%dma_start3A_250, %dma_start3A_251] : memref<1024x128xf32, #tpu.memory_space<hbm>> -> memref<128x128xf32, #tpu.memory_space<hbm>>
        %dma_start3A_253 = arith.constant 256 : i32
        %dma_start3A_254 = arith.constant 0 : i32
        %dma_start3A_255 = tpu.memref_slice %arg4[%dma_start3A_253, %dma_start3A_254] : memref<1024x128xf32, #tpu.memory_space<hbm>> -> memref<128x128xf32, #tpu.memory_space<hbm>>
        tpu.enqueue_dma source(%dma_start3A_255 : memref<128x128xf32, #tpu.memory_space<hbm>>) target(%arg7 : memref<128x128xf32, #tpu.memory_space<vmem>>) target_semaphore(%run_scoped3A : memref<!tpu.dma_semaphore, #tpu.memory_space<semaphore_mem>>)
        %dma_wait3A_256 = arith.constant 256 : i32
        %dma_wait3A_257 = arith.constant 0 : i32
        %dma_wait3A_258 = tpu.memref_slice %arg4[%dma_wait3A_256, %dma_wait3A_257] : memref<1024x128xf32, #tpu.memory_space<hbm>> -> memref<128x128xf32, #tpu.memory_space<hbm>>
        %dma_wait3A_259 = arith.constant 256 : i32
        %dma_wait3A_260 = arith.constant 0 : i32
        %dma_wait3A_261 = tpu.memref_slice %arg4[%dma_wait3A_259, %dma_wait3A_260] : memref<1024x128xf32, #tpu.memory_space<hbm>> -> memref<128x128xf32, #tpu.memory_space<hbm>>
        tpu.wait_dma2 semaphore(%run_scoped3A : memref<!tpu.dma_semaphore, #tpu.memory_space<semaphore_mem>>) src(%dma_wait3A_261 : memref<128x128xf32, #tpu.memory_space<hbm>>) dst(%arg7 : memref<128x128xf32, #tpu.memory_space<vmem>>)
        tpu.yield
      }) : () -> ()
      %mul3A_214 = arith.constant 17408 : i32
      %mul3A_215 = arith.muli %select_n3A, %mul3A_214 : i32
      %add3A_216 = arith.constant 16384 : i32
      %add3A_217 = arith.addi %mul3A_215, %add3A_216 : i32
      %add3A_218 = arith.constant 256 : i32
      %add3A_219 = arith.addi %add3A_217, %add3A_218 : i32
      "tpu.region"() ({
        %run_scoped3A = tpu.sem_alloc : memref<!tpu.dma_semaphore, #tpu.memory_space<semaphore_mem>>
        %dma_start3A_250 = arith.constant 0 : i32
        %dma_start3A_251 = tpu.memref_slice %arg5[%add3A_219, %dma_start3A_250] : memref<69632x128xf32, #tpu.memory_space<hbm>> -> memref<128x128xf32, #tpu.memory_space<hbm>>
        %dma_start3A_252 = arith.constant 0 : i32
        %dma_start3A_253 = tpu.memref_slice %arg5[%add3A_219, %dma_start3A_252] : memref<69632x128xf32, #tpu.memory_space<hbm>> -> memref<128x128xf32, #tpu.memory_space<hbm>>
        tpu.enqueue_dma source(%arg7 : memref<128x128xf32, #tpu.memory_space<vmem>>) target(%dma_start3A_253 : memref<128x128xf32, #tpu.memory_space<hbm>>) target_semaphore(%run_scoped3A : memref<!tpu.dma_semaphore, #tpu.memory_space<semaphore_mem>>)
        %dma_wait3A_254 = arith.constant 0 : i32
        %dma_wait3A_255 = tpu.memref_slice %arg5[%add3A_219, %dma_wait3A_254] : memref<69632x128xf32, #tpu.memory_space<hbm>> -> memref<128x128xf32, #tpu.memory_space<hbm>>
        %dma_wait3A_256 = arith.constant 0 : i32
        %dma_wait3A_257 = tpu.memref_slice %arg5[%add3A_219, %dma_wait3A_256] : memref<69632x128xf32, #tpu.memory_space<hbm>> -> memref<128x128xf32, #tpu.memory_space<hbm>>
        tpu.wait_dma2 semaphore(%run_scoped3A : memref<!tpu.dma_semaphore, #tpu.memory_space<semaphore_mem>>) src(%arg7 : memref<128x128xf32, #tpu.memory_space<vmem>>) dst(%dma_wait3A_257 : memref<128x128xf32, #tpu.memory_space<hbm>>)
        tpu.yield
      }) : () -> ()
      "tpu.region"() ({
        %run_scoped3A = tpu.sem_alloc : memref<!tpu.dma_semaphore, #tpu.memory_space<semaphore_mem>>
        %dma_start3A_250 = arith.constant 384 : i32
        %dma_start3A_251 = arith.constant 0 : i32
        %dma_start3A_252 = tpu.memref_slice %arg4[%dma_start3A_250, %dma_start3A_251] : memref<1024x128xf32, #tpu.memory_space<hbm>> -> memref<128x128xf32, #tpu.memory_space<hbm>>
        %dma_start3A_253 = arith.constant 384 : i32
        %dma_start3A_254 = arith.constant 0 : i32
        %dma_start3A_255 = tpu.memref_slice %arg4[%dma_start3A_253, %dma_start3A_254] : memref<1024x128xf32, #tpu.memory_space<hbm>> -> memref<128x128xf32, #tpu.memory_space<hbm>>
        tpu.enqueue_dma source(%dma_start3A_255 : memref<128x128xf32, #tpu.memory_space<hbm>>) target(%arg7 : memref<128x128xf32, #tpu.memory_space<vmem>>) target_semaphore(%run_scoped3A : memref<!tpu.dma_semaphore, #tpu.memory_space<semaphore_mem>>)
        %dma_wait3A_256 = arith.constant 384 : i32
        %dma_wait3A_257 = arith.constant 0 : i32
        %dma_wait3A_258 = tpu.memref_slice %arg4[%dma_wait3A_256, %dma_wait3A_257] : memref<1024x128xf32, #tpu.memory_space<hbm>> -> memref<128x128xf32, #tpu.memory_space<hbm>>
        %dma_wait3A_259 = arith.constant 384 : i32
        %dma_wait3A_260 = arith.constant 0 : i32
        %dma_wait3A_261 = tpu.memref_slice %arg4[%dma_wait3A_259, %dma_wait3A_260] : memref<1024x128xf32, #tpu.memory_space<hbm>> -> memref<128x128xf32, #tpu.memory_space<hbm>>
        tpu.wait_dma2 semaphore(%run_scoped3A : memref<!tpu.dma_semaphore, #tpu.memory_space<semaphore_mem>>) src(%dma_wait3A_261 : memref<128x128xf32, #tpu.memory_space<hbm>>) dst(%arg7 : memref<128x128xf32, #tpu.memory_space<vmem>>)
        tpu.yield
      }) : () -> ()
      %mul3A_220 = arith.constant 17408 : i32
      %mul3A_221 = arith.muli %select_n3A, %mul3A_220 : i32
      %add3A_222 = arith.constant 16384 : i32
      %add3A_223 = arith.addi %mul3A_221, %add3A_222 : i32
      %add3A_224 = arith.constant 384 : i32
      %add3A_225 = arith.addi %add3A_223, %add3A_224 : i32
      "tpu.region"() ({
        %run_scoped3A = tpu.sem_alloc : memref<!tpu.dma_semaphore, #tpu.memory_space<semaphore_mem>>
        %dma_start3A_250 = arith.constant 0 : i32
        %dma_start3A_251 = tpu.memref_slice %arg5[%add3A_225, %dma_start3A_250] : memref<69632x128xf32, #tpu.memory_space<hbm>> -> memref<128x128xf32, #tpu.memory_space<hbm>>
        %dma_start3A_252 = arith.constant 0 : i32
        %dma_start3A_253 = tpu.memref_slice %arg5[%add3A_225, %dma_start3A_252] : memref<69632x128xf32, #tpu.memory_space<hbm>> -> memref<128x128xf32, #tpu.memory_space<hbm>>
        tpu.enqueue_dma source(%arg7 : memref<128x128xf32, #tpu.memory_space<vmem>>) target(%dma_start3A_253 : memref<128x128xf32, #tpu.memory_space<hbm>>) target_semaphore(%run_scoped3A : memref<!tpu.dma_semaphore, #tpu.memory_space<semaphore_mem>>)
        %dma_wait3A_254 = arith.constant 0 : i32
        %dma_wait3A_255 = tpu.memref_slice %arg5[%add3A_225, %dma_wait3A_254] : memref<69632x128xf32, #tpu.memory_space<hbm>> -> memref<128x128xf32, #tpu.memory_space<hbm>>
        %dma_wait3A_256 = arith.constant 0 : i32
        %dma_wait3A_257 = tpu.memref_slice %arg5[%add3A_225, %dma_wait3A_256] : memref<69632x128xf32, #tpu.memory_space<hbm>> -> memref<128x128xf32, #tpu.memory_space<hbm>>
        tpu.wait_dma2 semaphore(%run_scoped3A : memref<!tpu.dma_semaphore, #tpu.memory_space<semaphore_mem>>) src(%arg7 : memref<128x128xf32, #tpu.memory_space<vmem>>) dst(%dma_wait3A_257 : memref<128x128xf32, #tpu.memory_space<hbm>>)
        tpu.yield
      }) : () -> ()
      "tpu.region"() ({
        %run_scoped3A = tpu.sem_alloc : memref<!tpu.dma_semaphore, #tpu.memory_space<semaphore_mem>>
        %dma_start3A_250 = arith.constant 512 : i32
        %dma_start3A_251 = arith.constant 0 : i32
        %dma_start3A_252 = tpu.memref_slice %arg4[%dma_start3A_250, %dma_start3A_251] : memref<1024x128xf32, #tpu.memory_space<hbm>> -> memref<128x128xf32, #tpu.memory_space<hbm>>
        %dma_start3A_253 = arith.constant 512 : i32
        %dma_start3A_254 = arith.constant 0 : i32
        %dma_start3A_255 = tpu.memref_slice %arg4[%dma_start3A_253, %dma_start3A_254] : memref<1024x128xf32, #tpu.memory_space<hbm>> -> memref<128x128xf32, #tpu.memory_space<hbm>>
        tpu.enqueue_dma source(%dma_start3A_255 : memref<128x128xf32, #tpu.memory_space<hbm>>) target(%arg7 : memref<128x128xf32, #tpu.memory_space<vmem>>) target_semaphore(%run_scoped3A : memref<!tpu.dma_semaphore, #tpu.memory_space<semaphore_mem>>)
        %dma_wait3A_256 = arith.constant 512 : i32
        %dma_wait3A_257 = arith.constant 0 : i32
        %dma_wait3A_258 = tpu.memref_slice %arg4[%dma_wait3A_256, %dma_wait3A_257] : memref<1024x128xf32, #tpu.memory_space<hbm>> -> memref<128x128xf32, #tpu.memory_space<hbm>>
        %dma_wait3A_259 = arith.constant 512 : i32
        %dma_wait3A_260 = arith.constant 0 : i32
        %dma_wait3A_261 = tpu.memref_slice %arg4[%dma_wait3A_259, %dma_wait3A_260] : memref<1024x128xf32, #tpu.memory_space<hbm>> -> memref<128x128xf32, #tpu.memory_space<hbm>>
        tpu.wait_dma2 semaphore(%run_scoped3A : memref<!tpu.dma_semaphore, #tpu.memory_space<semaphore_mem>>) src(%dma_wait3A_261 : memref<128x128xf32, #tpu.memory_space<hbm>>) dst(%arg7 : memref<128x128xf32, #tpu.memory_space<vmem>>)
        tpu.yield
      }) : () -> ()
      %mul3A_226 = arith.constant 17408 : i32
      %mul3A_227 = arith.muli %select_n3A, %mul3A_226 : i32
      %add3A_228 = arith.constant 16384 : i32
      %add3A_229 = arith.addi %mul3A_227, %add3A_228 : i32
      %add3A_230 = arith.constant 512 : i32
      %add3A_231 = arith.addi %add3A_229, %add3A_230 : i32
      "tpu.region"() ({
        %run_scoped3A = tpu.sem_alloc : memref<!tpu.dma_semaphore, #tpu.memory_space<semaphore_mem>>
        %dma_start3A_250 = arith.constant 0 : i32
        %dma_start3A_251 = tpu.memref_slice %arg5[%add3A_231, %dma_start3A_250] : memref<69632x128xf32, #tpu.memory_space<hbm>> -> memref<128x128xf32, #tpu.memory_space<hbm>>
        %dma_start3A_252 = arith.constant 0 : i32
        %dma_start3A_253 = tpu.memref_slice %arg5[%add3A_231, %dma_start3A_252] : memref<69632x128xf32, #tpu.memory_space<hbm>> -> memref<128x128xf32, #tpu.memory_space<hbm>>
        tpu.enqueue_dma source(%arg7 : memref<128x128xf32, #tpu.memory_space<vmem>>) target(%dma_start3A_253 : memref<128x128xf32, #tpu.memory_space<hbm>>) target_semaphore(%run_scoped3A : memref<!tpu.dma_semaphore, #tpu.memory_space<semaphore_mem>>)
        %dma_wait3A_254 = arith.constant 0 : i32
        %dma_wait3A_255 = tpu.memref_slice %arg5[%add3A_231, %dma_wait3A_254] : memref<69632x128xf32, #tpu.memory_space<hbm>> -> memref<128x128xf32, #tpu.memory_space<hbm>>
        %dma_wait3A_256 = arith.constant 0 : i32
        %dma_wait3A_257 = tpu.memref_slice %arg5[%add3A_231, %dma_wait3A_256] : memref<69632x128xf32, #tpu.memory_space<hbm>> -> memref<128x128xf32, #tpu.memory_space<hbm>>
        tpu.wait_dma2 semaphore(%run_scoped3A : memref<!tpu.dma_semaphore, #tpu.memory_space<semaphore_mem>>) src(%arg7 : memref<128x128xf32, #tpu.memory_space<vmem>>) dst(%dma_wait3A_257 : memref<128x128xf32, #tpu.memory_space<hbm>>)
        tpu.yield
      }) : () -> ()
      "tpu.region"() ({
        %run_scoped3A = tpu.sem_alloc : memref<!tpu.dma_semaphore, #tpu.memory_space<semaphore_mem>>
        %dma_start3A_250 = arith.constant 640 : i32
        %dma_start3A_251 = arith.constant 0 : i32
        %dma_start3A_252 = tpu.memref_slice %arg4[%dma_start3A_250, %dma_start3A_251] : memref<1024x128xf32, #tpu.memory_space<hbm>> -> memref<128x128xf32, #tpu.memory_space<hbm>>
        %dma_start3A_253 = arith.constant 640 : i32
        %dma_start3A_254 = arith.constant 0 : i32
        %dma_start3A_255 = tpu.memref_slice %arg4[%dma_start3A_253, %dma_start3A_254] : memref<1024x128xf32, #tpu.memory_space<hbm>> -> memref<128x128xf32, #tpu.memory_space<hbm>>
        tpu.enqueue_dma source(%dma_start3A_255 : memref<128x128xf32, #tpu.memory_space<hbm>>) target(%arg7 : memref<128x128xf32, #tpu.memory_space<vmem>>) target_semaphore(%run_scoped3A : memref<!tpu.dma_semaphore, #tpu.memory_space<semaphore_mem>>)
        %dma_wait3A_256 = arith.constant 640 : i32
        %dma_wait3A_257 = arith.constant 0 : i32
        %dma_wait3A_258 = tpu.memref_slice %arg4[%dma_wait3A_256, %dma_wait3A_257] : memref<1024x128xf32, #tpu.memory_space<hbm>> -> memref<128x128xf32, #tpu.memory_space<hbm>>
        %dma_wait3A_259 = arith.constant 640 : i32
        %dma_wait3A_260 = arith.constant 0 : i32
        %dma_wait3A_261 = tpu.memref_slice %arg4[%dma_wait3A_259, %dma_wait3A_260] : memref<1024x128xf32, #tpu.memory_space<hbm>> -> memref<128x128xf32, #tpu.memory_space<hbm>>
        tpu.wait_dma2 semaphore(%run_scoped3A : memref<!tpu.dma_semaphore, #tpu.memory_space<semaphore_mem>>) src(%dma_wait3A_261 : memref<128x128xf32, #tpu.memory_space<hbm>>) dst(%arg7 : memref<128x128xf32, #tpu.memory_space<vmem>>)
        tpu.yield
      }) : () -> ()
      %mul3A_232 = arith.constant 17408 : i32
      %mul3A_233 = arith.muli %select_n3A, %mul3A_232 : i32
      %add3A_234 = arith.constant 16384 : i32
      %add3A_235 = arith.addi %mul3A_233, %add3A_234 : i32
      %add3A_236 = arith.constant 640 : i32
      %add3A_237 = arith.addi %add3A_235, %add3A_236 : i32
      "tpu.region"() ({
        %run_scoped3A = tpu.sem_alloc : memref<!tpu.dma_semaphore, #tpu.memory_space<semaphore_mem>>
        %dma_start3A_250 = arith.constant 0 : i32
        %dma_start3A_251 = tpu.memref_slice %arg5[%add3A_237, %dma_start3A_250] : memref<69632x128xf32, #tpu.memory_space<hbm>> -> memref<128x128xf32, #tpu.memory_space<hbm>>
        %dma_start3A_252 = arith.constant 0 : i32
        %dma_start3A_253 = tpu.memref_slice %arg5[%add3A_237, %dma_start3A_252] : memref<69632x128xf32, #tpu.memory_space<hbm>> -> memref<128x128xf32, #tpu.memory_space<hbm>>
        tpu.enqueue_dma source(%arg7 : memref<128x128xf32, #tpu.memory_space<vmem>>) target(%dma_start3A_253 : memref<128x128xf32, #tpu.memory_space<hbm>>) target_semaphore(%run_scoped3A : memref<!tpu.dma_semaphore, #tpu.memory_space<semaphore_mem>>)
        %dma_wait3A_254 = arith.constant 0 : i32
        %dma_wait3A_255 = tpu.memref_slice %arg5[%add3A_237, %dma_wait3A_254] : memref<69632x128xf32, #tpu.memory_space<hbm>> -> memref<128x128xf32, #tpu.memory_space<hbm>>
        %dma_wait3A_256 = arith.constant 0 : i32
        %dma_wait3A_257 = tpu.memref_slice %arg5[%add3A_237, %dma_wait3A_256] : memref<69632x128xf32, #tpu.memory_space<hbm>> -> memref<128x128xf32, #tpu.memory_space<hbm>>
        tpu.wait_dma2 semaphore(%run_scoped3A : memref<!tpu.dma_semaphore, #tpu.memory_space<semaphore_mem>>) src(%arg7 : memref<128x128xf32, #tpu.memory_space<vmem>>) dst(%dma_wait3A_257 : memref<128x128xf32, #tpu.memory_space<hbm>>)
        tpu.yield
      }) : () -> ()
      "tpu.region"() ({
        %run_scoped3A = tpu.sem_alloc : memref<!tpu.dma_semaphore, #tpu.memory_space<semaphore_mem>>
        %dma_start3A_250 = arith.constant 768 : i32
        %dma_start3A_251 = arith.constant 0 : i32
        %dma_start3A_252 = tpu.memref_slice %arg4[%dma_start3A_250, %dma_start3A_251] : memref<1024x128xf32, #tpu.memory_space<hbm>> -> memref<128x128xf32, #tpu.memory_space<hbm>>
        %dma_start3A_253 = arith.constant 768 : i32
        %dma_start3A_254 = arith.constant 0 : i32
        %dma_start3A_255 = tpu.memref_slice %arg4[%dma_start3A_253, %dma_start3A_254] : memref<1024x128xf32, #tpu.memory_space<hbm>> -> memref<128x128xf32, #tpu.memory_space<hbm>>
        tpu.enqueue_dma source(%dma_start3A_255 : memref<128x128xf32, #tpu.memory_space<hbm>>) target(%arg7 : memref<128x128xf32, #tpu.memory_space<vmem>>) target_semaphore(%run_scoped3A : memref<!tpu.dma_semaphore, #tpu.memory_space<semaphore_mem>>)
        %dma_wait3A_256 = arith.constant 768 : i32
        %dma_wait3A_257 = arith.constant 0 : i32
        %dma_wait3A_258 = tpu.memref_slice %arg4[%dma_wait3A_256, %dma_wait3A_257] : memref<1024x128xf32, #tpu.memory_space<hbm>> -> memref<128x128xf32, #tpu.memory_space<hbm>>
        %dma_wait3A_259 = arith.constant 768 : i32
        %dma_wait3A_260 = arith.constant 0 : i32
        %dma_wait3A_261 = tpu.memref_slice %arg4[%dma_wait3A_259, %dma_wait3A_260] : memref<1024x128xf32, #tpu.memory_space<hbm>> -> memref<128x128xf32, #tpu.memory_space<hbm>>
        tpu.wait_dma2 semaphore(%run_scoped3A : memref<!tpu.dma_semaphore, #tpu.memory_space<semaphore_mem>>) src(%dma_wait3A_261 : memref<128x128xf32, #tpu.memory_space<hbm>>) dst(%arg7 : memref<128x128xf32, #tpu.memory_space<vmem>>)
        tpu.yield
      }) : () -> ()
      %mul3A_238 = arith.constant 17408 : i32
      %mul3A_239 = arith.muli %select_n3A, %mul3A_238 : i32
      %add3A_240 = arith.constant 16384 : i32
      %add3A_241 = arith.addi %mul3A_239, %add3A_240 : i32
      %add3A_242 = arith.constant 768 : i32
      %add3A_243 = arith.addi %add3A_241, %add3A_242 : i32
      "tpu.region"() ({
        %run_scoped3A = tpu.sem_alloc : memref<!tpu.dma_semaphore, #tpu.memory_space<semaphore_mem>>
        %dma_start3A_250 = arith.constant 0 : i32
        %dma_start3A_251 = tpu.memref_slice %arg5[%add3A_243, %dma_start3A_250] : memref<69632x128xf32, #tpu.memory_space<hbm>> -> memref<128x128xf32, #tpu.memory_space<hbm>>
        %dma_start3A_252 = arith.constant 0 : i32
        %dma_start3A_253 = tpu.memref_slice %arg5[%add3A_243, %dma_start3A_252] : memref<69632x128xf32, #tpu.memory_space<hbm>> -> memref<128x128xf32, #tpu.memory_space<hbm>>
        tpu.enqueue_dma source(%arg7 : memref<128x128xf32, #tpu.memory_space<vmem>>) target(%dma_start3A_253 : memref<128x128xf32, #tpu.memory_space<hbm>>) target_semaphore(%run_scoped3A : memref<!tpu.dma_semaphore, #tpu.memory_space<semaphore_mem>>)
        %dma_wait3A_254 = arith.constant 0 : i32
        %dma_wait3A_255 = tpu.memref_slice %arg5[%add3A_243, %dma_wait3A_254] : memref<69632x128xf32, #tpu.memory_space<hbm>> -> memref<128x128xf32, #tpu.memory_space<hbm>>
        %dma_wait3A_256 = arith.constant 0 : i32
        %dma_wait3A_257 = tpu.memref_slice %arg5[%add3A_243, %dma_wait3A_256] : memref<69632x128xf32, #tpu.memory_space<hbm>> -> memref<128x128xf32, #tpu.memory_space<hbm>>
        tpu.wait_dma2 semaphore(%run_scoped3A : memref<!tpu.dma_semaphore, #tpu.memory_space<semaphore_mem>>) src(%arg7 : memref<128x128xf32, #tpu.memory_space<vmem>>) dst(%dma_wait3A_257 : memref<128x128xf32, #tpu.memory_space<hbm>>)
        tpu.yield
      }) : () -> ()
      "tpu.region"() ({
        %run_scoped3A = tpu.sem_alloc : memref<!tpu.dma_semaphore, #tpu.memory_space<semaphore_mem>>
        %dma_start3A_250 = arith.constant 896 : i32
        %dma_start3A_251 = arith.constant 0 : i32
        %dma_start3A_252 = tpu.memref_slice %arg4[%dma_start3A_250, %dma_start3A_251] : memref<1024x128xf32, #tpu.memory_space<hbm>> -> memref<128x128xf32, #tpu.memory_space<hbm>>
        %dma_start3A_253 = arith.constant 896 : i32
        %dma_start3A_254 = arith.constant 0 : i32
        %dma_start3A_255 = tpu.memref_slice %arg4[%dma_start3A_253, %dma_start3A_254] : memref<1024x128xf32, #tpu.memory_space<hbm>> -> memref<128x128xf32, #tpu.memory_space<hbm>>
        tpu.enqueue_dma source(%dma_start3A_255 : memref<128x128xf32, #tpu.memory_space<hbm>>) target(%arg7 : memref<128x128xf32, #tpu.memory_space<vmem>>) target_semaphore(%run_scoped3A : memref<!tpu.dma_semaphore, #tpu.memory_space<semaphore_mem>>)
        %dma_wait3A_256 = arith.constant 896 : i32
        %dma_wait3A_257 = arith.constant 0 : i32
        %dma_wait3A_258 = tpu.memref_slice %arg4[%dma_wait3A_256, %dma_wait3A_257] : memref<1024x128xf32, #tpu.memory_space<hbm>> -> memref<128x128xf32, #tpu.memory_space<hbm>>
        %dma_wait3A_259 = arith.constant 896 : i32
        %dma_wait3A_260 = arith.constant 0 : i32
        %dma_wait3A_261 = tpu.memref_slice %arg4[%dma_wait3A_259, %dma_wait3A_260] : memref<1024x128xf32, #tpu.memory_space<hbm>> -> memref<128x128xf32, #tpu.memory_space<hbm>>
        tpu.wait_dma2 semaphore(%run_scoped3A : memref<!tpu.dma_semaphore, #tpu.memory_space<semaphore_mem>>) src(%dma_wait3A_261 : memref<128x128xf32, #tpu.memory_space<hbm>>) dst(%arg7 : memref<128x128xf32, #tpu.memory_space<vmem>>)
        tpu.yield
      }) : () -> ()
      %mul3A_244 = arith.constant 17408 : i32
      %mul3A_245 = arith.muli %select_n3A, %mul3A_244 : i32
      %add3A_246 = arith.constant 16384 : i32
      %add3A_247 = arith.addi %mul3A_245, %add3A_246 : i32
      %add3A_248 = arith.constant 896 : i32
      %add3A_249 = arith.addi %add3A_247, %add3A_248 : i32
      "tpu.region"() ({
        %run_scoped3A = tpu.sem_alloc : memref<!tpu.dma_semaphore, #tpu.memory_space<semaphore_mem>>
        %dma_start3A_250 = arith.constant 0 : i32
        %dma_start3A_251 = tpu.memref_slice %arg5[%add3A_249, %dma_start3A_250] : memref<69632x128xf32, #tpu.memory_space<hbm>> -> memref<128x128xf32, #tpu.memory_space<hbm>>
        %dma_start3A_252 = arith.constant 0 : i32
        %dma_start3A_253 = tpu.memref_slice %arg5[%add3A_249, %dma_start3A_252] : memref<69632x128xf32, #tpu.memory_space<hbm>> -> memref<128x128xf32, #tpu.memory_space<hbm>>
        tpu.enqueue_dma source(%arg7 : memref<128x128xf32, #tpu.memory_space<vmem>>) target(%dma_start3A_253 : memref<128x128xf32, #tpu.memory_space<hbm>>) target_semaphore(%run_scoped3A : memref<!tpu.dma_semaphore, #tpu.memory_space<semaphore_mem>>)
        %dma_wait3A_254 = arith.constant 0 : i32
        %dma_wait3A_255 = tpu.memref_slice %arg5[%add3A_249, %dma_wait3A_254] : memref<69632x128xf32, #tpu.memory_space<hbm>> -> memref<128x128xf32, #tpu.memory_space<hbm>>
        %dma_wait3A_256 = arith.constant 0 : i32
        %dma_wait3A_257 = tpu.memref_slice %arg5[%add3A_249, %dma_wait3A_256] : memref<69632x128xf32, #tpu.memory_space<hbm>> -> memref<128x128xf32, #tpu.memory_space<hbm>>
        tpu.wait_dma2 semaphore(%run_scoped3A : memref<!tpu.dma_semaphore, #tpu.memory_space<semaphore_mem>>) src(%arg7 : memref<128x128xf32, #tpu.memory_space<vmem>>) dst(%dma_wait3A_257 : memref<128x128xf32, #tpu.memory_space<hbm>>)
        tpu.yield
      }) : () -> ()
    } else {
    }
    return
  }
}

module attributes {stable_mosaic.version = 14 : i64} {
  func.func @_cw_body(%arg0: i32, %arg1: memref<1x16384x128xf32, #tpu.memory_space<vmem>>, %arg2: memref<1x1x16384xf32, #tpu.memory_space<vmem>>) attributes {dimension_semantics = [#tpu.dimension_semantics<arbitrary>], iteration_bounds = array<i64: 4>, scalar_prefetch = 0 : i64, scratch_operands = 0 : i64, tpu.core_type = #tpu.core_type<tc>, window_params = [{transform_indices = @transform_0, window_bounds = array<i64: 1, 16384, 128>}, {transform_indices = @transform_1, window_bounds = array<i64: 1, 1, 16384>}]} {
    %get3A = arith.constant 0 : index
    %get3A_0 = arith.constant 0 : index
    %get3A_1 = arith.constant 0 : index
    %get3A_2 = vector.load %arg1[%get3A, %get3A_0, %get3A_1] : memref<1x16384x128xf32, #tpu.memory_space<vmem>>, vector<1x16384x128xf32>
    %get3A_3 = vector.shape_cast %get3A_2 : vector<1x16384x128xf32> to vector<16384x128xf32>
    %broadcast_in_dim3A = arith.constant 1.000000e+00 : f32
    %broadcast_in_dim3A_4 = vector.broadcast %broadcast_in_dim3A : f32 to vector<1x128xf32>
    %mul3A = arith.mulf %get3A_3, %get3A_3 : vector<16384x128xf32>
    %dot_general3A = arith.constant dense<0.000000e+00> : vector<1x16384xf32>
    %dot_general3A_5 = tpu.matmul %broadcast_in_dim3A_4, %mul3A, %dot_general3A {dimension_numbers = #tpu.dot_dimension_numbers<[1], [1], [0], [0], [0, 0, 1, 0], [], []>, transpose_lhs_hint = false} : vector<1x128xf32>, vector<16384x128xf32>, vector<1x16384xf32> -> vector<1x16384xf32>
    %reduce_max3A = vector.shape_cast %dot_general3A_5 : vector<1x16384xf32> to vector<1x1x16384xf32>
    %reduce_max3A_6 = arith.constant dense<0xFF800000> : vector<1xf32>
    %reduce_max3A_7 = vector.multi_reduction <maximumf>, %reduce_max3A, %reduce_max3A_6 [1, 2] : vector<1x1x16384xf32> to vector<1xf32>
    %reduce_max3A_8 = vector.shape_cast %reduce_max3A_7 : vector<1xf32> to vector<1x1x1xf32>
    %reduce_max3A_9 = vector.extract %reduce_max3A_8[0, 0, 0] : f32 from vector<1x1x1xf32>
    %iota3A = tpu.iota {dimensions = array<i32: 1>} : vector<1x16384xi32>
    %eq3A = vector.broadcast %reduce_max3A_9 : f32 to vector<1x16384xf32>
    %eq3A_10 = arith.cmpf oeq, %dot_general3A_5, %eq3A : vector<1x16384xf32>
    %jit3A = arith.constant 16384 : i32
    %broadcast_in_dim3A_11 = vector.broadcast %jit3A : i32 to vector<1x16384xi32>
    %select_n3A = arith.select %eq3A_10, %iota3A, %broadcast_in_dim3A_11 : vector<1x16384xi1>, vector<1x16384xi32>
    %reduce_min3A = vector.shape_cast %select_n3A : vector<1x16384xi32> to vector<1x1x16384xi32>
    %reduce_min3A_12 = arith.constant dense<2147483647> : vector<1xi32>
    %reduce_min3A_13 = vector.multi_reduction <minsi>, %reduce_min3A, %reduce_min3A_12 [1, 2] : vector<1x1x16384xi32> to vector<1xi32>
    %reduce_min3A_14 = vector.shape_cast %reduce_min3A_13 : vector<1xi32> to vector<1x1x1xi32>
    %reduce_min3A_15 = vector.extract %reduce_min3A_14[0, 0, 0] : i32 from vector<1x1x1xi32>
    %eq3A_16 = vector.broadcast %reduce_min3A_15 : i32 to vector<1x16384xi32>
    %eq3A_17 = arith.cmpi eq, %iota3A, %eq3A_16 : vector<1x16384xi32>
    %convert_element_type3A = arith.extui %eq3A_17 : vector<1x16384xi1> to vector<1x16384xi32>
    %convert_element_type3A_18 = arith.sitofp %convert_element_type3A : vector<1x16384xi32> to vector<1x16384xf32>
    %dot_general3A_19 = arith.constant dense<0.000000e+00> : vector<1x128xf32>
    %dot_general3A_20 = tpu.matmul %convert_element_type3A_18, %get3A_3, %dot_general3A_19 {dimension_numbers = #tpu.dot_dimension_numbers<[1], [0], [0], [1], [0, 0, 1, 1], [], []>, transpose_lhs_hint = false} : vector<1x16384xf32>, vector<16384x128xf32>, vector<1x128xf32> -> vector<1x128xf32>
    %mul3A_21 = arith.mulf %dot_general3A_20, %dot_general3A_20 : vector<1x128xf32>
    %reduce_sum3A = vector.shape_cast %mul3A_21 : vector<1x128xf32> to vector<1x1x128xf32>
    %reduce_sum3A_22 = arith.constant dense<0.000000e+00> : vector<1xf32>
    %reduce_sum3A_23 = vector.multi_reduction <add>, %reduce_sum3A, %reduce_sum3A_22 [1, 2] : vector<1x1x128xf32> to vector<1xf32>
    %reduce_sum3A_24 = vector.shape_cast %reduce_sum3A_23 : vector<1xf32> to vector<1x1x1xf32>
    %reduce_sum3A_25 = vector.extract %reduce_sum3A_24[0, 0, 0] : f32 from vector<1x1x1xf32>
    %sqrt3A = math.sqrt %reduce_sum3A_25 : f32
    %dot_general3A_26 = arith.constant dense<0.000000e+00> : vector<1x16384xf32>
    %dot_general3A_27 = tpu.matmul %dot_general3A_20, %get3A_3, %dot_general3A_26 {dimension_numbers = #tpu.dot_dimension_numbers<[1], [1], [0], [0], [0, 0, 1, 0], [], []>, transpose_lhs_hint = false} : vector<1x128xf32>, vector<16384x128xf32>, vector<1x16384xf32> -> vector<1x16384xf32>
    %sqrt3A_28 = math.sqrt %dot_general3A_5 : vector<1x16384xf32>
    %mul3A_29 = vector.broadcast %sqrt3A : f32 to vector<1x16384xf32>
    %mul3A_30 = arith.mulf %mul3A_29, %sqrt3A_28 : vector<1x16384xf32>
    %max3A = arith.constant 9.99999993E-9 : f32
    %max3A_31 = vector.broadcast %max3A : f32 to vector<1x16384xf32>
    %max3A_32 = arith.maximumf %mul3A_30, %max3A_31 : vector<1x16384xf32>
    %div3A = arith.divf %dot_general3A_27, %max3A_32 : vector<1x16384xf32>
    %swap3A = arith.constant 0 : index
    %swap3A_33 = arith.constant 0 : index
    %swap3A_34 = arith.constant 0 : index
    %swap3A_35 = vector.load %arg2[%swap3A, %swap3A_33, %swap3A_34] : memref<1x1x16384xf32, #tpu.memory_space<vmem>>, vector<1x1x16384xf32>
    %swap3A_36 = vector.shape_cast %swap3A_35 : vector<1x1x16384xf32> to vector<1x16384xf32>
    %swap3A_37 = vector.shape_cast %div3A : vector<1x16384xf32> to vector<1x1x16384xf32>
    tpu.vector_store %arg2[%swap3A, %swap3A_33, %swap3A_34], %swap3A_37 {strides = array<i32>} : memref<1x1x16384xf32, #tpu.memory_space<vmem>>, vector<1x1x16384xf32>,
    return
  }
  func.func @transform_0(%arg0: i32) -> (i32, i32, i32) {
    %c0_i32 = arith.constant 0 : i32
    %c0_i32_0 = arith.constant 0 : i32
    %c0_i32_1 = arith.constant 0 : i32
    return %arg0, %c0_i32, %c0_i32_0 : i32, i32, i32
  }
  func.func @transform_1(%arg0: i32) -> (i32, i32, i32) {
    %c0_i32 = arith.constant 0 : i32
    %c0_i32_0 = arith.constant 0 : i32
    %c0_i32_1 = arith.constant 0 : i32
    return %arg0, %c0_i32, %c0_i32_0 : i32, i32, i32
  }
}

module attributes {stable_mosaic.version = 14 : i64} {
  func.func @_proj_body(%arg0: i32, %arg1: i32, %arg2: memref<1x2048x64xf32, #tpu.memory_space<vmem>>, %arg3: memref<64x128xf32, #tpu.memory_space<vmem>>, %arg4: memref<1x128xf32, #tpu.memory_space<vmem>>, %arg5: memref<1x2048x128xf32, #tpu.memory_space<vmem>>) attributes {dimension_semantics = [#tpu.dimension_semantics<arbitrary>, #tpu.dimension_semantics<arbitrary>], iteration_bounds = array<i64: 4, 8>, scalar_prefetch = 0 : i64, scratch_operands = 0 : i64, tpu.core_type = #tpu.core_type<tc>, window_params = [{transform_indices = @transform_0, window_bounds = array<i64: 1, 2048, 64>}, {pipeline_mode = #tpu.pipeline_mode<synchronous>, transform_indices = @transform_1, window_bounds = array<i64: 64, 128>}, {pipeline_mode = #tpu.pipeline_mode<synchronous>, transform_indices = @transform_2, window_bounds = array<i64: 1, 128>}, {transform_indices = @transform_3, window_bounds = array<i64: 1, 2048, 128>}]} {
    %get3A = arith.constant 0 : index
    %get3A_0 = arith.constant 0 : index
    %get3A_1 = arith.constant 0 : index
    %get3A_2 = vector.load %arg2[%get3A, %get3A_0, %get3A_1] : memref<1x2048x64xf32, #tpu.memory_space<vmem>>, vector<1x2048x64xf32>
    %get3A_3 = vector.shape_cast %get3A_2 : vector<1x2048x64xf32> to vector<2048x64xf32>
    %get3A_4 = arith.constant 0 : index
    %get3A_5 = arith.constant 0 : index
    %get3A_6 = vector.load %arg3[%get3A_4, %get3A_5] : memref<64x128xf32, #tpu.memory_space<vmem>>, vector<64x128xf32>
    %dot_general3A = arith.constant dense<0.000000e+00> : vector<2048x128xf32>
    %dot_general3A_7 = tpu.matmul %get3A_3, %get3A_6, %dot_general3A {dimension_numbers = #tpu.dot_dimension_numbers<[1], [0], [0], [1], [0, 0, 1, 1], [], []>, transpose_lhs_hint = false} : vector<2048x64xf32>, vector<64x128xf32>, vector<2048x128xf32> -> vector<2048x128xf32>
    %get3A_8 = arith.constant 0 : index
    %get3A_9 = arith.constant 0 : index
    %get3A_10 = vector.load %arg4[%get3A_8, %get3A_9] : memref<1x128xf32, #tpu.memory_space<vmem>>, vector<1x128xf32>
    %add3A = vector.broadcast %get3A_10 : vector<1x128xf32> to vector<2048x128xf32>
    %add3A_11 = arith.addf %dot_general3A_7, %add3A : vector<2048x128xf32>
    %swap3A = arith.constant 0 : index
    %swap3A_12 = arith.constant 0 : index
    %swap3A_13 = arith.constant 0 : index
    %swap3A_14 = vector.load %arg5[%swap3A, %swap3A_12, %swap3A_13] : memref<1x2048x128xf32, #tpu.memory_space<vmem>>, vector<1x2048x128xf32>
    %swap3A_15 = vector.shape_cast %swap3A_14 : vector<1x2048x128xf32> to vector<2048x128xf32>
    %swap3A_16 = vector.shape_cast %add3A_11 : vector<2048x128xf32> to vector<1x2048x128xf32>
    tpu.vector_store %arg5[%swap3A, %swap3A_12, %swap3A_13], %swap3A_16 {strides = array<i32>} : memref<1x2048x128xf32, #tpu.memory_space<vmem>>, vector<1x2048x128xf32>,
    return
  }
  func.func @transform_0(%arg0: i32, %arg1: i32) -> (i32, i32, i32) {
    %c0_i32 = arith.constant 0 : i32
    %c0_i32_0 = arith.constant 0 : i32
    return %arg0, %arg1, %c0_i32 : i32, i32, i32
  }
  func.func @transform_1(%arg0: i32, %arg1: i32) -> (i32, i32) {
    %c0_i32 = arith.constant 0 : i32
    %c0_i32_0 = arith.constant 0 : i32
    %c0_i32_1 = arith.constant 0 : i32
    return %c0_i32, %c0_i32_0 : i32, i32
  }
  func.func @transform_2(%arg0: i32, %arg1: i32) -> (i32, i32) {
    %c0_i32 = arith.constant 0 : i32
    %c0_i32_0 = arith.constant 0 : i32
    %c0_i32_1 = arith.constant 0 : i32
    return %c0_i32, %c0_i32_0 : i32, i32
  }
  func.func @transform_3(%arg0: i32, %arg1: i32) -> (i32, i32, i32) {
    %c0_i32 = arith.constant 0 : i32
    %c0_i32_0 = arith.constant 0 : i32
    return %arg0, %arg1, %c0_i32 : i32, i32, i32
  }
}

module attributes {stable_mosaic.version = 14 : i64} {
  func.func @_gau_body(%arg0: i32, %arg1: i32, %arg2: memref<1x1024x128xf32, #tpu.memory_space<vmem>>, %arg3: memref<2x128xf32, #tpu.memory_space<vmem>>, %arg4: memref<2x128xf32, #tpu.memory_space<vmem>>, %arg5: memref<2x128x512xf32, #tpu.memory_space<vmem>>, %arg6: memref<2x512xf32, #tpu.memory_space<vmem>>, %arg7: memref<2x128x64xf32, #tpu.memory_space<vmem>>, %arg8: memref<2x64xf32, #tpu.memory_space<vmem>>, %arg9: memref<4x64xf32, #tpu.memory_space<vmem>>, %arg10: memref<4x64xf32, #tpu.memory_space<vmem>>, %arg11: memref<2x256x128xf32, #tpu.memory_space<vmem>>, %arg12: memref<2x128xf32, #tpu.memory_space<vmem>>, %arg13: memref<1x128xf32, #tpu.memory_space<vmem>>, %arg14: memref<1x128xf32, #tpu.memory_space<vmem>>, %arg15: memref<128x128xf32, #tpu.memory_space<vmem>>, %arg16: memref<1x128xf32, #tpu.memory_space<vmem>>, %arg17: memref<1x16x128xf32, #tpu.memory_space<vmem>>, %arg18: memref<1x16x128xf32, #tpu.memory_space<vmem>>) attributes {dimension_semantics = [#tpu.dimension_semantics<arbitrary>, #tpu.dimension_semantics<arbitrary>], iteration_bounds = array<i64: 4, 17>, scalar_prefetch = 0 : i64, scratch_operands = 0 : i64, tpu.core_type = #tpu.core_type<tc>, window_params = [{transform_indices = @transform_0, window_bounds = array<i64: 1, 1024, 128>}, {pipeline_mode = #tpu.pipeline_mode<synchronous>, transform_indices = @transform_1, window_bounds = array<i64: 2, 128>}, {pipeline_mode = #tpu.pipeline_mode<synchronous>, transform_indices = @transform_2, window_bounds = array<i64: 2, 128>}, {pipeline_mode = #tpu.pipeline_mode<synchronous>, transform_indices = @transform_3, window_bounds = array<i64: 2, 128, 512>}, {pipeline_mode = #tpu.pipeline_mode<synchronous>, transform_indices = @transform_4, window_bounds = array<i64: 2, 512>}, {pipeline_mode = #tpu.pipeline_mode<synchronous>, transform_indices = @transform_5, window_bounds = array<i64: 2, 128, 64>}, {pipeline_mode = #tpu.pipeline_mode<synchronous>, transform_indices = @transform_6, window_bounds = array<i64: 2, 64>}, {pipeline_mode = #tpu.pipeline_mode<synchronous>, transform_indices = @transform_7, window_bounds = array<i64: 4, 64>}, {pipeline_mode = #tpu.pipeline_mode<synchronous>, transform_indices = @transform_8, window_bounds = array<i64: 4, 64>}, {pipeline_mode = #tpu.pipeline_mode<synchronous>, transform_indices = @transform_9, window_bounds = array<i64: 2, 256, 128>}, {pipeline_mode = #tpu.pipeline_mode<synchronous>, transform_indices = @transform_10, window_bounds = array<i64: 2, 128>}, {pipeline_mode = #tpu.pipeline_mode<synchronous>, transform_indices = @transform_11, window_bounds = array<i64: 1, 128>}, {pipeline_mode = #tpu.pipeline_mode<synchronous>, transform_indices = @transform_12, window_bounds = array<i64: 1, 128>}, {pipeline_mode = #tpu.pipeline_mode<synchronous>, transform_indices = @transform_13, window_bounds = array<i64: 128, 128>}, {pipeline_mode = #tpu.pipeline_mode<synchronous>, transform_indices = @transform_14, window_bounds = array<i64: 1, 128>}, {transform_indices = @transform_15, window_bounds = array<i64: 1, 16, 128>}, {transform_indices = @transform_16, window_bounds = array<i64: 1, 16, 128>}]} {
    %get3A = arith.constant 0 : index
    %get3A_0 = arith.constant 0 : index
    %get3A_1 = arith.constant 0 : index
    %get3A_2 = vector.load %arg2[%get3A, %get3A_0, %get3A_1] : memref<1x1024x128xf32, #tpu.memory_space<vmem>>, vector<1x1024x128xf32>
    %get3A_3 = vector.shape_cast %get3A_2 : vector<1x1024x128xf32> to vector<1024x128xf32>
    %iota3A = tpu.iota {dimensions = array<i32: 0>} : vector<128x128xi32>
    %iota3A_4 = tpu.iota {dimensions = array<i32: 1>} : vector<128x128xi32>
    %jit3A = arith.constant 64 : i32
    %div3A = vector.broadcast %jit3A : i32 to vector<128x128xi32>
    %div3A_5 = arith.divsi %iota3A, %div3A : vector<128x128xi32>
    %sign3A = arith.constant 0 : i32
    %sign3A_6 = vector.broadcast %sign3A : i32 to vector<128x128xi32>
    %sign3A_7 = arith.cmpi sgt, %iota3A, %sign3A_6 : vector<128x128xi32>
    %sign3A_8 = arith.extui %sign3A_7 : vector<128x128xi1> to vector<128x128xi32>
    %sign3A_9 = arith.constant 0 : i32
    %sign3A_10 = vector.broadcast %sign3A_9 : i32 to vector<128x128xi32>
    %sign3A_11 = arith.cmpi slt, %iota3A, %sign3A_10 : vector<128x128xi32>
    %sign3A_12 = arith.extui %sign3A_11 : vector<128x128xi1> to vector<128x128xi32>
    %sign3A_13 = arith.subi %sign3A_8, %sign3A_12 : vector<128x128xi32>
    %sign3A_14 = arith.constant 0 : i32
    %sign3A_15 = arith.cmpi sgt, %jit3A, %sign3A_14 : i32
    %sign3A_16 = arith.extui %sign3A_15 : i1 to i32
    %sign3A_17 = arith.constant 0 : i32
    %sign3A_18 = arith.cmpi slt, %jit3A, %sign3A_17 : i32
    %sign3A_19 = arith.extui %sign3A_18 : i1 to i32
    %sign3A_20 = arith.subi %sign3A_16, %sign3A_19 : i32
    %ne3A = vector.broadcast %sign3A_20 : i32 to vector<128x128xi32>
    %ne3A_21 = arith.cmpi ne, %sign3A_13, %ne3A : vector<128x128xi32>
    %rem3A = vector.broadcast %jit3A : i32 to vector<128x128xi32>
    %rem3A_22 = arith.remsi %iota3A, %rem3A : vector<128x128xi32>
    %ne3A_23 = arith.constant 0 : i32
    %ne3A_24 = vector.broadcast %ne3A_23 : i32 to vector<128x128xi32>
    %ne3A_25 = arith.cmpi ne, %rem3A_22, %ne3A_24 : vector<128x128xi32>
    %and3A = arith.andi %ne3A_21, %ne3A_25 : vector<128x128xi1>
    %sub3A = arith.constant 1 : i32
    %sub3A_26 = vector.broadcast %sub3A : i32 to vector<128x128xi32>
    %sub3A_27 = arith.subi %div3A_5, %sub3A_26 : vector<128x128xi32>
    %select_n3A = arith.select %and3A, %sub3A_27, %div3A_5 : vector<128x128xi1>, vector<128x128xi32>
    %jit3A_28 = arith.constant 64 : i32
    %div3A_29 = vector.broadcast %jit3A_28 : i32 to vector<128x128xi32>
    %div3A_30 = arith.divsi %iota3A_4, %div3A_29 : vector<128x128xi32>
    %sign3A_31 = arith.constant 0 : i32
    %sign3A_32 = vector.broadcast %sign3A_31 : i32 to vector<128x128xi32>
    %sign3A_33 = arith.cmpi sgt, %iota3A_4, %sign3A_32 : vector<128x128xi32>
    %sign3A_34 = arith.extui %sign3A_33 : vector<128x128xi1> to vector<128x128xi32>
    %sign3A_35 = arith.constant 0 : i32
    %sign3A_36 = vector.broadcast %sign3A_35 : i32 to vector<128x128xi32>
    %sign3A_37 = arith.cmpi slt, %iota3A_4, %sign3A_36 : vector<128x128xi32>
    %sign3A_38 = arith.extui %sign3A_37 : vector<128x128xi1> to vector<128x128xi32>
    %sign3A_39 = arith.subi %sign3A_34, %sign3A_38 : vector<128x128xi32>
    %sign3A_40 = arith.constant 0 : i32
    %sign3A_41 = arith.cmpi sgt, %jit3A_28, %sign3A_40 : i32
    %sign3A_42 = arith.extui %sign3A_41 : i1 to i32
    %sign3A_43 = arith.constant 0 : i32
    %sign3A_44 = arith.cmpi slt, %jit3A_28, %sign3A_43 : i32
    %sign3A_45 = arith.extui %sign3A_44 : i1 to i32
    %sign3A_46 = arith.subi %sign3A_42, %sign3A_45 : i32
    %ne3A_47 = vector.broadcast %sign3A_46 : i32 to vector<128x128xi32>
    %ne3A_48 = arith.cmpi ne, %sign3A_39, %ne3A_47 : vector<128x128xi32>
    %rem3A_49 = vector.broadcast %jit3A_28 : i32 to vector<128x128xi32>
    %rem3A_50 = arith.remsi %iota3A_4, %rem3A_49 : vector<128x128xi32>
    %ne3A_51 = arith.constant 0 : i32
    %ne3A_52 = vector.broadcast %ne3A_51 : i32 to vector<128x128xi32>
    %ne3A_53 = arith.cmpi ne, %rem3A_50, %ne3A_52 : vector<128x128xi32>
    %and3A_54 = arith.andi %ne3A_48, %ne3A_53 : vector<128x128xi1>
    %sub3A_55 = arith.constant 1 : i32
    %sub3A_56 = vector.broadcast %sub3A_55 : i32 to vector<128x128xi32>
    %sub3A_57 = arith.subi %div3A_30, %sub3A_56 : vector<128x128xi32>
    %select_n3A_58 = arith.select %and3A_54, %sub3A_57, %div3A_30 : vector<128x128xi1>, vector<128x128xi32>
    %eq3A = arith.cmpi eq, %select_n3A, %select_n3A_58 : vector<128x128xi32>
    %convert_element_type3A = arith.extui %eq3A : vector<128x128xi1> to vector<128x128xi32>
    %convert_element_type3A_59 = arith.sitofp %convert_element_type3A : vector<128x128xi32> to vector<128x128xf32>
    %reduce_sum3A = arith.constant dense<0.000000e+00> : vector<1024xf32>
    %reduce_sum3A_60 = vector.multi_reduction <add>, %get3A_3, %reduce_sum3A [1] : vector<1024x128xf32> to vector<1024xf32>
    %broadcast_in_dim3A = vector.shape_cast %reduce_sum3A_60 : vector<1024xf32> to vector<1024x1xf32>
    %div3A_61 = arith.constant 1.280000e+02 : f32
    %div3A_62 = vector.broadcast %div3A_61 : f32 to vector<1024x1xf32>
    %div3A_63 = arith.divf %broadcast_in_dim3A, %div3A_62 : vector<1024x1xf32>
    %sub3A_64 = vector.broadcast %div3A_63 : vector<1024x1xf32> to vector<1024x128xf32>
    %sub3A_65 = arith.subf %get3A_3, %sub3A_64 : vector<1024x128xf32>
    %integer_pow3A = arith.mulf %sub3A_65, %sub3A_65 : vector<1024x128xf32>
    %reduce_sum3A_66 = arith.constant dense<0.000000e+00> : vector<1024xf32>
    %reduce_sum3A_67 = vector.multi_reduction <add>, %integer_pow3A, %reduce_sum3A_66 [1] : vector<1024x128xf32> to vector<1024xf32>
    %broadcast_in_dim3A_68 = vector.shape_cast %reduce_sum3A_67 : vector<1024xf32> to vector<1024x1xf32>
    %div3A_69 = arith.constant 1.280000e+02 : f32
    %div3A_70 = vector.broadcast %div3A_69 : f32 to vector<1024x1xf32>
    %div3A_71 = arith.divf %broadcast_in_dim3A_68, %div3A_70 : vector<1024x1xf32>
    %sub3A_72 = vector.broadcast %div3A_63 : vector<1024x1xf32> to vector<1024x128xf32>
    %sub3A_73 = arith.subf %get3A_3, %sub3A_72 : vector<1024x128xf32>
    %add3A = arith.constant 9.99999974E-6 : f32
    %add3A_74 = vector.broadcast %add3A : f32 to vector<1024x1xf32>
    %add3A_75 = arith.addf %div3A_71, %add3A_74 : vector<1024x1xf32>
    %sqrt3A = math.sqrt %add3A_75 : vector<1024x1xf32>
    %div3A_76 = vector.broadcast %sqrt3A : vector<1024x1xf32> to vector<1024x128xf32>
    %div3A_77 = arith.divf %sub3A_73, %div3A_76 : vector<1024x128xf32>
    %get3A_78 = arith.constant 0 : index
    %get3A_79 = arith.constant 0 : index
    %get3A_80 = vector.load %arg3[%get3A_78, %get3A_79] : memref<2x128xf32, #tpu.memory_space<vmem>>, vector<1x128xf32>
    %mul3A = vector.broadcast %get3A_80 : vector<1x128xf32> to vector<1024x128xf32>
    %mul3A_81 = arith.mulf %div3A_77, %mul3A : vector<1024x128xf32>
    %get3A_82 = arith.constant 0 : index
    %get3A_83 = arith.constant 0 : index
    %get3A_84 = vector.load %arg4[%get3A_82, %get3A_83] : memref<2x128xf32, #tpu.memory_space<vmem>>, vector<1x128xf32>
    %add3A_85 = vector.broadcast %get3A_84 : vector<1x128xf32> to vector<1024x128xf32>
    %add3A_86 = arith.addf %mul3A_81, %add3A_85 : vector<1024x128xf32>
    %convert_element_type3A_87 = arith.truncf %add3A_86 : vector<1024x128xf32> to vector<1024x128xbf16>
    %get3A_88 = arith.constant 0 : index
    %get3A_89 = arith.constant 0 : index
    %get3A_90 = arith.constant 0 : index
    %get3A_91 = vector.load %arg5[%get3A_88, %get3A_89, %get3A_90] : memref<2x128x512xf32, #tpu.memory_space<vmem>>, vector<1x128x512xf32>
    %get3A_92 = vector.shape_cast %get3A_91 : vector<1x128x512xf32> to vector<128x512xf32>
    %dot_general3A = arith.constant dense<0.000000e+00> : vector<1024x512xf32>
    %dot_general3A_93 = tpu.matmul %convert_element_type3A_87, %get3A_92, %dot_general3A {dimension_numbers = #tpu.dot_dimension_numbers<[1], [0], [0], [1], [0, 0, 1, 1], [], []>, transpose_lhs_hint = false} : vector<1024x128xbf16>, vector<128x512xf32>, vector<1024x512xf32> -> vector<1024x512xf32>
    %get3A_94 = arith.constant 0 : index
    %get3A_95 = arith.constant 0 : index
    %get3A_96 = vector.load %arg6[%get3A_94, %get3A_95] : memref<2x512xf32, #tpu.memory_space<vmem>>, vector<1x512xf32>
    %add3A_97 = vector.broadcast %get3A_96 : vector<1x512xf32> to vector<1024x512xf32>
    %add3A_98 = arith.addf %dot_general3A_93, %add3A_97 : vector<1024x512xf32>
    %logistic3A = arith.negf %add3A_98 : vector<1024x512xf32>
    %logistic3A_99 = math.exp %logistic3A : vector<1024x512xf32>
    %logistic3A_100 = arith.constant 1.000000e+00 : f32
    %logistic3A_101 = vector.broadcast %logistic3A_100 : f32 to vector<1024x512xf32>
    %logistic3A_102 = arith.addf %logistic3A_101, %logistic3A_99 : vector<1024x512xf32>
    %logistic3A_103 = arith.divf %logistic3A_101, %logistic3A_102 : vector<1024x512xf32>
    %mul3A_104 = arith.mulf %add3A_98, %logistic3A_103 : vector<1024x512xf32>
    %slice3A = vector.extract_strided_slice %mul3A_104 {offsets = [0, 0], sizes = [1024, 256], strides = [1, 1]} : vector<1024x512xf32> to vector<1024x256xf32>
    %slice3A_105 = vector.extract_strided_slice %mul3A_104 {offsets = [0, 256], sizes = [1024, 256], strides = [1, 1]} : vector<1024x512xf32> to vector<1024x256xf32>
    %get3A_106 = arith.constant 0 : index
    %get3A_107 = arith.constant 0 : index
    %get3A_108 = arith.constant 0 : index
    %get3A_109 = vector.load %arg7[%get3A_106, %get3A_107, %get3A_108] : memref<2x128x64xf32, #tpu.memory_space<vmem>>, vector<1x128x64xf32>
    %get3A_110 = vector.shape_cast %get3A_109 : vector<1x128x64xf32> to vector<128x64xf32>
    %dot_general3A_111 = arith.constant dense<0.000000e+00> : vector<1024x64xf32>
    %dot_general3A_112 = tpu.matmul %add3A_86, %get3A_110, %dot_general3A_111 {dimension_numbers = #tpu.dot_dimension_numbers<[1], [0], [0], [1], [0, 0, 1, 1], [], []>, transpose_lhs_hint = false} : vector<1024x128xf32>, vector<128x64xf32>, vector<1024x64xf32> -> vector<1024x64xf32>
    %get3A_113 = arith.constant 0 : index
    %get3A_114 = arith.constant 0 : index
    %get3A_115 = vector.load %arg8[%get3A_113, %get3A_114] : memref<2x64xf32, #tpu.memory_space<vmem>>, vector<1x64xf32>
    %add3A_116 = vector.broadcast %get3A_115 : vector<1x64xf32> to vector<1024x64xf32>
    %add3A_117 = arith.addf %dot_general3A_112, %add3A_116 : vector<1024x64xf32>
    %get3A_118 = arith.constant 0 : index
    %get3A_119 = arith.constant 0 : index
    %get3A_120 = vector.load %arg9[%get3A_118, %get3A_119] : memref<4x64xf32, #tpu.memory_space<vmem>>, vector<1x64xf32>
    %mul3A_121 = vector.broadcast %get3A_120 : vector<1x64xf32> to vector<1024x64xf32>
    %mul3A_122 = arith.mulf %add3A_117, %mul3A_121 : vector<1024x64xf32>
    %get3A_123 = arith.constant 0 : index
    %get3A_124 = arith.constant 0 : index
    %get3A_125 = vector.load %arg10[%get3A_123, %get3A_124] : memref<4x64xf32, #tpu.memory_space<vmem>>, vector<1x64xf32>
    %add3A_126 = vector.broadcast %get3A_125 : vector<1x64xf32> to vector<1024x64xf32>
    %add3A_127 = arith.addf %mul3A_122, %add3A_126 : vector<1024x64xf32>
    %get3A_128 = arith.constant 1 : index
    %get3A_129 = arith.constant 0 : index
    %get3A_130 = vector.load %arg9[%get3A_128, %get3A_129] : memref<4x64xf32, #tpu.memory_space<vmem>>, vector<1x64xf32>
    %mul3A_131 = vector.broadcast %get3A_130 : vector<1x64xf32> to vector<1024x64xf32>
    %mul3A_132 = arith.mulf %add3A_117, %mul3A_131 : vector<1024x64xf32>
    %get3A_133 = arith.constant 1 : index
    %get3A_134 = arith.constant 0 : index
    %get3A_135 = vector.load %arg10[%get3A_133, %get3A_134] : memref<4x64xf32, #tpu.memory_space<vmem>>, vector<1x64xf32>
    %add3A_136 = vector.broadcast %get3A_135 : vector<1x64xf32> to vector<1024x64xf32>
    %add3A_137 = arith.addf %mul3A_132, %add3A_136 : vector<1024x64xf32>
    %slice3A_138 = vector.extract_strided_slice %add3A_127 {offsets = [0, 0], sizes = [128, 64], strides = [1, 1]} : vector<1024x64xf32> to vector<128x64xf32>
    %slice3A_139 = vector.extract_strided_slice %add3A_137 {offsets = [0, 0], sizes = [128, 64], strides = [1, 1]} : vector<1024x64xf32> to vector<128x64xf32>
    %dot_general3A_140 = arith.constant dense<0.000000e+00> : vector<128x128xf32>
    %dot_general3A_141 = tpu.matmul %slice3A_138, %slice3A_139, %dot_general3A_140 {dimension_numbers = #tpu.dot_dimension_numbers<[1], [1], [0], [0], [0, 0, 1, 0], [], []>, transpose_lhs_hint = false} : vector<128x64xf32>, vector<128x64xf32>, vector<128x128xf32> -> vector<128x128xf32>
    %mul3A_142 = arith.constant 1.562500e-02 : f32
    %mul3A_143 = vector.broadcast %mul3A_142 : f32 to vector<128x128xf32>
    %mul3A_144 = arith.mulf %dot_general3A_141, %mul3A_143 : vector<128x128xf32>
    %max3A = arith.constant 0.000000e+00 : f32
    %max3A_145 = vector.broadcast %max3A : f32 to vector<128x128xf32>
    %max3A_146 = arith.maximumf %mul3A_144, %max3A_145 : vector<128x128xf32>
    %square3A = arith.mulf %max3A_146, %max3A_146 : vector<128x128xf32>
    %mul3A_147 = arith.mulf %square3A, %convert_element_type3A_59 : vector<128x128xf32>
    %slice3A_148 = vector.extract_strided_slice %slice3A_105 {offsets = [0, 0], sizes = [128, 256], strides = [1, 1]} : vector<1024x256xf32> to vector<128x256xf32>
    %dot_general3A_149 = arith.constant dense<0.000000e+00> : vector<128x256xf32>
    %dot_general3A_150 = tpu.matmul %mul3A_147, %slice3A_148, %dot_general3A_149 {dimension_numbers = #tpu.dot_dimension_numbers<[1], [0], [0], [1], [0, 0, 1, 1], [], []>, transpose_lhs_hint = false} : vector<128x128xf32>, vector<128x256xf32>, vector<128x256xf32> -> vector<128x256xf32>
    %slice3A_151 = vector.extract_strided_slice %add3A_127 {offsets = [128, 0], sizes = [128, 64], strides = [1, 1]} : vector<1024x64xf32> to vector<128x64xf32>
    %slice3A_152 = vector.extract_strided_slice %add3A_137 {offsets = [128, 0], sizes = [128, 64], strides = [1, 1]} : vector<1024x64xf32> to vector<128x64xf32>
    %dot_general3A_153 = arith.constant dense<0.000000e+00> : vector<128x128xf32>
    %dot_general3A_154 = tpu.matmul %slice3A_151, %slice3A_152, %dot_general3A_153 {dimension_numbers = #tpu.dot_dimension_numbers<[1], [1], [0], [0], [0, 0, 1, 0], [], []>, transpose_lhs_hint = false} : vector<128x64xf32>, vector<128x64xf32>, vector<128x128xf32> -> vector<128x128xf32>
    %mul3A_155 = arith.constant 1.562500e-02 : f32
    %mul3A_156 = vector.broadcast %mul3A_155 : f32 to vector<128x128xf32>
    %mul3A_157 = arith.mulf %dot_general3A_154, %mul3A_156 : vector<128x128xf32>
    %max3A_158 = arith.constant 0.000000e+00 : f32
    %max3A_159 = vector.broadcast %max3A_158 : f32 to vector<128x128xf32>
    %max3A_160 = arith.maximumf %mul3A_157, %max3A_159 : vector<128x128xf32>
    %square3A_161 = arith.mulf %max3A_160, %max3A_160 : vector<128x128xf32>
    %mul3A_162 = arith.mulf %square3A_161, %convert_element_type3A_59 : vector<128x128xf32>
    %slice3A_163 = vector.extract_strided_slice %slice3A_105 {offsets = [128, 0], sizes = [128, 256], strides = [1, 1]} : vector<1024x256xf32> to vector<128x256xf32>
    %dot_general3A_164 = arith.constant dense<0.000000e+00> : vector<128x256xf32>
    %dot_general3A_165 = tpu.matmul %mul3A_162, %slice3A_163, %dot_general3A_164 {dimension_numbers = #tpu.dot_dimension_numbers<[1], [0], [0], [1], [0, 0, 1, 1], [], []>, transpose_lhs_hint = false} : vector<128x128xf32>, vector<128x256xf32>, vector<128x256xf32> -> vector<128x256xf32>
    %slice3A_166 = vector.extract_strided_slice %add3A_127 {offsets = [256, 0], sizes = [128, 64], strides = [1, 1]} : vector<1024x64xf32> to vector<128x64xf32>
    %slice3A_167 = vector.extract_strided_slice %add3A_137 {offsets = [256, 0], sizes = [128, 64], strides = [1, 1]} : vector<1024x64xf32> to vector<128x64xf32>
    %dot_general3A_168 = arith.constant dense<0.000000e+00> : vector<128x128xf32>
    %dot_general3A_169 = tpu.matmul %slice3A_166, %slice3A_167, %dot_general3A_168 {dimension_numbers = #tpu.dot_dimension_numbers<[1], [1], [0], [0], [0, 0, 1, 0], [], []>, transpose_lhs_hint = false} : vector<128x64xf32>, vector<128x64xf32>, vector<128x128xf32> -> vector<128x128xf32>
    %mul3A_170 = arith.constant 1.562500e-02 : f32
    %mul3A_171 = vector.broadcast %mul3A_170 : f32 to vector<128x128xf32>
    %mul3A_172 = arith.mulf %dot_general3A_169, %mul3A_171 : vector<128x128xf32>
    %max3A_173 = arith.constant 0.000000e+00 : f32
    %max3A_174 = vector.broadcast %max3A_173 : f32 to vector<128x128xf32>
    %max3A_175 = arith.maximumf %mul3A_172, %max3A_174 : vector<128x128xf32>
    %square3A_176 = arith.mulf %max3A_175, %max3A_175 : vector<128x128xf32>
    %mul3A_177 = arith.mulf %square3A_176, %convert_element_type3A_59 : vector<128x128xf32>
    %slice3A_178 = vector.extract_strided_slice %slice3A_105 {offsets = [256, 0], sizes = [128, 256], strides = [1, 1]} : vector<1024x256xf32> to vector<128x256xf32>
    %dot_general3A_179 = arith.constant dense<0.000000e+00> : vector<128x256xf32>
    %dot_general3A_180 = tpu.matmul %mul3A_177, %slice3A_178, %dot_general3A_179 {dimension_numbers = #tpu.dot_dimension_numbers<[1], [0], [0], [1], [0, 0, 1, 1], [], []>, transpose_lhs_hint = false} : vector<128x128xf32>, vector<128x256xf32>, vector<128x256xf32> -> vector<128x256xf32>
    %slice3A_181 = vector.extract_strided_slice %add3A_127 {offsets = [384, 0], sizes = [128, 64], strides = [1, 1]} : vector<1024x64xf32> to vector<128x64xf32>
    %slice3A_182 = vector.extract_strided_slice %add3A_137 {offsets = [384, 0], sizes = [128, 64], strides = [1, 1]} : vector<1024x64xf32> to vector<128x64xf32>
    %dot_general3A_183 = arith.constant dense<0.000000e+00> : vector<128x128xf32>
    %dot_general3A_184 = tpu.matmul %slice3A_181, %slice3A_182, %dot_general3A_183 {dimension_numbers = #tpu.dot_dimension_numbers<[1], [1], [0], [0], [0, 0, 1, 0], [], []>, transpose_lhs_hint = false} : vector<128x64xf32>, vector<128x64xf32>, vector<128x128xf32> -> vector<128x128xf32>
    %mul3A_185 = arith.constant 1.562500e-02 : f32
    %mul3A_186 = vector.broadcast %mul3A_185 : f32 to vector<128x128xf32>
    %mul3A_187 = arith.mulf %dot_general3A_184, %mul3A_186 : vector<128x128xf32>
    %max3A_188 = arith.constant 0.000000e+00 : f32
    %max3A_189 = vector.broadcast %max3A_188 : f32 to vector<128x128xf32>
    %max3A_190 = arith.maximumf %mul3A_187, %max3A_189 : vector<128x128xf32>
    %square3A_191 = arith.mulf %max3A_190, %max3A_190 : vector<128x128xf32>
    %mul3A_192 = arith.mulf %square3A_191, %convert_element_type3A_59 : vector<128x128xf32>
    %slice3A_193 = vector.extract_strided_slice %slice3A_105 {offsets = [384, 0], sizes = [128, 256], strides = [1, 1]} : vector<1024x256xf32> to vector<128x256xf32>
    %dot_general3A_194 = arith.constant dense<0.000000e+00> : vector<128x256xf32>
    %dot_general3A_195 = tpu.matmul %mul3A_192, %slice3A_193, %dot_general3A_194 {dimension_numbers = #tpu.dot_dimension_numbers<[1], [0], [0], [1], [0, 0, 1, 1], [], []>, transpose_lhs_hint = false} : vector<128x128xf32>, vector<128x256xf32>, vector<128x256xf32> -> vector<128x256xf32>
    %slice3A_196 = vector.extract_strided_slice %add3A_127 {offsets = [512, 0], sizes = [128, 64], strides = [1, 1]} : vector<1024x64xf32> to vector<128x64xf32>
    %slice3A_197 = vector.extract_strided_slice %add3A_137 {offsets = [512, 0], sizes = [128, 64], strides = [1, 1]} : vector<1024x64xf32> to vector<128x64xf32>
    %dot_general3A_198 = arith.constant dense<0.000000e+00> : vector<128x128xf32>
    %dot_general3A_199 = tpu.matmul %slice3A_196, %slice3A_197, %dot_general3A_198 {dimension_numbers = #tpu.dot_dimension_numbers<[1], [1], [0], [0], [0, 0, 1, 0], [], []>, transpose_lhs_hint = false} : vector<128x64xf32>, vector<128x64xf32>, vector<128x128xf32> -> vector<128x128xf32>
    %mul3A_200 = arith.constant 1.562500e-02 : f32
    %mul3A_201 = vector.broadcast %mul3A_200 : f32 to vector<128x128xf32>
    %mul3A_202 = arith.mulf %dot_general3A_199, %mul3A_201 : vector<128x128xf32>
    %max3A_203 = arith.constant 0.000000e+00 : f32
    %max3A_204 = vector.broadcast %max3A_203 : f32 to vector<128x128xf32>
    %max3A_205 = arith.maximumf %mul3A_202, %max3A_204 : vector<128x128xf32>
    %square3A_206 = arith.mulf %max3A_205, %max3A_205 : vector<128x128xf32>
    %mul3A_207 = arith.mulf %square3A_206, %convert_element_type3A_59 : vector<128x128xf32>
    %slice3A_208 = vector.extract_strided_slice %slice3A_105 {offsets = [512, 0], sizes = [128, 256], strides = [1, 1]} : vector<1024x256xf32> to vector<128x256xf32>
    %dot_general3A_209 = arith.constant dense<0.000000e+00> : vector<128x256xf32>
    %dot_general3A_210 = tpu.matmul %mul3A_207, %slice3A_208, %dot_general3A_209 {dimension_numbers = #tpu.dot_dimension_numbers<[1], [0], [0], [1], [0, 0, 1, 1], [], []>, transpose_lhs_hint = false} : vector<128x128xf32>, vector<128x256xf32>, vector<128x256xf32> -> vector<128x256xf32>
    %slice3A_211 = vector.extract_strided_slice %add3A_127 {offsets = [640, 0], sizes = [128, 64], strides = [1, 1]} : vector<1024x64xf32> to vector<128x64xf32>
    %slice3A_212 = vector.extract_strided_slice %add3A_137 {offsets = [640, 0], sizes = [128, 64], strides = [1, 1]} : vector<1024x64xf32> to vector<128x64xf32>
    %dot_general3A_213 = arith.constant dense<0.000000e+00> : vector<128x128xf32>
    %dot_general3A_214 = tpu.matmul %slice3A_211, %slice3A_212, %dot_general3A_213 {dimension_numbers = #tpu.dot_dimension_numbers<[1], [1], [0], [0], [0, 0, 1, 0], [], []>, transpose_lhs_hint = false} : vector<128x64xf32>, vector<128x64xf32>, vector<128x128xf32> -> vector<128x128xf32>
    %mul3A_215 = arith.constant 1.562500e-02 : f32
    %mul3A_216 = vector.broadcast %mul3A_215 : f32 to vector<128x128xf32>
    %mul3A_217 = arith.mulf %dot_general3A_214, %mul3A_216 : vector<128x128xf32>
    %max3A_218 = arith.constant 0.000000e+00 : f32
    %max3A_219 = vector.broadcast %max3A_218 : f32 to vector<128x128xf32>
    %max3A_220 = arith.maximumf %mul3A_217, %max3A_219 : vector<128x128xf32>
    %square3A_221 = arith.mulf %max3A_220, %max3A_220 : vector<128x128xf32>
    %mul3A_222 = arith.mulf %square3A_221, %convert_element_type3A_59 : vector<128x128xf32>
    %slice3A_223 = vector.extract_strided_slice %slice3A_105 {offsets = [640, 0], sizes = [128, 256], strides = [1, 1]} : vector<1024x256xf32> to vector<128x256xf32>
    %dot_general3A_224 = arith.constant dense<0.000000e+00> : vector<128x256xf32>
    %dot_general3A_225 = tpu.matmul %mul3A_222, %slice3A_223, %dot_general3A_224 {dimension_numbers = #tpu.dot_dimension_numbers<[1], [0], [0], [1], [0, 0, 1, 1], [], []>, transpose_lhs_hint = false} : vector<128x128xf32>, vector<128x256xf32>, vector<128x256xf32> -> vector<128x256xf32>
    %slice3A_226 = vector.extract_strided_slice %add3A_127 {offsets = [768, 0], sizes = [128, 64], strides = [1, 1]} : vector<1024x64xf32> to vector<128x64xf32>
    %slice3A_227 = vector.extract_strided_slice %add3A_137 {offsets = [768, 0], sizes = [128, 64], strides = [1, 1]} : vector<1024x64xf32> to vector<128x64xf32>
    %dot_general3A_228 = arith.constant dense<0.000000e+00> : vector<128x128xf32>
    %dot_general3A_229 = tpu.matmul %slice3A_226, %slice3A_227, %dot_general3A_228 {dimension_numbers = #tpu.dot_dimension_numbers<[1], [1], [0], [0], [0, 0, 1, 0], [], []>, transpose_lhs_hint = false} : vector<128x64xf32>, vector<128x64xf32>, vector<128x128xf32> -> vector<128x128xf32>
    %mul3A_230 = arith.constant 1.562500e-02 : f32
    %mul3A_231 = vector.broadcast %mul3A_230 : f32 to vector<128x128xf32>
    %mul3A_232 = arith.mulf %dot_general3A_229, %mul3A_231 : vector<128x128xf32>
    %max3A_233 = arith.constant 0.000000e+00 : f32
    %max3A_234 = vector.broadcast %max3A_233 : f32 to vector<128x128xf32>
    %max3A_235 = arith.maximumf %mul3A_232, %max3A_234 : vector<128x128xf32>
    %square3A_236 = arith.mulf %max3A_235, %max3A_235 : vector<128x128xf32>
    %mul3A_237 = arith.mulf %square3A_236, %convert_element_type3A_59 : vector<128x128xf32>
    %slice3A_238 = vector.extract_strided_slice %slice3A_105 {offsets = [768, 0], sizes = [128, 256], strides = [1, 1]} : vector<1024x256xf32> to vector<128x256xf32>
    %dot_general3A_239 = arith.constant dense<0.000000e+00> : vector<128x256xf32>
    %dot_general3A_240 = tpu.matmul %mul3A_237, %slice3A_238, %dot_general3A_239 {dimension_numbers = #tpu.dot_dimension_numbers<[1], [0], [0], [1], [0, 0, 1, 1], [], []>, transpose_lhs_hint = false} : vector<128x128xf32>, vector<128x256xf32>, vector<128x256xf32> -> vector<128x256xf32>
    %slice3A_241 = vector.extract_strided_slice %add3A_127 {offsets = [896, 0], sizes = [128, 64], strides = [1, 1]} : vector<1024x64xf32> to vector<128x64xf32>
    %slice3A_242 = vector.extract_strided_slice %add3A_137 {offsets = [896, 0], sizes = [128, 64], strides = [1, 1]} : vector<1024x64xf32> to vector<128x64xf32>
    %dot_general3A_243 = arith.constant dense<0.000000e+00> : vector<128x128xf32>
    %dot_general3A_244 = tpu.matmul %slice3A_241, %slice3A_242, %dot_general3A_243 {dimension_numbers = #tpu.dot_dimension_numbers<[1], [1], [0], [0], [0, 0, 1, 0], [], []>, transpose_lhs_hint = false} : vector<128x64xf32>, vector<128x64xf32>, vector<128x128xf32> -> vector<128x128xf32>
    %mul3A_245 = arith.constant 1.562500e-02 : f32
    %mul3A_246 = vector.broadcast %mul3A_245 : f32 to vector<128x128xf32>
    %mul3A_247 = arith.mulf %dot_general3A_244, %mul3A_246 : vector<128x128xf32>
    %max3A_248 = arith.constant 0.000000e+00 : f32
    %max3A_249 = vector.broadcast %max3A_248 : f32 to vector<128x128xf32>
    %max3A_250 = arith.maximumf %mul3A_247, %max3A_249 : vector<128x128xf32>
    %square3A_251 = arith.mulf %max3A_250, %max3A_250 : vector<128x128xf32>
    %mul3A_252 = arith.mulf %square3A_251, %convert_element_type3A_59 : vector<128x128xf32>
    %slice3A_253 = vector.extract_strided_slice %slice3A_105 {offsets = [896, 0], sizes = [128, 256], strides = [1, 1]} : vector<1024x256xf32> to vector<128x256xf32>
    %dot_general3A_254 = arith.constant dense<0.000000e+00> : vector<128x256xf32>
    %dot_general3A_255 = tpu.matmul %mul3A_252, %slice3A_253, %dot_general3A_254 {dimension_numbers = #tpu.dot_dimension_numbers<[1], [0], [0], [1], [0, 0, 1, 1], [], []>, transpose_lhs_hint = false} : vector<128x128xf32>, vector<128x256xf32>, vector<128x256xf32> -> vector<128x256xf32>
    %concatenate3A = tpu.concatenate %dot_general3A_150, %dot_general3A_165, %dot_general3A_180, %dot_general3A_195, %dot_general3A_210, %dot_general3A_225, %dot_general3A_240, %dot_general3A_255 in 0 : vector<128x256xf32>, vector<128x256xf32>, vector<128x256xf32>, vector<128x256xf32>, vector<128x256xf32>, vector<128x256xf32>, vector<128x256xf32>, vector<128x256xf32> -> vector<1024x256xf32>
    %mul3A_256 = arith.mulf %slice3A, %concatenate3A : vector<1024x256xf32>
    %convert_element_type3A_257 = arith.truncf %mul3A_256 : vector<1024x256xf32> to vector<1024x256xbf16>
    %get3A_258 = arith.constant 0 : index
    %get3A_259 = arith.constant 0 : index
    %get3A_260 = arith.constant 0 : index
    %get3A_261 = vector.load %arg11[%get3A_258, %get3A_259, %get3A_260] : memref<2x256x128xf32, #tpu.memory_space<vmem>>, vector<1x256x128xf32>
    %get3A_262 = vector.shape_cast %get3A_261 : vector<1x256x128xf32> to vector<256x128xf32>
    %dot_general3A_263 = arith.constant dense<0.000000e+00> : vector<1024x128xf32>
    %dot_general3A_264 = tpu.matmul %convert_element_type3A_257, %get3A_262, %dot_general3A_263 {dimension_numbers = #tpu.dot_dimension_numbers<[1], [0], [0], [1], [0, 0, 1, 1], [], []>, transpose_lhs_hint = false} : vector<1024x256xbf16>, vector<256x128xf32>, vector<1024x128xf32> -> vector<1024x128xf32>
    %add3A_265 = arith.addf %get3A_3, %dot_general3A_264 : vector<1024x128xf32>
    %get3A_266 = arith.constant 0 : index
    %get3A_267 = arith.constant 0 : index
    %get3A_268 = vector.load %arg12[%get3A_266, %get3A_267] : memref<2x128xf32, #tpu.memory_space<vmem>>, vector<1x128xf32>
    %add3A_269 = vector.broadcast %get3A_268 : vector<1x128xf32> to vector<1024x128xf32>
    %add3A_270 = arith.addf %add3A_265, %add3A_269 : vector<1024x128xf32>
    %reduce_sum3A_271 = arith.constant dense<0.000000e+00> : vector<1024xf32>
    %reduce_sum3A_272 = vector.multi_reduction <add>, %add3A_270, %reduce_sum3A_271 [1] : vector<1024x128xf32> to vector<1024xf32>
    %broadcast_in_dim3A_273 = vector.shape_cast %reduce_sum3A_272 : vector<1024xf32> to vector<1024x1xf32>
    %div3A_274 = arith.constant 1.280000e+02 : f32
    %div3A_275 = vector.broadcast %div3A_274 : f32 to vector<1024x1xf32>
    %div3A_276 = arith.divf %broadcast_in_dim3A_273, %div3A_275 : vector<1024x1xf32>
    %sub3A_277 = vector.broadcast %div3A_276 : vector<1024x1xf32> to vector<1024x128xf32>
    %sub3A_278 = arith.subf %add3A_270, %sub3A_277 : vector<1024x128xf32>
    %integer_pow3A_279 = arith.mulf %sub3A_278, %sub3A_278 : vector<1024x128xf32>
    %reduce_sum3A_280 = arith.constant dense<0.000000e+00> : vector<1024xf32>
    %reduce_sum3A_281 = vector.multi_reduction <add>, %integer_pow3A_279, %reduce_sum3A_280 [1] : vector<1024x128xf32> to vector<1024xf32>
    %broadcast_in_dim3A_282 = vector.shape_cast %reduce_sum3A_281 : vector<1024xf32> to vector<1024x1xf32>
    %div3A_283 = arith.constant 1.280000e+02 : f32
    %div3A_284 = vector.broadcast %div3A_283 : f32 to vector<1024x1xf32>
    %div3A_285 = arith.divf %broadcast_in_dim3A_282, %div3A_284 : vector<1024x1xf32>
    %sub3A_286 = vector.broadcast %div3A_276 : vector<1024x1xf32> to vector<1024x128xf32>
    %sub3A_287 = arith.subf %add3A_270, %sub3A_286 : vector<1024x128xf32>
    %add3A_288 = arith.constant 9.99999974E-6 : f32
    %add3A_289 = vector.broadcast %add3A_288 : f32 to vector<1024x1xf32>
    %add3A_290 = arith.addf %div3A_285, %add3A_289 : vector<1024x1xf32>
    %sqrt3A_291 = math.sqrt %add3A_290 : vector<1024x1xf32>
    %div3A_292 = vector.broadcast %sqrt3A_291 : vector<1024x1xf32> to vector<1024x128xf32>
    %div3A_293 = arith.divf %sub3A_287, %div3A_292 : vector<1024x128xf32>
    %get3A_294 = arith.constant 1 : index
    %get3A_295 = arith.constant 0 : index
    %get3A_296 = vector.load %arg3[%get3A_294, %get3A_295] : memref<2x128xf32, #tpu.memory_space<vmem>>, vector<1x128xf32>
    %mul3A_297 = vector.broadcast %get3A_296 : vector<1x128xf32> to vector<1024x128xf32>
    %mul3A_298 = arith.mulf %div3A_293, %mul3A_297 : vector<1024x128xf32>
    %get3A_299 = arith.constant 1 : index
    %get3A_300 = arith.constant 0 : index
    %get3A_301 = vector.load %arg4[%get3A_299, %get3A_300] : memref<2x128xf32, #tpu.memory_space<vmem>>, vector<1x128xf32>
    %add3A_302 = vector.broadcast %get3A_301 : vector<1x128xf32> to vector<1024x128xf32>
    %add3A_303 = arith.addf %mul3A_298, %add3A_302 : vector<1024x128xf32>
    %convert_element_type3A_304 = arith.truncf %add3A_303 : vector<1024x128xf32> to vector<1024x128xbf16>
    %get3A_305 = arith.constant 1 : index
    %get3A_306 = arith.constant 0 : index
    %get3A_307 = arith.constant 0 : index
    %get3A_308 = vector.load %arg5[%get3A_305, %get3A_306, %get3A_307] : memref<2x128x512xf32, #tpu.memory_space<vmem>>, vector<1x128x512xf32>
    %get3A_309 = vector.shape_cast %get3A_308 : vector<1x128x512xf32> to vector<128x512xf32>
    %dot_general3A_310 = arith.constant dense<0.000000e+00> : vector<1024x512xf32>
    %dot_general3A_311 = tpu.matmul %convert_element_type3A_304, %get3A_309, %dot_general3A_310 {dimension_numbers = #tpu.dot_dimension_numbers<[1], [0], [0], [1], [0, 0, 1, 1], [], []>, transpose_lhs_hint = false} : vector<1024x128xbf16>, vector<128x512xf32>, vector<1024x512xf32> -> vector<1024x512xf32>
    %get3A_312 = arith.constant 1 : index
    %get3A_313 = arith.constant 0 : index
    %get3A_314 = vector.load %arg6[%get3A_312, %get3A_313] : memref<2x512xf32, #tpu.memory_space<vmem>>, vector<1x512xf32>
    %add3A_315 = vector.broadcast %get3A_314 : vector<1x512xf32> to vector<1024x512xf32>
    %add3A_316 = arith.addf %dot_general3A_311, %add3A_315 : vector<1024x512xf32>
    %logistic3A_317 = arith.negf %add3A_316 : vector<1024x512xf32>
    %logistic3A_318 = math.exp %logistic3A_317 : vector<1024x512xf32>
    %logistic3A_319 = arith.constant 1.000000e+00 : f32
    %logistic3A_320 = vector.broadcast %logistic3A_319 : f32 to vector<1024x512xf32>
    %logistic3A_321 = arith.addf %logistic3A_320, %logistic3A_318 : vector<1024x512xf32>
    %logistic3A_322 = arith.divf %logistic3A_320, %logistic3A_321 : vector<1024x512xf32>
    %mul3A_323 = arith.mulf %add3A_316, %logistic3A_322 : vector<1024x512xf32>
    %slice3A_324 = vector.extract_strided_slice %mul3A_323 {offsets = [0, 0], sizes = [1024, 256], strides = [1, 1]} : vector<1024x512xf32> to vector<1024x256xf32>
    %slice3A_325 = vector.extract_strided_slice %mul3A_323 {offsets = [0, 256], sizes = [1024, 256], strides = [1, 1]} : vector<1024x512xf32> to vector<1024x256xf32>
    %get3A_326 = arith.constant 1 : index
    %get3A_327 = arith.constant 0 : index
    %get3A_328 = arith.constant 0 : index
    %get3A_329 = vector.load %arg7[%get3A_326, %get3A_327, %get3A_328] : memref<2x128x64xf32, #tpu.memory_space<vmem>>, vector<1x128x64xf32>
    %get3A_330 = vector.shape_cast %get3A_329 : vector<1x128x64xf32> to vector<128x64xf32>
    %dot_general3A_331 = arith.constant dense<0.000000e+00> : vector<1024x64xf32>
    %dot_general3A_332 = tpu.matmul %add3A_303, %get3A_330, %dot_general3A_331 {dimension_numbers = #tpu.dot_dimension_numbers<[1], [0], [0], [1], [0, 0, 1, 1], [], []>, transpose_lhs_hint = false} : vector<1024x128xf32>, vector<128x64xf32>, vector<1024x64xf32> -> vector<1024x64xf32>
    %get3A_333 = arith.constant 1 : index
    %get3A_334 = arith.constant 0 : index
    %get3A_335 = vector.load %arg8[%get3A_333, %get3A_334] : memref<2x64xf32, #tpu.memory_space<vmem>>, vector<1x64xf32>
    %add3A_336 = vector.broadcast %get3A_335 : vector<1x64xf32> to vector<1024x64xf32>
    %add3A_337 = arith.addf %dot_general3A_332, %add3A_336 : vector<1024x64xf32>
    %get3A_338 = arith.constant 2 : index
    %get3A_339 = arith.constant 0 : index
    %get3A_340 = vector.load %arg9[%get3A_338, %get3A_339] : memref<4x64xf32, #tpu.memory_space<vmem>>, vector<1x64xf32>
    %mul3A_341 = vector.broadcast %get3A_340 : vector<1x64xf32> to vector<1024x64xf32>
    %mul3A_342 = arith.mulf %add3A_337, %mul3A_341 : vector<1024x64xf32>
    %get3A_343 = arith.constant 2 : index
    %get3A_344 = arith.constant 0 : index
    %get3A_345 = vector.load %arg10[%get3A_343, %get3A_344] : memref<4x64xf32, #tpu.memory_space<vmem>>, vector<1x64xf32>
    %add3A_346 = vector.broadcast %get3A_345 : vector<1x64xf32> to vector<1024x64xf32>
    %add3A_347 = arith.addf %mul3A_342, %add3A_346 : vector<1024x64xf32>
    %get3A_348 = arith.constant 3 : index
    %get3A_349 = arith.constant 0 : index
    %get3A_350 = vector.load %arg9[%get3A_348, %get3A_349] : memref<4x64xf32, #tpu.memory_space<vmem>>, vector<1x64xf32>
    %mul3A_351 = vector.broadcast %get3A_350 : vector<1x64xf32> to vector<1024x64xf32>
    %mul3A_352 = arith.mulf %add3A_337, %mul3A_351 : vector<1024x64xf32>
    %get3A_353 = arith.constant 3 : index
    %get3A_354 = arith.constant 0 : index
    %get3A_355 = vector.load %arg10[%get3A_353, %get3A_354] : memref<4x64xf32, #tpu.memory_space<vmem>>, vector<1x64xf32>
    %add3A_356 = vector.broadcast %get3A_355 : vector<1x64xf32> to vector<1024x64xf32>
    %add3A_357 = arith.addf %mul3A_352, %add3A_356 : vector<1024x64xf32>
    %slice3A_358 = vector.extract_strided_slice %add3A_347 {offsets = [0, 0], sizes = [128, 64], strides = [1, 1]} : vector<1024x64xf32> to vector<128x64xf32>
    %slice3A_359 = vector.extract_strided_slice %add3A_357 {offsets = [0, 0], sizes = [128, 64], strides = [1, 1]} : vector<1024x64xf32> to vector<128x64xf32>
    %dot_general3A_360 = arith.constant dense<0.000000e+00> : vector<128x128xf32>
    %dot_general3A_361 = tpu.matmul %slice3A_358, %slice3A_359, %dot_general3A_360 {dimension_numbers = #tpu.dot_dimension_numbers<[1], [1], [0], [0], [0, 0, 1, 0], [], []>, transpose_lhs_hint = false} : vector<128x64xf32>, vector<128x64xf32>, vector<128x128xf32> -> vector<128x128xf32>
    %mul3A_362 = arith.constant 1.562500e-02 : f32
    %mul3A_363 = vector.broadcast %mul3A_362 : f32 to vector<128x128xf32>
    %mul3A_364 = arith.mulf %dot_general3A_361, %mul3A_363 : vector<128x128xf32>
    %max3A_365 = arith.constant 0.000000e+00 : f32
    %max3A_366 = vector.broadcast %max3A_365 : f32 to vector<128x128xf32>
    %max3A_367 = arith.maximumf %mul3A_364, %max3A_366 : vector<128x128xf32>
    %square3A_368 = arith.mulf %max3A_367, %max3A_367 : vector<128x128xf32>
    %mul3A_369 = arith.mulf %square3A_368, %convert_element_type3A_59 : vector<128x128xf32>
    %slice3A_370 = vector.extract_strided_slice %slice3A_325 {offsets = [0, 0], sizes = [128, 256], strides = [1, 1]} : vector<1024x256xf32> to vector<128x256xf32>
    %dot_general3A_371 = arith.constant dense<0.000000e+00> : vector<128x256xf32>
    %dot_general3A_372 = tpu.matmul %mul3A_369, %slice3A_370, %dot_general3A_371 {dimension_numbers = #tpu.dot_dimension_numbers<[1], [0], [0], [1], [0, 0, 1, 1], [], []>, transpose_lhs_hint = false} : vector<128x128xf32>, vector<128x256xf32>, vector<128x256xf32> -> vector<128x256xf32>
    %slice3A_373 = vector.extract_strided_slice %add3A_347 {offsets = [128, 0], sizes = [128, 64], strides = [1, 1]} : vector<1024x64xf32> to vector<128x64xf32>
    %slice3A_374 = vector.extract_strided_slice %add3A_357 {offsets = [128, 0], sizes = [128, 64], strides = [1, 1]} : vector<1024x64xf32> to vector<128x64xf32>
    %dot_general3A_375 = arith.constant dense<0.000000e+00> : vector<128x128xf32>
    %dot_general3A_376 = tpu.matmul %slice3A_373, %slice3A_374, %dot_general3A_375 {dimension_numbers = #tpu.dot_dimension_numbers<[1], [1], [0], [0], [0, 0, 1, 0], [], []>, transpose_lhs_hint = false} : vector<128x64xf32>, vector<128x64xf32>, vector<128x128xf32> -> vector<128x128xf32>
    %mul3A_377 = arith.constant 1.562500e-02 : f32
    %mul3A_378 = vector.broadcast %mul3A_377 : f32 to vector<128x128xf32>
    %mul3A_379 = arith.mulf %dot_general3A_376, %mul3A_378 : vector<128x128xf32>
    %max3A_380 = arith.constant 0.000000e+00 : f32
    %max3A_381 = vector.broadcast %max3A_380 : f32 to vector<128x128xf32>
    %max3A_382 = arith.maximumf %mul3A_379, %max3A_381 : vector<128x128xf32>
    %square3A_383 = arith.mulf %max3A_382, %max3A_382 : vector<128x128xf32>
    %mul3A_384 = arith.mulf %square3A_383, %convert_element_type3A_59 : vector<128x128xf32>
    %slice3A_385 = vector.extract_strided_slice %slice3A_325 {offsets = [128, 0], sizes = [128, 256], strides = [1, 1]} : vector<1024x256xf32> to vector<128x256xf32>
    %dot_general3A_386 = arith.constant dense<0.000000e+00> : vector<128x256xf32>
    %dot_general3A_387 = tpu.matmul %mul3A_384, %slice3A_385, %dot_general3A_386 {dimension_numbers = #tpu.dot_dimension_numbers<[1], [0], [0], [1], [0, 0, 1, 1], [], []>, transpose_lhs_hint = false} : vector<128x128xf32>, vector<128x256xf32>, vector<128x256xf32> -> vector<128x256xf32>
    %slice3A_388 = vector.extract_strided_slice %add3A_347 {offsets = [256, 0], sizes = [128, 64], strides = [1, 1]} : vector<1024x64xf32> to vector<128x64xf32>
    %slice3A_389 = vector.extract_strided_slice %add3A_357 {offsets = [256, 0], sizes = [128, 64], strides = [1, 1]} : vector<1024x64xf32> to vector<128x64xf32>
    %dot_general3A_390 = arith.constant dense<0.000000e+00> : vector<128x128xf32>
    %dot_general3A_391 = tpu.matmul %slice3A_388, %slice3A_389, %dot_general3A_390 {dimension_numbers = #tpu.dot_dimension_numbers<[1], [1], [0], [0], [0, 0, 1, 0], [], []>, transpose_lhs_hint = false} : vector<128x64xf32>, vector<128x64xf32>, vector<128x128xf32> -> vector<128x128xf32>
    %mul3A_392 = arith.constant 1.562500e-02 : f32
    %mul3A_393 = vector.broadcast %mul3A_392 : f32 to vector<128x128xf32>
    %mul3A_394 = arith.mulf %dot_general3A_391, %mul3A_393 : vector<128x128xf32>
    %max3A_395 = arith.constant 0.000000e+00 : f32
    %max3A_396 = vector.broadcast %max3A_395 : f32 to vector<128x128xf32>
    %max3A_397 = arith.maximumf %mul3A_394, %max3A_396 : vector<128x128xf32>
    %square3A_398 = arith.mulf %max3A_397, %max3A_397 : vector<128x128xf32>
    %mul3A_399 = arith.mulf %square3A_398, %convert_element_type3A_59 : vector<128x128xf32>
    %slice3A_400 = vector.extract_strided_slice %slice3A_325 {offsets = [256, 0], sizes = [128, 256], strides = [1, 1]} : vector<1024x256xf32> to vector<128x256xf32>
    %dot_general3A_401 = arith.constant dense<0.000000e+00> : vector<128x256xf32>
    %dot_general3A_402 = tpu.matmul %mul3A_399, %slice3A_400, %dot_general3A_401 {dimension_numbers = #tpu.dot_dimension_numbers<[1], [0], [0], [1], [0, 0, 1, 1], [], []>, transpose_lhs_hint = false} : vector<128x128xf32>, vector<128x256xf32>, vector<128x256xf32> -> vector<128x256xf32>
    %slice3A_403 = vector.extract_strided_slice %add3A_347 {offsets = [384, 0], sizes = [128, 64], strides = [1, 1]} : vector<1024x64xf32> to vector<128x64xf32>
    %slice3A_404 = vector.extract_strided_slice %add3A_357 {offsets = [384, 0], sizes = [128, 64], strides = [1, 1]} : vector<1024x64xf32> to vector<128x64xf32>
    %dot_general3A_405 = arith.constant dense<0.000000e+00> : vector<128x128xf32>
    %dot_general3A_406 = tpu.matmul %slice3A_403, %slice3A_404, %dot_general3A_405 {dimension_numbers = #tpu.dot_dimension_numbers<[1], [1], [0], [0], [0, 0, 1, 0], [], []>, transpose_lhs_hint = false} : vector<128x64xf32>, vector<128x64xf32>, vector<128x128xf32> -> vector<128x128xf32>
    %mul3A_407 = arith.constant 1.562500e-02 : f32
    %mul3A_408 = vector.broadcast %mul3A_407 : f32 to vector<128x128xf32>
    %mul3A_409 = arith.mulf %dot_general3A_406, %mul3A_408 : vector<128x128xf32>
    %max3A_410 = arith.constant 0.000000e+00 : f32
    %max3A_411 = vector.broadcast %max3A_410 : f32 to vector<128x128xf32>
    %max3A_412 = arith.maximumf %mul3A_409, %max3A_411 : vector<128x128xf32>
    %square3A_413 = arith.mulf %max3A_412, %max3A_412 : vector<128x128xf32>
    %mul3A_414 = arith.mulf %square3A_413, %convert_element_type3A_59 : vector<128x128xf32>
    %slice3A_415 = vector.extract_strided_slice %slice3A_325 {offsets = [384, 0], sizes = [128, 256], strides = [1, 1]} : vector<1024x256xf32> to vector<128x256xf32>
    %dot_general3A_416 = arith.constant dense<0.000000e+00> : vector<128x256xf32>
    %dot_general3A_417 = tpu.matmul %mul3A_414, %slice3A_415, %dot_general3A_416 {dimension_numbers = #tpu.dot_dimension_numbers<[1], [0], [0], [1], [0, 0, 1, 1], [], []>, transpose_lhs_hint = false} : vector<128x128xf32>, vector<128x256xf32>, vector<128x256xf32> -> vector<128x256xf32>
    %slice3A_418 = vector.extract_strided_slice %add3A_347 {offsets = [512, 0], sizes = [128, 64], strides = [1, 1]} : vector<1024x64xf32> to vector<128x64xf32>
    %slice3A_419 = vector.extract_strided_slice %add3A_357 {offsets = [512, 0], sizes = [128, 64], strides = [1, 1]} : vector<1024x64xf32> to vector<128x64xf32>
    %dot_general3A_420 = arith.constant dense<0.000000e+00> : vector<128x128xf32>
    %dot_general3A_421 = tpu.matmul %slice3A_418, %slice3A_419, %dot_general3A_420 {dimension_numbers = #tpu.dot_dimension_numbers<[1], [1], [0], [0], [0, 0, 1, 0], [], []>, transpose_lhs_hint = false} : vector<128x64xf32>, vector<128x64xf32>, vector<128x128xf32> -> vector<128x128xf32>
    %mul3A_422 = arith.constant 1.562500e-02 : f32
    %mul3A_423 = vector.broadcast %mul3A_422 : f32 to vector<128x128xf32>
    %mul3A_424 = arith.mulf %dot_general3A_421, %mul3A_423 : vector<128x128xf32>
    %max3A_425 = arith.constant 0.000000e+00 : f32
    %max3A_426 = vector.broadcast %max3A_425 : f32 to vector<128x128xf32>
    %max3A_427 = arith.maximumf %mul3A_424, %max3A_426 : vector<128x128xf32>
    %square3A_428 = arith.mulf %max3A_427, %max3A_427 : vector<128x128xf32>
    %mul3A_429 = arith.mulf %square3A_428, %convert_element_type3A_59 : vector<128x128xf32>
    %slice3A_430 = vector.extract_strided_slice %slice3A_325 {offsets = [512, 0], sizes = [128, 256], strides = [1, 1]} : vector<1024x256xf32> to vector<128x256xf32>
    %dot_general3A_431 = arith.constant dense<0.000000e+00> : vector<128x256xf32>
    %dot_general3A_432 = tpu.matmul %mul3A_429, %slice3A_430, %dot_general3A_431 {dimension_numbers = #tpu.dot_dimension_numbers<[1], [0], [0], [1], [0, 0, 1, 1], [], []>, transpose_lhs_hint = false} : vector<128x128xf32>, vector<128x256xf32>, vector<128x256xf32> -> vector<128x256xf32>
    %slice3A_433 = vector.extract_strided_slice %add3A_347 {offsets = [640, 0], sizes = [128, 64], strides = [1, 1]} : vector<1024x64xf32> to vector<128x64xf32>
    %slice3A_434 = vector.extract_strided_slice %add3A_357 {offsets = [640, 0], sizes = [128, 64], strides = [1, 1]} : vector<1024x64xf32> to vector<128x64xf32>
    %dot_general3A_435 = arith.constant dense<0.000000e+00> : vector<128x128xf32>
    %dot_general3A_436 = tpu.matmul %slice3A_433, %slice3A_434, %dot_general3A_435 {dimension_numbers = #tpu.dot_dimension_numbers<[1], [1], [0], [0], [0, 0, 1, 0], [], []>, transpose_lhs_hint = false} : vector<128x64xf32>, vector<128x64xf32>, vector<128x128xf32> -> vector<128x128xf32>
    %mul3A_437 = arith.constant 1.562500e-02 : f32
    %mul3A_438 = vector.broadcast %mul3A_437 : f32 to vector<128x128xf32>
    %mul3A_439 = arith.mulf %dot_general3A_436, %mul3A_438 : vector<128x128xf32>
    %max3A_440 = arith.constant 0.000000e+00 : f32
    %max3A_441 = vector.broadcast %max3A_440 : f32 to vector<128x128xf32>
    %max3A_442 = arith.maximumf %mul3A_439, %max3A_441 : vector<128x128xf32>
    %square3A_443 = arith.mulf %max3A_442, %max3A_442 : vector<128x128xf32>
    %mul3A_444 = arith.mulf %square3A_443, %convert_element_type3A_59 : vector<128x128xf32>
    %slice3A_445 = vector.extract_strided_slice %slice3A_325 {offsets = [640, 0], sizes = [128, 256], strides = [1, 1]} : vector<1024x256xf32> to vector<128x256xf32>
    %dot_general3A_446 = arith.constant dense<0.000000e+00> : vector<128x256xf32>
    %dot_general3A_447 = tpu.matmul %mul3A_444, %slice3A_445, %dot_general3A_446 {dimension_numbers = #tpu.dot_dimension_numbers<[1], [0], [0], [1], [0, 0, 1, 1], [], []>, transpose_lhs_hint = false} : vector<128x128xf32>, vector<128x256xf32>, vector<128x256xf32> -> vector<128x256xf32>
    %slice3A_448 = vector.extract_strided_slice %add3A_347 {offsets = [768, 0], sizes = [128, 64], strides = [1, 1]} : vector<1024x64xf32> to vector<128x64xf32>
    %slice3A_449 = vector.extract_strided_slice %add3A_357 {offsets = [768, 0], sizes = [128, 64], strides = [1, 1]} : vector<1024x64xf32> to vector<128x64xf32>
    %dot_general3A_450 = arith.constant dense<0.000000e+00> : vector<128x128xf32>
    %dot_general3A_451 = tpu.matmul %slice3A_448, %slice3A_449, %dot_general3A_450 {dimension_numbers = #tpu.dot_dimension_numbers<[1], [1], [0], [0], [0, 0, 1, 0], [], []>, transpose_lhs_hint = false} : vector<128x64xf32>, vector<128x64xf32>, vector<128x128xf32> -> vector<128x128xf32>
    %mul3A_452 = arith.constant 1.562500e-02 : f32
    %mul3A_453 = vector.broadcast %mul3A_452 : f32 to vector<128x128xf32>
    %mul3A_454 = arith.mulf %dot_general3A_451, %mul3A_453 : vector<128x128xf32>
    %max3A_455 = arith.constant 0.000000e+00 : f32
    %max3A_456 = vector.broadcast %max3A_455 : f32 to vector<128x128xf32>
    %max3A_457 = arith.maximumf %mul3A_454, %max3A_456 : vector<128x128xf32>
    %square3A_458 = arith.mulf %max3A_457, %max3A_457 : vector<128x128xf32>
    %mul3A_459 = arith.mulf %square3A_458, %convert_element_type3A_59 : vector<128x128xf32>
    %slice3A_460 = vector.extract_strided_slice %slice3A_325 {offsets = [768, 0], sizes = [128, 256], strides = [1, 1]} : vector<1024x256xf32> to vector<128x256xf32>
    %dot_general3A_461 = arith.constant dense<0.000000e+00> : vector<128x256xf32>
    %dot_general3A_462 = tpu.matmul %mul3A_459, %slice3A_460, %dot_general3A_461 {dimension_numbers = #tpu.dot_dimension_numbers<[1], [0], [0], [1], [0, 0, 1, 1], [], []>, transpose_lhs_hint = false} : vector<128x128xf32>, vector<128x256xf32>, vector<128x256xf32> -> vector<128x256xf32>
    %slice3A_463 = vector.extract_strided_slice %add3A_347 {offsets = [896, 0], sizes = [128, 64], strides = [1, 1]} : vector<1024x64xf32> to vector<128x64xf32>
    %slice3A_464 = vector.extract_strided_slice %add3A_357 {offsets = [896, 0], sizes = [128, 64], strides = [1, 1]} : vector<1024x64xf32> to vector<128x64xf32>
    %dot_general3A_465 = arith.constant dense<0.000000e+00> : vector<128x128xf32>
    %dot_general3A_466 = tpu.matmul %slice3A_463, %slice3A_464, %dot_general3A_465 {dimension_numbers = #tpu.dot_dimension_numbers<[1], [1], [0], [0], [0, 0, 1, 0], [], []>, transpose_lhs_hint = false} : vector<128x64xf32>, vector<128x64xf32>, vector<128x128xf32> -> vector<128x128xf32>
    %mul3A_467 = arith.constant 1.562500e-02 : f32
    %mul3A_468 = vector.broadcast %mul3A_467 : f32 to vector<128x128xf32>
    %mul3A_469 = arith.mulf %dot_general3A_466, %mul3A_468 : vector<128x128xf32>
    %max3A_470 = arith.constant 0.000000e+00 : f32
    %max3A_471 = vector.broadcast %max3A_470 : f32 to vector<128x128xf32>
    %max3A_472 = arith.maximumf %mul3A_469, %max3A_471 : vector<128x128xf32>
    %square3A_473 = arith.mulf %max3A_472, %max3A_472 : vector<128x128xf32>
    %mul3A_474 = arith.mulf %square3A_473, %convert_element_type3A_59 : vector<128x128xf32>
    %slice3A_475 = vector.extract_strided_slice %slice3A_325 {offsets = [896, 0], sizes = [128, 256], strides = [1, 1]} : vector<1024x256xf32> to vector<128x256xf32>
    %dot_general3A_476 = arith.constant dense<0.000000e+00> : vector<128x256xf32>
    %dot_general3A_477 = tpu.matmul %mul3A_474, %slice3A_475, %dot_general3A_476 {dimension_numbers = #tpu.dot_dimension_numbers<[1], [0], [0], [1], [0, 0, 1, 1], [], []>, transpose_lhs_hint = false} : vector<128x128xf32>, vector<128x256xf32>, vector<128x256xf32> -> vector<128x256xf32>
    %concatenate3A_478 = tpu.concatenate %dot_general3A_372, %dot_general3A_387, %dot_general3A_402, %dot_general3A_417, %dot_general3A_432, %dot_general3A_447, %dot_general3A_462, %dot_general3A_477 in 0 : vector<128x256xf32>, vector<128x256xf32>, vector<128x256xf32>, vector<128x256xf32>, vector<128x256xf32>, vector<128x256xf32>, vector<128x256xf32>, vector<128x256xf32> -> vector<1024x256xf32>
    %mul3A_479 = arith.mulf %slice3A_324, %concatenate3A_478 : vector<1024x256xf32>
    %convert_element_type3A_480 = arith.truncf %mul3A_479 : vector<1024x256xf32> to vector<1024x256xbf16>
    %get3A_481 = arith.constant 1 : index
    %get3A_482 = arith.constant 0 : index
    %get3A_483 = arith.constant 0 : index
    %get3A_484 = vector.load %arg11[%get3A_481, %get3A_482, %get3A_483] : memref<2x256x128xf32, #tpu.memory_space<vmem>>, vector<1x256x128xf32>
    %get3A_485 = vector.shape_cast %get3A_484 : vector<1x256x128xf32> to vector<256x128xf32>
    %dot_general3A_486 = arith.constant dense<0.000000e+00> : vector<1024x128xf32>
    %dot_general3A_487 = tpu.matmul %convert_element_type3A_480, %get3A_485, %dot_general3A_486 {dimension_numbers = #tpu.dot_dimension_numbers<[1], [0], [0], [1], [0, 0, 1, 1], [], []>, transpose_lhs_hint = false} : vector<1024x256xbf16>, vector<256x128xf32>, vector<1024x128xf32> -> vector<1024x128xf32>
    %add3A_488 = arith.addf %add3A_270, %dot_general3A_487 : vector<1024x128xf32>
    %get3A_489 = arith.constant 1 : index
    %get3A_490 = arith.constant 0 : index
    %get3A_491 = vector.load %arg12[%get3A_489, %get3A_490] : memref<2x128xf32, #tpu.memory_space<vmem>>, vector<1x128xf32>
    %add3A_492 = vector.broadcast %get3A_491 : vector<1x128xf32> to vector<1024x128xf32>
    %add3A_493 = arith.addf %add3A_488, %add3A_492 : vector<1024x128xf32>
    %iota3A_494 = tpu.iota {dimensions = array<i32: 0>} : vector<16x1024xi32>
    %iota3A_495 = tpu.iota {dimensions = array<i32: 1>} : vector<16x1024xi32>
    %jit3A_496 = arith.constant 64 : i32
    %div3A_497 = vector.broadcast %jit3A_496 : i32 to vector<16x1024xi32>
    %div3A_498 = arith.divsi %iota3A_495, %div3A_497 : vector<16x1024xi32>
    %sign3A_499 = arith.constant 0 : i32
    %sign3A_500 = vector.broadcast %sign3A_499 : i32 to vector<16x1024xi32>
    %sign3A_501 = arith.cmpi sgt, %iota3A_495, %sign3A_500 : vector<16x1024xi32>
    %sign3A_502 = arith.extui %sign3A_501 : vector<16x1024xi1> to vector<16x1024xi32>
    %sign3A_503 = arith.constant 0 : i32
    %sign3A_504 = vector.broadcast %sign3A_503 : i32 to vector<16x1024xi32>
    %sign3A_505 = arith.cmpi slt, %iota3A_495, %sign3A_504 : vector<16x1024xi32>
    %sign3A_506 = arith.extui %sign3A_505 : vector<16x1024xi1> to vector<16x1024xi32>
    %sign3A_507 = arith.subi %sign3A_502, %sign3A_506 : vector<16x1024xi32>
    %sign3A_508 = arith.constant 0 : i32
    %sign3A_509 = arith.cmpi sgt, %jit3A_496, %sign3A_508 : i32
    %sign3A_510 = arith.extui %sign3A_509 : i1 to i32
    %sign3A_511 = arith.constant 0 : i32
    %sign3A_512 = arith.cmpi slt, %jit3A_496, %sign3A_511 : i32
    %sign3A_513 = arith.extui %sign3A_512 : i1 to i32
    %sign3A_514 = arith.subi %sign3A_510, %sign3A_513 : i32
    %ne3A_515 = vector.broadcast %sign3A_514 : i32 to vector<16x1024xi32>
    %ne3A_516 = arith.cmpi ne, %sign3A_507, %ne3A_515 : vector<16x1024xi32>
    %rem3A_517 = vector.broadcast %jit3A_496 : i32 to vector<16x1024xi32>
    %rem3A_518 = arith.remsi %iota3A_495, %rem3A_517 : vector<16x1024xi32>
    %ne3A_519 = arith.constant 0 : i32
    %ne3A_520 = vector.broadcast %ne3A_519 : i32 to vector<16x1024xi32>
    %ne3A_521 = arith.cmpi ne, %rem3A_518, %ne3A_520 : vector<16x1024xi32>
    %and3A_522 = arith.andi %ne3A_516, %ne3A_521 : vector<16x1024xi1>
    %sub3A_523 = arith.constant 1 : i32
    %sub3A_524 = vector.broadcast %sub3A_523 : i32 to vector<16x1024xi32>
    %sub3A_525 = arith.subi %div3A_498, %sub3A_524 : vector<16x1024xi32>
    %select_n3A_526 = arith.select %and3A_522, %sub3A_525, %div3A_498 : vector<16x1024xi1>, vector<16x1024xi32>
    %eq3A_527 = arith.cmpi eq, %select_n3A_526, %iota3A_494 : vector<16x1024xi32>
    %jit3A_528 = arith.constant 1.562500e-02 : f32
    %jit3A_529 = arith.constant 0.000000e+00 : f32
    %broadcast_in_dim3A_530 = vector.broadcast %jit3A_528 : f32 to vector<16x1024xf32>
    %broadcast_in_dim3A_531 = vector.broadcast %jit3A_529 : f32 to vector<16x1024xf32>
    %select_n3A_532 = arith.select %eq3A_527, %broadcast_in_dim3A_530, %broadcast_in_dim3A_531 : vector<16x1024xi1>, vector<16x1024xf32>
    %dot_general3A_533 = arith.constant dense<0.000000e+00> : vector<16x128xf32>
    %dot_general3A_534 = tpu.matmul %select_n3A_532, %add3A_493, %dot_general3A_533 {dimension_numbers = #tpu.dot_dimension_numbers<[1], [0], [0], [1], [0, 0, 1, 1], [], []>, transpose_lhs_hint = false} : vector<16x1024xf32>, vector<1024x128xf32>, vector<16x128xf32> -> vector<16x128xf32>
    %swap3A = arith.constant 0 : index
    %swap3A_535 = arith.constant 0 : index
    %swap3A_536 = arith.constant 0 : index
    %swap3A_537 = vector.load %arg17[%swap3A, %swap3A_535, %swap3A_536] : memref<1x16x128xf32, #tpu.memory_space<vmem>>, vector<1x16x128xf32>
    %swap3A_538 = vector.shape_cast %swap3A_537 : vector<1x16x128xf32> to vector<16x128xf32>
    %swap3A_539 = vector.shape_cast %dot_general3A_534 : vector<16x128xf32> to vector<1x16x128xf32>
    tpu.vector_store %arg17[%swap3A, %swap3A_535, %swap3A_536], %swap3A_539 {strides = array<i32>} : memref<1x16x128xf32, #tpu.memory_space<vmem>>, vector<1x16x128xf32>,
    %reduce_sum3A_540 = arith.constant dense<0.000000e+00> : vector<16xf32>
    %reduce_sum3A_541 = vector.multi_reduction <add>, %dot_general3A_534, %reduce_sum3A_540 [1] : vector<16x128xf32> to vector<16xf32>
    %broadcast_in_dim3A_542 = vector.shape_cast %reduce_sum3A_541 : vector<16xf32> to vector<16x1xf32>
    %div3A_543 = arith.constant 1.280000e+02 : f32
    %div3A_544 = vector.broadcast %div3A_543 : f32 to vector<16x1xf32>
    %div3A_545 = arith.divf %broadcast_in_dim3A_542, %div3A_544 : vector<16x1xf32>
    %sub3A_546 = vector.broadcast %div3A_545 : vector<16x1xf32> to vector<16x128xf32>
    %sub3A_547 = arith.subf %dot_general3A_534, %sub3A_546 : vector<16x128xf32>
    %integer_pow3A_548 = arith.mulf %sub3A_547, %sub3A_547 : vector<16x128xf32>
    %reduce_sum3A_549 = arith.constant dense<0.000000e+00> : vector<16xf32>
    %reduce_sum3A_550 = vector.multi_reduction <add>, %integer_pow3A_548, %reduce_sum3A_549 [1] : vector<16x128xf32> to vector<16xf32>
    %broadcast_in_dim3A_551 = vector.shape_cast %reduce_sum3A_550 : vector<16xf32> to vector<16x1xf32>
    %div3A_552 = arith.constant 1.280000e+02 : f32
    %div3A_553 = vector.broadcast %div3A_552 : f32 to vector<16x1xf32>
    %div3A_554 = arith.divf %broadcast_in_dim3A_551, %div3A_553 : vector<16x1xf32>
    %sub3A_555 = vector.broadcast %div3A_545 : vector<16x1xf32> to vector<16x128xf32>
    %sub3A_556 = arith.subf %dot_general3A_534, %sub3A_555 : vector<16x128xf32>
    %add3A_557 = arith.constant 9.99999974E-6 : f32
    %add3A_558 = vector.broadcast %add3A_557 : f32 to vector<16x1xf32>
    %add3A_559 = arith.addf %div3A_554, %add3A_558 : vector<16x1xf32>
    %sqrt3A_560 = math.sqrt %add3A_559 : vector<16x1xf32>
    %div3A_561 = vector.broadcast %sqrt3A_560 : vector<16x1xf32> to vector<16x128xf32>
    %div3A_562 = arith.divf %sub3A_556, %div3A_561 : vector<16x128xf32>
    %get3A_563 = arith.constant 0 : index
    %get3A_564 = arith.constant 0 : index
    %get3A_565 = vector.load %arg13[%get3A_563, %get3A_564] : memref<1x128xf32, #tpu.memory_space<vmem>>, vector<1x128xf32>
    %mul3A_566 = vector.broadcast %get3A_565 : vector<1x128xf32> to vector<16x128xf32>
    %mul3A_567 = arith.mulf %div3A_562, %mul3A_566 : vector<16x128xf32>
    %get3A_568 = arith.constant 0 : index
    %get3A_569 = arith.constant 0 : index
    %get3A_570 = vector.load %arg14[%get3A_568, %get3A_569] : memref<1x128xf32, #tpu.memory_space<vmem>>, vector<1x128xf32>
    %add3A_571 = vector.broadcast %get3A_570 : vector<1x128xf32> to vector<16x128xf32>
    %add3A_572 = arith.addf %mul3A_567, %add3A_571 : vector<16x128xf32>
    %ge3A = arith.constant 0.000000e+00 : f32
    %ge3A_573 = vector.broadcast %ge3A : f32 to vector<16x128xf32>
    %ge3A_574 = arith.cmpf oge, %add3A_572, %ge3A_573 : vector<16x128xf32>
    %mul3A_575 = arith.constant 0.00999999977 : f32
    %mul3A_576 = vector.broadcast %mul3A_575 : f32 to vector<16x128xf32>
    %mul3A_577 = arith.mulf %mul3A_576, %add3A_572 : vector<16x128xf32>
    %select_n3A_578 = arith.select %ge3A_574, %add3A_572, %mul3A_577 : vector<16x128xi1>, vector<16x128xf32>
    %get3A_579 = arith.constant 0 : index
    %get3A_580 = arith.constant 0 : index
    %get3A_581 = vector.load %arg15[%get3A_579, %get3A_580] : memref<128x128xf32, #tpu.memory_space<vmem>>, vector<128x128xf32>
    %dot_general3A_582 = arith.constant dense<0.000000e+00> : vector<16x128xf32>
    %dot_general3A_583 = tpu.matmul %select_n3A_578, %get3A_581, %dot_general3A_582 {dimension_numbers = #tpu.dot_dimension_numbers<[1], [0], [0], [1], [0, 0, 1, 1], [], []>, transpose_lhs_hint = false} : vector<16x128xf32>, vector<128x128xf32>, vector<16x128xf32> -> vector<16x128xf32>
    %get3A_584 = arith.constant 0 : index
    %get3A_585 = arith.constant 0 : index
    %get3A_586 = vector.load %arg16[%get3A_584, %get3A_585] : memref<1x128xf32, #tpu.memory_space<vmem>>, vector<1x128xf32>
    %add3A_587 = vector.broadcast %get3A_586 : vector<1x128xf32> to vector<16x128xf32>
    %add3A_588 = arith.addf %dot_general3A_583, %add3A_587 : vector<16x128xf32>
    %swap3A_589 = arith.constant 0 : index
    %swap3A_590 = arith.constant 0 : index
    %swap3A_591 = arith.constant 0 : index
    %swap3A_592 = vector.load %arg18[%swap3A_589, %swap3A_590, %swap3A_591] : memref<1x16x128xf32, #tpu.memory_space<vmem>>, vector<1x16x128xf32>
    %swap3A_593 = vector.shape_cast %swap3A_592 : vector<1x16x128xf32> to vector<16x128xf32>
    %swap3A_594 = vector.shape_cast %add3A_588 : vector<16x128xf32> to vector<1x16x128xf32>
    tpu.vector_store %arg18[%swap3A_589, %swap3A_590, %swap3A_591], %swap3A_594 {strides = array<i32>} : memref<1x16x128xf32, #tpu.memory_space<vmem>>, vector<1x16x128xf32>,
    return
  }
  func.func @transform_0(%arg0: i32, %arg1: i32) -> (i32, i32, i32) {
    %c0_i32 = arith.constant 0 : i32
    %c0_i32_0 = arith.constant 0 : i32
    return %arg0, %arg1, %c0_i32 : i32, i32, i32
  }
  func.func @transform_1(%arg0: i32, %arg1: i32) -> (i32, i32) {
    %c0_i32 = arith.constant 0 : i32
    %c0_i32_0 = arith.constant 0 : i32
    %c0_i32_1 = arith.constant 0 : i32
    return %c0_i32, %c0_i32_0 : i32, i32
  }
  func.func @transform_2(%arg0: i32, %arg1: i32) -> (i32, i32) {
    %c0_i32 = arith.constant 0 : i32
    %c0_i32_0 = arith.constant 0 : i32
    %c0_i32_1 = arith.constant 0 : i32
    return %c0_i32, %c0_i32_0 : i32, i32
  }
  func.func @transform_3(%arg0: i32, %arg1: i32) -> (i32, i32, i32) {
    %c0_i32 = arith.constant 0 : i32
    %c0_i32_0 = arith.constant 0 : i32
    %c0_i32_1 = arith.constant 0 : i32
    %c0_i32_2 = arith.constant 0 : i32
    return %c0_i32, %c0_i32_0, %c0_i32_1 : i32, i32, i32
  }
  func.func @transform_4(%arg0: i32, %arg1: i32) -> (i32, i32) {
    %c0_i32 = arith.constant 0 : i32
    %c0_i32_0 = arith.constant 0 : i32
    %c0_i32_1 = arith.constant 0 : i32
    return %c0_i32, %c0_i32_0 : i32, i32
  }
  func.func @transform_5(%arg0: i32, %arg1: i32) -> (i32, i32, i32) {
    %c0_i32 = arith.constant 0 : i32
    %c0_i32_0 = arith.constant 0 : i32
    %c0_i32_1 = arith.constant 0 : i32
    %c0_i32_2 = arith.constant 0 : i32
    return %c0_i32, %c0_i32_0, %c0_i32_1 : i32, i32, i32
  }
  func.func @transform_6(%arg0: i32, %arg1: i32) -> (i32, i32) {
    %c0_i32 = arith.constant 0 : i32
    %c0_i32_0 = arith.constant 0 : i32
    %c0_i32_1 = arith.constant 0 : i32
    return %c0_i32, %c0_i32_0 : i32, i32
  }
  func.func @transform_7(%arg0: i32, %arg1: i32) -> (i32, i32) {
    %c0_i32 = arith.constant 0 : i32
    %c0_i32_0 = arith.constant 0 : i32
    %c0_i32_1 = arith.constant 0 : i32
    return %c0_i32, %c0_i32_0 : i32, i32
  }
  func.func @transform_8(%arg0: i32, %arg1: i32) -> (i32, i32) {
    %c0_i32 = arith.constant 0 : i32
    %c0_i32_0 = arith.constant 0 : i32
    %c0_i32_1 = arith.constant 0 : i32
    return %c0_i32, %c0_i32_0 : i32, i32
  }
  func.func @transform_9(%arg0: i32, %arg1: i32) -> (i32, i32, i32) {
    %c0_i32 = arith.constant 0 : i32
    %c0_i32_0 = arith.constant 0 : i32
    %c0_i32_1 = arith.constant 0 : i32
    %c0_i32_2 = arith.constant 0 : i32
    return %c0_i32, %c0_i32_0, %c0_i32_1 : i32, i32, i32
  }
  func.func @transform_10(%arg0: i32, %arg1: i32) -> (i32, i32) {
    %c0_i32 = arith.constant 0 : i32
    %c0_i32_0 = arith.constant 0 : i32
    %c0_i32_1 = arith.constant 0 : i32
    return %c0_i32, %c0_i32_0 : i32, i32
  }
  func.func @transform_11(%arg0: i32, %arg1: i32) -> (i32, i32) {
    %c0_i32 = arith.constant 0 : i32
    %c0_i32_0 = arith.constant 0 : i32
    %c0_i32_1 = arith.constant 0 : i32
    return %c0_i32, %c0_i32_0 : i32, i32
  }
  func.func @transform_12(%arg0: i32, %arg1: i32) -> (i32, i32) {
    %c0_i32 = arith.constant 0 : i32
    %c0_i32_0 = arith.constant 0 : i32
    %c0_i32_1 = arith.constant 0 : i32
    return %c0_i32, %c0_i32_0 : i32, i32
  }
  func.func @transform_13(%arg0: i32, %arg1: i32) -> (i32, i32) {
    %c0_i32 = arith.constant 0 : i32
    %c0_i32_0 = arith.constant 0 : i32
    %c0_i32_1 = arith.constant 0 : i32
    return %c0_i32, %c0_i32_0 : i32, i32
  }
  func.func @transform_14(%arg0: i32, %arg1: i32) -> (i32, i32) {
    %c0_i32 = arith.constant 0 : i32
    %c0_i32_0 = arith.constant 0 : i32
    %c0_i32_1 = arith.constant 0 : i32
    return %c0_i32, %c0_i32_0 : i32, i32
  }
  func.func @transform_15(%arg0: i32, %arg1: i32) -> (i32, i32, i32) {
    %c0_i32 = arith.constant 0 : i32
    %c0_i32_0 = arith.constant 0 : i32
    return %arg0, %arg1, %c0_i32 : i32, i32, i32
  }
  func.func @transform_16(%arg0: i32, %arg1: i32) -> (i32, i32, i32) {
    %c0_i32 = arith.constant 0 : i32
    %c0_i32_0 = arith.constant 0 : i32
    return %arg0, %arg1, %c0_i32 : i32, i32, i32
  }
}

module attributes {stable_mosaic.version = 14 : i64} {
  func.func @_tail_body(%arg0: i32, %arg1: memref<1x272x128xf32, #tpu.memory_space<vmem>>, %arg2: memref<1x272x128xf32, #tpu.memory_space<vmem>>, %arg3: memref<2x128xf32, #tpu.memory_space<vmem>>, %arg4: memref<2x128xf32, #tpu.memory_space<vmem>>, %arg5: memref<2x128x512xf32, #tpu.memory_space<vmem>>, %arg6: memref<2x512xf32, #tpu.memory_space<vmem>>, %arg7: memref<2x128x64xf32, #tpu.memory_space<vmem>>, %arg8: memref<2x64xf32, #tpu.memory_space<vmem>>, %arg9: memref<4x64xf32, #tpu.memory_space<vmem>>, %arg10: memref<4x64xf32, #tpu.memory_space<vmem>>, %arg11: memref<2x256x128xf32, #tpu.memory_space<vmem>>, %arg12: memref<2x128xf32, #tpu.memory_space<vmem>>, %arg13: memref<1x128xf32, #tpu.memory_space<vmem>>, %arg14: memref<1x128xf32, #tpu.memory_space<vmem>>, %arg15: memref<128x128xf32, #tpu.memory_space<vmem>>, %arg16: memref<1x128xf32, #tpu.memory_space<vmem>>, %arg17: memref<1x128xf32, #tpu.memory_space<vmem>>, %arg18: memref<1x128xf32, #tpu.memory_space<vmem>>, %arg19: memref<128x64xf32, #tpu.memory_space<vmem>>, %arg20: memref<1x64xf32, #tpu.memory_space<vmem>>, %arg21: memref<1x1x64xf32, #tpu.memory_space<vmem>>) attributes {dimension_semantics = [#tpu.dimension_semantics<arbitrary>], iteration_bounds = array<i64: 4>, scalar_prefetch = 0 : i64, scratch_operands = 0 : i64, tpu.core_type = #tpu.core_type<tc>, window_params = [{transform_indices = @transform_0, window_bounds = array<i64: 1, 272, 128>}, {transform_indices = @transform_1, window_bounds = array<i64: 1, 272, 128>}, {pipeline_mode = #tpu.pipeline_mode<synchronous>, transform_indices = @transform_2, window_bounds = array<i64: 2, 128>}, {pipeline_mode = #tpu.pipeline_mode<synchronous>, transform_indices = @transform_3, window_bounds = array<i64: 2, 128>}, {pipeline_mode = #tpu.pipeline_mode<synchronous>, transform_indices = @transform_4, window_bounds = array<i64: 2, 128, 512>}, {pipeline_mode = #tpu.pipeline_mode<synchronous>, transform_indices = @transform_5, window_bounds = array<i64: 2, 512>}, {pipeline_mode = #tpu.pipeline_mode<synchronous>, transform_indices = @transform_6, window_bounds = array<i64: 2, 128, 64>}, {pipeline_mode = #tpu.pipeline_mode<synchronous>, transform_indices = @transform_7, window_bounds = array<i64: 2, 64>}, {pipeline_mode = #tpu.pipeline_mode<synchronous>, transform_indices = @transform_8, window_bounds = array<i64: 4, 64>}, {pipeline_mode = #tpu.pipeline_mode<synchronous>, transform_indices = @transform_9, window_bounds = array<i64: 4, 64>}, {pipeline_mode = #tpu.pipeline_mode<synchronous>, transform_indices = @transform_10, window_bounds = array<i64: 2, 256, 128>}, {pipeline_mode = #tpu.pipeline_mode<synchronous>, transform_indices = @transform_11, window_bounds = array<i64: 2, 128>}, {pipeline_mode = #tpu.pipeline_mode<synchronous>, transform_indices = @transform_12, window_bounds = array<i64: 1, 128>}, {pipeline_mode = #tpu.pipeline_mode<synchronous>, transform_indices = @transform_13, window_bounds = array<i64: 1, 128>}, {pipeline_mode = #tpu.pipeline_mode<synchronous>, transform_indices = @transform_14, window_bounds = array<i64: 128, 128>}, {pipeline_mode = #tpu.pipeline_mode<synchronous>, transform_indices = @transform_15, window_bounds = array<i64: 1, 128>}, {pipeline_mode = #tpu.pipeline_mode<synchronous>, transform_indices = @transform_16, window_bounds = array<i64: 1, 128>}, {pipeline_mode = #tpu.pipeline_mode<synchronous>, transform_indices = @transform_17, window_bounds = array<i64: 1, 128>}, {pipeline_mode = #tpu.pipeline_mode<synchronous>, transform_indices = @transform_18, window_bounds = array<i64: 128, 64>}, {pipeline_mode = #tpu.pipeline_mode<synchronous>, transform_indices = @transform_19, window_bounds = array<i64: 1, 64>}, {transform_indices = @transform_20, window_bounds = array<i64: 1, 1, 64>}]} {
    %get3A = arith.constant 0 : index
    %get3A_0 = arith.constant 0 : index
    %get3A_1 = arith.constant 0 : index
    %get3A_2 = vector.load %arg1[%get3A, %get3A_0, %get3A_1] : memref<1x272x128xf32, #tpu.memory_space<vmem>>, vector<1x272x128xf32>
    %get3A_3 = vector.shape_cast %get3A_2 : vector<1x272x128xf32> to vector<272x128xf32>
    %get3A_4 = arith.constant 0 : index
    %get3A_5 = arith.constant 0 : index
    %get3A_6 = vector.load %arg3[%get3A_4, %get3A_5] : memref<2x128xf32, #tpu.memory_space<vmem>>, vector<2x128xf32>
    %get3A_7 = arith.constant 0 : index
    %get3A_8 = arith.constant 0 : index
    %get3A_9 = vector.load %arg4[%get3A_7, %get3A_8] : memref<2x128xf32, #tpu.memory_space<vmem>>, vector<2x128xf32>
    %get3A_10 = arith.constant 0 : index
    %get3A_11 = arith.constant 0 : index
    %get3A_12 = arith.constant 0 : index
    %get3A_13 = vector.load %arg5[%get3A_10, %get3A_11, %get3A_12] : memref<2x128x512xf32, #tpu.memory_space<vmem>>, vector<2x128x512xf32>
    %get3A_14 = arith.constant 0 : index
    %get3A_15 = arith.constant 0 : index
    %get3A_16 = vector.load %arg6[%get3A_14, %get3A_15] : memref<2x512xf32, #tpu.memory_space<vmem>>, vector<2x512xf32>
    %get3A_17 = arith.constant 0 : index
    %get3A_18 = arith.constant 0 : index
    %get3A_19 = arith.constant 0 : index
    %get3A_20 = vector.load %arg7[%get3A_17, %get3A_18, %get3A_19] : memref<2x128x64xf32, #tpu.memory_space<vmem>>, vector<2x128x64xf32>
    %get3A_21 = arith.constant 0 : index
    %get3A_22 = arith.constant 0 : index
    %get3A_23 = vector.load %arg8[%get3A_21, %get3A_22] : memref<2x64xf32, #tpu.memory_space<vmem>>, vector<2x64xf32>
    %get3A_24 = arith.constant 0 : index
    %get3A_25 = arith.constant 0 : index
    %get3A_26 = vector.load %arg9[%get3A_24, %get3A_25] : memref<4x64xf32, #tpu.memory_space<vmem>>, vector<4x64xf32>
    %get3A_27 = arith.constant 0 : index
    %get3A_28 = arith.constant 0 : index
    %get3A_29 = vector.load %arg10[%get3A_27, %get3A_28] : memref<4x64xf32, #tpu.memory_space<vmem>>, vector<4x64xf32>
    %get3A_30 = arith.constant 0 : index
    %get3A_31 = arith.constant 0 : index
    %get3A_32 = arith.constant 0 : index
    %get3A_33 = vector.load %arg11[%get3A_30, %get3A_31, %get3A_32] : memref<2x256x128xf32, #tpu.memory_space<vmem>>, vector<2x256x128xf32>
    %get3A_34 = arith.constant 0 : index
    %get3A_35 = arith.constant 0 : index
    %get3A_36 = vector.load %arg12[%get3A_34, %get3A_35] : memref<2x128xf32, #tpu.memory_space<vmem>>, vector<2x128xf32>
    %get3A_37 = arith.constant 0 : index
    %get3A_38 = arith.constant 0 : index
    %get3A_39 = vector.load %arg13[%get3A_37, %get3A_38] : memref<1x128xf32, #tpu.memory_space<vmem>>, vector<1x128xf32>
    %get3A_40 = arith.constant 0 : index
    %get3A_41 = arith.constant 0 : index
    %get3A_42 = vector.load %arg14[%get3A_40, %get3A_41] : memref<1x128xf32, #tpu.memory_space<vmem>>, vector<1x128xf32>
    %get3A_43 = arith.constant 0 : index
    %get3A_44 = arith.constant 0 : index
    %get3A_45 = vector.load %arg15[%get3A_43, %get3A_44] : memref<128x128xf32, #tpu.memory_space<vmem>>, vector<128x128xf32>
    %get3A_46 = arith.constant 0 : index
    %get3A_47 = arith.constant 0 : index
    %get3A_48 = vector.load %arg16[%get3A_46, %get3A_47] : memref<1x128xf32, #tpu.memory_space<vmem>>, vector<1x128xf32>
    %iota3A = tpu.iota {dimensions = array<i32: 1>} : vector<1x272xi32>
    %lt3A = arith.constant 257 : i32
    %lt3A_49 = vector.broadcast %lt3A : i32 to vector<1x272xi32>
    %lt3A_50 = arith.cmpi slt, %iota3A, %lt3A_49 : vector<1x272xi32>
    %broadcast_in_dim3A = arith.constant 1.000000e+00 : f32
    %broadcast_in_dim3A_51 = vector.broadcast %broadcast_in_dim3A : f32 to vector<1x128xf32>
    %mul3A = arith.mulf %get3A_3, %get3A_3 : vector<272x128xf32>
    %dot_general3A = arith.constant dense<0.000000e+00> : vector<1x272xf32>
    %dot_general3A_52 = tpu.matmul %broadcast_in_dim3A_51, %mul3A, %dot_general3A {dimension_numbers = #tpu.dot_dimension_numbers<[1], [1], [0], [0], [0, 0, 1, 0], [], []>, transpose_lhs_hint = false} : vector<1x128xf32>, vector<272x128xf32>, vector<1x272xf32> -> vector<1x272xf32>
    %jit3A = arith.constant -1.000000e+00 : f32
    %broadcast_in_dim3A_53 = vector.broadcast %jit3A : f32 to vector<1x272xf32>
    %select_n3A = arith.select %lt3A_50, %dot_general3A_52, %broadcast_in_dim3A_53 : vector<1x272xi1>, vector<1x272xf32>
    %reduce_max3A = vector.shape_cast %select_n3A : vector<1x272xf32> to vector<1x1x272xf32>
    %reduce_max3A_54 = arith.constant dense<0xFF800000> : vector<1xf32>
    %reduce_max3A_55 = vector.multi_reduction <maximumf>, %reduce_max3A, %reduce_max3A_54 [1, 2] : vector<1x1x272xf32> to vector<1xf32>
    %reduce_max3A_56 = vector.shape_cast %reduce_max3A_55 : vector<1xf32> to vector<1x1x1xf32>
    %reduce_max3A_57 = vector.extract %reduce_max3A_56[0, 0, 0] : f32 from vector<1x1x1xf32>
    %eq3A = vector.broadcast %reduce_max3A_57 : f32 to vector<1x272xf32>
    %eq3A_58 = arith.cmpf oeq, %select_n3A, %eq3A : vector<1x272xf32>
    %jit3A_59 = arith.constant 272 : i32
    %broadcast_in_dim3A_60 = vector.broadcast %jit3A_59 : i32 to vector<1x272xi32>
    %select_n3A_61 = arith.select %eq3A_58, %iota3A, %broadcast_in_dim3A_60 : vector<1x272xi1>, vector<1x272xi32>
    %reduce_min3A = vector.shape_cast %select_n3A_61 : vector<1x272xi32> to vector<1x1x272xi32>
    %reduce_min3A_62 = arith.constant dense<2147483647> : vector<1xi32>
    %reduce_min3A_63 = vector.multi_reduction <minsi>, %reduce_min3A, %reduce_min3A_62 [1, 2] : vector<1x1x272xi32> to vector<1xi32>
    %reduce_min3A_64 = vector.shape_cast %reduce_min3A_63 : vector<1xi32> to vector<1x1x1xi32>
    %reduce_min3A_65 = vector.extract %reduce_min3A_64[0, 0, 0] : i32 from vector<1x1x1xi32>
    %eq3A_66 = vector.broadcast %reduce_min3A_65 : i32 to vector<1x272xi32>
    %eq3A_67 = arith.cmpi eq, %iota3A, %eq3A_66 : vector<1x272xi32>
    %convert_element_type3A = arith.extui %eq3A_67 : vector<1x272xi1> to vector<1x272xi32>
    %convert_element_type3A_68 = arith.sitofp %convert_element_type3A : vector<1x272xi32> to vector<1x272xf32>
    %dot_general3A_69 = arith.constant dense<0.000000e+00> : vector<1x128xf32>
    %dot_general3A_70 = tpu.matmul %convert_element_type3A_68, %get3A_3, %dot_general3A_69 {dimension_numbers = #tpu.dot_dimension_numbers<[1], [0], [0], [1], [0, 0, 1, 1], [], []>, transpose_lhs_hint = false} : vector<1x272xf32>, vector<272x128xf32>, vector<1x128xf32> -> vector<1x128xf32>
    %mul3A_71 = arith.mulf %dot_general3A_70, %dot_general3A_70 : vector<1x128xf32>
    %reduce_sum3A = vector.shape_cast %mul3A_71 : vector<1x128xf32> to vector<1x1x128xf32>
    %reduce_sum3A_72 = arith.constant dense<0.000000e+00> : vector<1xf32>
    %reduce_sum3A_73 = vector.multi_reduction <add>, %reduce_sum3A, %reduce_sum3A_72 [1, 2] : vector<1x1x128xf32> to vector<1xf32>
    %reduce_sum3A_74 = vector.shape_cast %reduce_sum3A_73 : vector<1xf32> to vector<1x1x1xf32>
    %reduce_sum3A_75 = vector.extract %reduce_sum3A_74[0, 0, 0] : f32 from vector<1x1x1xf32>
    %sqrt3A = math.sqrt %reduce_sum3A_75 : f32
    %dot_general3A_76 = arith.constant dense<0.000000e+00> : vector<1x272xf32>
    %dot_general3A_77 = tpu.matmul %dot_general3A_70, %get3A_3, %dot_general3A_76 {dimension_numbers = #tpu.dot_dimension_numbers<[1], [1], [0], [0], [0, 0, 1, 0], [], []>, transpose_lhs_hint = false} : vector<1x128xf32>, vector<272x128xf32>, vector<1x272xf32> -> vector<1x272xf32>
    %max3A = arith.constant 0.000000e+00 : f32
    %max3A_78 = vector.broadcast %max3A : f32 to vector<1x272xf32>
    %max3A_79 = arith.maximumf %dot_general3A_52, %max3A_78 : vector<1x272xf32>
    %sqrt3A_80 = math.sqrt %max3A_79 : vector<1x272xf32>
    %mul3A_81 = vector.broadcast %sqrt3A : f32 to vector<1x272xf32>
    %mul3A_82 = arith.mulf %mul3A_81, %sqrt3A_80 : vector<1x272xf32>
    %max3A_83 = arith.constant 9.99999993E-9 : f32
    %max3A_84 = vector.broadcast %max3A_83 : f32 to vector<1x272xf32>
    %max3A_85 = arith.maximumf %mul3A_82, %max3A_84 : vector<1x272xf32>
    %div3A = arith.divf %dot_general3A_77, %max3A_85 : vector<1x272xf32>
    %jit3A_86 = arith.constant -3.000000e+00 : f32
    %broadcast_in_dim3A_87 = vector.broadcast %jit3A_86 : f32 to vector<1x272xf32>
    %select_n3A_88 = arith.select %lt3A_50, %div3A, %broadcast_in_dim3A_87 : vector<1x272xi1>, vector<1x272xf32>
    %iota3A_89 = tpu.iota {dimensions = array<i32: 0>} : vector<272x272xi32>
    %iota3A_90 = tpu.iota {dimensions = array<i32: 1>} : vector<272x272xi32>
    %eq3A_91 = arith.cmpi eq, %iota3A_89, %iota3A_90 : vector<272x272xi32>
    %convert_element_type3A_92 = arith.extui %eq3A_91 : vector<272x272xi1> to vector<272x272xi32>
    %convert_element_type3A_93 = arith.sitofp %convert_element_type3A_92 : vector<272x272xi32> to vector<272x272xf32>
    %dot_general3A_94 = arith.constant dense<0.000000e+00> : vector<272x1xf32>
    %dot_general3A_95 = tpu.matmul %convert_element_type3A_93, %select_n3A_88, %dot_general3A_94 {dimension_numbers = #tpu.dot_dimension_numbers<[1], [1], [0], [0], [0, 0, 1, 0], [], []>, transpose_lhs_hint = false} : vector<272x272xf32>, vector<1x272xf32>, vector<272x1xf32> -> vector<272x1xf32>
    %gt3A = vector.broadcast %select_n3A_88 : vector<1x272xf32> to vector<272x272xf32>
    %gt3A_96 = vector.broadcast %dot_general3A_95 : vector<272x1xf32> to vector<272x272xf32>
    %gt3A_97 = arith.cmpf ogt, %gt3A, %gt3A_96 : vector<272x272xf32>
    %and3A = vector.broadcast %lt3A_50 : vector<1x272xi1> to vector<272x272xi1>
    %and3A_98 = arith.andi %gt3A_97, %and3A : vector<272x272xi1>
    %jit3A_99 = arith.constant 1.000000e+00 : f32
    %jit3A_100 = arith.constant 0.000000e+00 : f32
    %broadcast_in_dim3A_101 = vector.broadcast %jit3A_99 : f32 to vector<272x272xf32>
    %broadcast_in_dim3A_102 = vector.broadcast %jit3A_100 : f32 to vector<272x272xf32>
    %select_n3A_103 = arith.select %and3A_98, %broadcast_in_dim3A_101, %broadcast_in_dim3A_102 : vector<272x272xi1>, vector<272x272xf32>
    %eq3A_104 = vector.broadcast %select_n3A_88 : vector<1x272xf32> to vector<272x272xf32>
    %eq3A_105 = vector.broadcast %dot_general3A_95 : vector<272x1xf32> to vector<272x272xf32>
    %eq3A_106 = arith.cmpf oeq, %eq3A_104, %eq3A_105 : vector<272x272xf32>
    %lt3A_107 = arith.cmpi slt, %iota3A_90, %iota3A_89 : vector<272x272xi32>
    %and3A_108 = arith.andi %eq3A_106, %lt3A_107 : vector<272x272xi1>
    %and3A_109 = vector.broadcast %lt3A_50 : vector<1x272xi1> to vector<272x272xi1>
    %and3A_110 = arith.andi %and3A_108, %and3A_109 : vector<272x272xi1>
    %jit3A_111 = arith.constant 1.000000e+00 : f32
    %jit3A_112 = arith.constant 0.000000e+00 : f32
    %broadcast_in_dim3A_113 = vector.broadcast %jit3A_111 : f32 to vector<272x272xf32>
    %broadcast_in_dim3A_114 = vector.broadcast %jit3A_112 : f32 to vector<272x272xf32>
    %select_n3A_115 = arith.select %and3A_110, %broadcast_in_dim3A_113, %broadcast_in_dim3A_114 : vector<272x272xi1>, vector<272x272xf32>
    %broadcast_in_dim3A_116 = arith.constant 1.000000e+00 : f32
    %broadcast_in_dim3A_117 = vector.broadcast %broadcast_in_dim3A_116 : f32 to vector<272x1xf32>
    %add3A = arith.addf %select_n3A_103, %select_n3A_115 : vector<272x272xf32>
    %dot_general3A_118 = arith.constant dense<0.000000e+00> : vector<272x1xf32>
    %dot_general3A_119 = tpu.matmul %add3A, %broadcast_in_dim3A_117, %dot_general3A_118 {dimension_numbers = #tpu.dot_dimension_numbers<[1], [0], [0], [1], [0, 0, 1, 1], [], []>, transpose_lhs_hint = false} : vector<272x272xf32>, vector<272x1xf32>, vector<272x1xf32> -> vector<272x1xf32>
    %iota3A_120 = tpu.iota {dimensions = array<i32: 0>} : vector<272x1xi32>
    %lt3A_121 = arith.constant 257 : i32
    %lt3A_122 = vector.broadcast %lt3A_121 : i32 to vector<272x1xi32>
    %lt3A_123 = arith.cmpi slt, %iota3A_120, %lt3A_122 : vector<272x1xi32>
    %jit3A_124 = arith.constant -1.000000e+00 : f32
    %broadcast_in_dim3A_125 = vector.broadcast %jit3A_124 : f32 to vector<272x1xf32>
    %select_n3A_126 = arith.select %lt3A_123, %dot_general3A_119, %broadcast_in_dim3A_125 : vector<272x1xi1>, vector<272x1xf32>
    %iota3A_127 = tpu.iota {dimensions = array<i32: 1>} : vector<272x320xi32>
    %convert_element_type3A_128 = arith.sitofp %iota3A_127 : vector<272x320xi32> to vector<272x320xf32>
    %eq3A_129 = vector.broadcast %select_n3A_126 : vector<272x1xf32> to vector<272x320xf32>
    %eq3A_130 = arith.cmpf oeq, %eq3A_129, %convert_element_type3A_128 : vector<272x320xf32>
    %jit3A_131 = arith.constant 1.000000e+00 : f32
    %jit3A_132 = arith.constant 0.000000e+00 : f32
    %broadcast_in_dim3A_133 = vector.broadcast %jit3A_131 : f32 to vector<272x320xf32>
    %broadcast_in_dim3A_134 = vector.broadcast %jit3A_132 : f32 to vector<272x320xf32>
    %select_n3A_135 = arith.select %eq3A_130, %broadcast_in_dim3A_133, %broadcast_in_dim3A_134 : vector<272x320xi1>, vector<272x320xf32>
    %dot_general3A_136 = arith.constant dense<0.000000e+00> : vector<320x128xf32>
    %dot_general3A_137 = tpu.matmul %select_n3A_135, %get3A_3, %dot_general3A_136 {dimension_numbers = #tpu.dot_dimension_numbers<[0], [0], [1], [1], [0, 1, 1, 1], [], []>, transpose_lhs_hint = false} : vector<272x320xf32>, vector<272x128xf32>, vector<320x128xf32> -> vector<320x128xf32>
    %iota3A_138 = tpu.iota {dimensions = array<i32: 0>} : vector<320x128xi32>
    %iota3A_139 = tpu.iota {dimensions = array<i32: 1>} : vector<320x128xi32>
    %ge3A = arith.constant 257 : i32
    %ge3A_140 = vector.broadcast %ge3A : i32 to vector<320x128xi32>
    %ge3A_141 = arith.cmpi sge, %iota3A_138, %ge3A_140 : vector<320x128xi32>
    %sub3A = arith.constant 257 : i32
    %sub3A_142 = vector.broadcast %sub3A : i32 to vector<320x128xi32>
    %sub3A_143 = arith.subi %iota3A_138, %sub3A_142 : vector<320x128xi32>
    %jit3A_144 = arith.constant 128 : i32
    %eq3A_145 = arith.constant 0 : i32
    %eq3A_146 = arith.cmpi eq, %jit3A_144, %eq3A_145 : i32
    %jit3A_147 = arith.constant 1 : i32
    %select_n3A_148 = arith.select %eq3A_146, %jit3A_147, %jit3A_144 : i32
    %rem3A = vector.broadcast %select_n3A_148 : i32 to vector<320x128xi32>
    %rem3A_149 = arith.remsi %sub3A_143, %rem3A : vector<320x128xi32>
    %ne3A = arith.constant 0 : i32
    %ne3A_150 = vector.broadcast %ne3A : i32 to vector<320x128xi32>
    %ne3A_151 = arith.cmpi ne, %rem3A_149, %ne3A_150 : vector<320x128xi32>
    %lt3A_152 = arith.constant 0 : i32
    %lt3A_153 = vector.broadcast %lt3A_152 : i32 to vector<320x128xi32>
    %lt3A_154 = arith.cmpi slt, %rem3A_149, %lt3A_153 : vector<320x128xi32>
    %lt3A_155 = arith.constant 0 : i32
    %lt3A_156 = arith.cmpi slt, %select_n3A_148, %lt3A_155 : i32
    %ne3A_157 = vector.broadcast %lt3A_156 : i1 to vector<320x128xi1>
    %ne3A_158 = vector.broadcast %ne3A_157 : vector<320x128xi1> to vector<320x128xi1>
    %ne3A_159 = arith.xori %lt3A_154, %ne3A_158 : vector<320x128xi1>
    %and3A_160 = arith.andi %ne3A_159, %ne3A_151 : vector<320x128xi1>
    %add3A_161 = vector.broadcast %select_n3A_148 : i32 to vector<320x128xi32>
    %add3A_162 = arith.addi %rem3A_149, %add3A_161 : vector<320x128xi32>
    %select_n3A_163 = arith.select %and3A_160, %add3A_162, %rem3A_149 : vector<320x128xi1>, vector<320x128xi32>
    %eq3A_164 = arith.cmpi eq, %iota3A_139, %select_n3A_163 : vector<320x128xi32>
    %and3A_165 = arith.andi %ge3A_141, %eq3A_164 : vector<320x128xi1>
    %jit3A_166 = arith.constant 1.000000e+00 : f32
    %jit3A_167 = arith.constant 0.000000e+00 : f32
    %broadcast_in_dim3A_168 = vector.broadcast %jit3A_166 : f32 to vector<320x128xf32>
    %broadcast_in_dim3A_169 = vector.broadcast %jit3A_167 : f32 to vector<320x128xf32>
    %select_n3A_170 = arith.select %and3A_165, %broadcast_in_dim3A_168, %broadcast_in_dim3A_169 : vector<320x128xi1>, vector<320x128xf32>
    %add3A_171 = arith.addf %dot_general3A_137, %select_n3A_170 : vector<320x128xf32>
    %iota3A_172 = tpu.iota {dimensions = array<i32: 0>} : vector<320x320xi32>
    %iota3A_173 = tpu.iota {dimensions = array<i32: 1>} : vector<320x320xi32>
    %jit3A_174 = arith.constant 64 : i32
    %div3A_175 = vector.broadcast %jit3A_174 : i32 to vector<320x320xi32>
    %div3A_176 = arith.divsi %iota3A_172, %div3A_175 : vector<320x320xi32>
    %sign3A = arith.constant 0 : i32
    %sign3A_177 = vector.broadcast %sign3A : i32 to vector<320x320xi32>
    %sign3A_178 = arith.cmpi sgt, %iota3A_172, %sign3A_177 : vector<320x320xi32>
    %sign3A_179 = arith.extui %sign3A_178 : vector<320x320xi1> to vector<320x320xi32>
    %sign3A_180 = arith.constant 0 : i32
    %sign3A_181 = vector.broadcast %sign3A_180 : i32 to vector<320x320xi32>
    %sign3A_182 = arith.cmpi slt, %iota3A_172, %sign3A_181 : vector<320x320xi32>
    %sign3A_183 = arith.extui %sign3A_182 : vector<320x320xi1> to vector<320x320xi32>
    %sign3A_184 = arith.subi %sign3A_179, %sign3A_183 : vector<320x320xi32>
    %sign3A_185 = arith.constant 0 : i32
    %sign3A_186 = arith.cmpi sgt, %jit3A_174, %sign3A_185 : i32
    %sign3A_187 = arith.extui %sign3A_186 : i1 to i32
    %sign3A_188 = arith.constant 0 : i32
    %sign3A_189 = arith.cmpi slt, %jit3A_174, %sign3A_188 : i32
    %sign3A_190 = arith.extui %sign3A_189 : i1 to i32
    %sign3A_191 = arith.subi %sign3A_187, %sign3A_190 : i32
    %ne3A_192 = vector.broadcast %sign3A_191 : i32 to vector<320x320xi32>
    %ne3A_193 = arith.cmpi ne, %sign3A_184, %ne3A_192 : vector<320x320xi32>
    %rem3A_194 = vector.broadcast %jit3A_174 : i32 to vector<320x320xi32>
    %rem3A_195 = arith.remsi %iota3A_172, %rem3A_194 : vector<320x320xi32>
    %ne3A_196 = arith.constant 0 : i32
    %ne3A_197 = vector.broadcast %ne3A_196 : i32 to vector<320x320xi32>
    %ne3A_198 = arith.cmpi ne, %rem3A_195, %ne3A_197 : vector<320x320xi32>
    %and3A_199 = arith.andi %ne3A_193, %ne3A_198 : vector<320x320xi1>
    %sub3A_200 = arith.constant 1 : i32
    %sub3A_201 = vector.broadcast %sub3A_200 : i32 to vector<320x320xi32>
    %sub3A_202 = arith.subi %div3A_176, %sub3A_201 : vector<320x320xi32>
    %select_n3A_203 = arith.select %and3A_199, %sub3A_202, %div3A_176 : vector<320x320xi1>, vector<320x320xi32>
    %jit3A_204 = arith.constant 64 : i32
    %div3A_205 = vector.broadcast %jit3A_204 : i32 to vector<320x320xi32>
    %div3A_206 = arith.divsi %iota3A_173, %div3A_205 : vector<320x320xi32>
    %sign3A_207 = arith.constant 0 : i32
    %sign3A_208 = vector.broadcast %sign3A_207 : i32 to vector<320x320xi32>
    %sign3A_209 = arith.cmpi sgt, %iota3A_173, %sign3A_208 : vector<320x320xi32>
    %sign3A_210 = arith.extui %sign3A_209 : vector<320x320xi1> to vector<320x320xi32>
    %sign3A_211 = arith.constant 0 : i32
    %sign3A_212 = vector.broadcast %sign3A_211 : i32 to vector<320x320xi32>
    %sign3A_213 = arith.cmpi slt, %iota3A_173, %sign3A_212 : vector<320x320xi32>
    %sign3A_214 = arith.extui %sign3A_213 : vector<320x320xi1> to vector<320x320xi32>
    %sign3A_215 = arith.subi %sign3A_210, %sign3A_214 : vector<320x320xi32>
    %sign3A_216 = arith.constant 0 : i32
    %sign3A_217 = arith.cmpi sgt, %jit3A_204, %sign3A_216 : i32
    %sign3A_218 = arith.extui %sign3A_217 : i1 to i32
    %sign3A_219 = arith.constant 0 : i32
    %sign3A_220 = arith.cmpi slt, %jit3A_204, %sign3A_219 : i32
    %sign3A_221 = arith.extui %sign3A_220 : i1 to i32
    %sign3A_222 = arith.subi %sign3A_218, %sign3A_221 : i32
    %ne3A_223 = vector.broadcast %sign3A_222 : i32 to vector<320x320xi32>
    %ne3A_224 = arith.cmpi ne, %sign3A_215, %ne3A_223 : vector<320x320xi32>
    %rem3A_225 = vector.broadcast %jit3A_204 : i32 to vector<320x320xi32>
    %rem3A_226 = arith.remsi %iota3A_173, %rem3A_225 : vector<320x320xi32>
    %ne3A_227 = arith.constant 0 : i32
    %ne3A_228 = vector.broadcast %ne3A_227 : i32 to vector<320x320xi32>
    %ne3A_229 = arith.cmpi ne, %rem3A_226, %ne3A_228 : vector<320x320xi32>
    %and3A_230 = arith.andi %ne3A_224, %ne3A_229 : vector<320x320xi1>
    %sub3A_231 = arith.constant 1 : i32
    %sub3A_232 = vector.broadcast %sub3A_231 : i32 to vector<320x320xi32>
    %sub3A_233 = arith.subi %div3A_206, %sub3A_232 : vector<320x320xi32>
    %select_n3A_234 = arith.select %and3A_230, %sub3A_233, %div3A_206 : vector<320x320xi1>, vector<320x320xi32>
    %eq3A_235 = arith.cmpi eq, %select_n3A_203, %select_n3A_234 : vector<320x320xi32>
    %convert_element_type3A_236 = arith.extui %eq3A_235 : vector<320x320xi1> to vector<320x320xi32>
    %convert_element_type3A_237 = arith.sitofp %convert_element_type3A_236 : vector<320x320xi32> to vector<320x320xf32>
    %reduce_sum3A_238 = arith.constant dense<0.000000e+00> : vector<320xf32>
    %reduce_sum3A_239 = vector.multi_reduction <add>, %add3A_171, %reduce_sum3A_238 [1] : vector<320x128xf32> to vector<320xf32>
    %broadcast_in_dim3A_240 = vector.shape_cast %reduce_sum3A_239 : vector<320xf32> to vector<320x1xf32>
    %div3A_241 = arith.constant 1.280000e+02 : f32
    %div3A_242 = vector.broadcast %div3A_241 : f32 to vector<320x1xf32>
    %div3A_243 = arith.divf %broadcast_in_dim3A_240, %div3A_242 : vector<320x1xf32>
    %sub3A_244 = vector.broadcast %div3A_243 : vector<320x1xf32> to vector<320x128xf32>
    %sub3A_245 = arith.subf %add3A_171, %sub3A_244 : vector<320x128xf32>
    %integer_pow3A = arith.mulf %sub3A_245, %sub3A_245 : vector<320x128xf32>
    %reduce_sum3A_246 = arith.constant dense<0.000000e+00> : vector<320xf32>
    %reduce_sum3A_247 = vector.multi_reduction <add>, %integer_pow3A, %reduce_sum3A_246 [1] : vector<320x128xf32> to vector<320xf32>
    %broadcast_in_dim3A_248 = vector.shape_cast %reduce_sum3A_247 : vector<320xf32> to vector<320x1xf32>
    %div3A_249 = arith.constant 1.280000e+02 : f32
    %div3A_250 = vector.broadcast %div3A_249 : f32 to vector<320x1xf32>
    %div3A_251 = arith.divf %broadcast_in_dim3A_248, %div3A_250 : vector<320x1xf32>
    %sub3A_252 = vector.broadcast %div3A_243 : vector<320x1xf32> to vector<320x128xf32>
    %sub3A_253 = arith.subf %add3A_171, %sub3A_252 : vector<320x128xf32>
    %add3A_254 = arith.constant 9.99999974E-6 : f32
    %add3A_255 = vector.broadcast %add3A_254 : f32 to vector<320x1xf32>
    %add3A_256 = arith.addf %div3A_251, %add3A_255 : vector<320x1xf32>
    %sqrt3A_257 = math.sqrt %add3A_256 : vector<320x1xf32>
    %div3A_258 = vector.broadcast %sqrt3A_257 : vector<320x1xf32> to vector<320x128xf32>
    %div3A_259 = arith.divf %sub3A_253, %div3A_258 : vector<320x128xf32>
    %slice3A = vector.extract_strided_slice %get3A_6 {offsets = [0, 0], sizes = [1, 128], strides = [1, 1]} : vector<2x128xf32> to vector<1x128xf32>
    %mul3A_260 = vector.broadcast %slice3A : vector<1x128xf32> to vector<320x128xf32>
    %mul3A_261 = arith.mulf %div3A_259, %mul3A_260 : vector<320x128xf32>
    %slice3A_262 = vector.extract_strided_slice %get3A_9 {offsets = [0, 0], sizes = [1, 128], strides = [1, 1]} : vector<2x128xf32> to vector<1x128xf32>
    %add3A_263 = vector.broadcast %slice3A_262 : vector<1x128xf32> to vector<320x128xf32>
    %add3A_264 = arith.addf %mul3A_261, %add3A_263 : vector<320x128xf32>
    %convert_element_type3A_265 = arith.truncf %add3A_264 : vector<320x128xf32> to vector<320x128xbf16>
    %slice3A_266 = vector.extract_strided_slice %get3A_13 {offsets = [0, 0, 0], sizes = [1, 128, 512], strides = [1, 1, 1]} : vector<2x128x512xf32> to vector<1x128x512xf32>
    %squeeze3A = vector.shape_cast %slice3A_266 : vector<1x128x512xf32> to vector<128x512xf32>
    %dot_general3A_267 = arith.constant dense<0.000000e+00> : vector<320x512xf32>
    %dot_general3A_268 = tpu.matmul %convert_element_type3A_265, %squeeze3A, %dot_general3A_267 {dimension_numbers = #tpu.dot_dimension_numbers<[1], [0], [0], [1], [0, 0, 1, 1], [], []>, transpose_lhs_hint = false} : vector<320x128xbf16>, vector<128x512xf32>, vector<320x512xf32> -> vector<320x512xf32>
    %slice3A_269 = vector.extract_strided_slice %get3A_16 {offsets = [0, 0], sizes = [1, 512], strides = [1, 1]} : vector<2x512xf32> to vector<1x512xf32>
    %add3A_270 = vector.broadcast %slice3A_269 : vector<1x512xf32> to vector<320x512xf32>
    %add3A_271 = arith.addf %dot_general3A_268, %add3A_270 : vector<320x512xf32>
    %logistic3A = arith.negf %add3A_271 : vector<320x512xf32>
    %logistic3A_272 = math.exp %logistic3A : vector<320x512xf32>
    %logistic3A_273 = arith.constant 1.000000e+00 : f32
    %logistic3A_274 = vector.broadcast %logistic3A_273 : f32 to vector<320x512xf32>
    %logistic3A_275 = arith.addf %logistic3A_274, %logistic3A_272 : vector<320x512xf32>
    %logistic3A_276 = arith.divf %logistic3A_274, %logistic3A_275 : vector<320x512xf32>
    %mul3A_277 = arith.mulf %add3A_271, %logistic3A_276 : vector<320x512xf32>
    %slice3A_278 = vector.extract_strided_slice %mul3A_277 {offsets = [0, 0], sizes = [320, 256], strides = [1, 1]} : vector<320x512xf32> to vector<320x256xf32>
    %slice3A_279 = vector.extract_strided_slice %mul3A_277 {offsets = [0, 256], sizes = [320, 256], strides = [1, 1]} : vector<320x512xf32> to vector<320x256xf32>
    %slice3A_280 = vector.extract_strided_slice %get3A_20 {offsets = [0, 0, 0], sizes = [1, 128, 64], strides = [1, 1, 1]} : vector<2x128x64xf32> to vector<1x128x64xf32>
    %squeeze3A_281 = vector.shape_cast %slice3A_280 : vector<1x128x64xf32> to vector<128x64xf32>
    %dot_general3A_282 = arith.constant dense<0.000000e+00> : vector<320x64xf32>
    %dot_general3A_283 = tpu.matmul %add3A_264, %squeeze3A_281, %dot_general3A_282 {dimension_numbers = #tpu.dot_dimension_numbers<[1], [0], [0], [1], [0, 0, 1, 1], [], []>, transpose_lhs_hint = false} : vector<320x128xf32>, vector<128x64xf32>, vector<320x64xf32> -> vector<320x64xf32>
    %slice3A_284 = vector.extract_strided_slice %get3A_23 {offsets = [0, 0], sizes = [1, 64], strides = [1, 1]} : vector<2x64xf32> to vector<1x64xf32>
    %add3A_285 = vector.broadcast %slice3A_284 : vector<1x64xf32> to vector<320x64xf32>
    %add3A_286 = arith.addf %dot_general3A_283, %add3A_285 : vector<320x64xf32>
    %slice3A_287 = vector.extract_strided_slice %get3A_26 {offsets = [0, 0], sizes = [1, 64], strides = [1, 1]} : vector<4x64xf32> to vector<1x64xf32>
    %mul3A_288 = vector.broadcast %slice3A_287 : vector<1x64xf32> to vector<320x64xf32>
    %mul3A_289 = arith.mulf %add3A_286, %mul3A_288 : vector<320x64xf32>
    %slice3A_290 = vector.extract_strided_slice %get3A_29 {offsets = [0, 0], sizes = [1, 64], strides = [1, 1]} : vector<4x64xf32> to vector<1x64xf32>
    %add3A_291 = vector.broadcast %slice3A_290 : vector<1x64xf32> to vector<320x64xf32>
    %add3A_292 = arith.addf %mul3A_289, %add3A_291 : vector<320x64xf32>
    %slice3A_293 = vector.extract_strided_slice %get3A_26 {offsets = [1, 0], sizes = [1, 64], strides = [1, 1]} : vector<4x64xf32> to vector<1x64xf32>
    %mul3A_294 = vector.broadcast %slice3A_293 : vector<1x64xf32> to vector<320x64xf32>
    %mul3A_295 = arith.mulf %add3A_286, %mul3A_294 : vector<320x64xf32>
    %slice3A_296 = vector.extract_strided_slice %get3A_29 {offsets = [1, 0], sizes = [1, 64], strides = [1, 1]} : vector<4x64xf32> to vector<1x64xf32>
    %add3A_297 = vector.broadcast %slice3A_296 : vector<1x64xf32> to vector<320x64xf32>
    %add3A_298 = arith.addf %mul3A_295, %add3A_297 : vector<320x64xf32>
    %dot_general3A_299 = arith.constant dense<0.000000e+00> : vector<320x320xf32>
    %dot_general3A_300 = tpu.matmul %add3A_292, %add3A_298, %dot_general3A_299 {dimension_numbers = #tpu.dot_dimension_numbers<[1], [1], [0], [0], [0, 0, 1, 0], [], []>, transpose_lhs_hint = false} : vector<320x64xf32>, vector<320x64xf32>, vector<320x320xf32> -> vector<320x320xf32>
    %mul3A_301 = arith.constant 1.562500e-02 : f32
    %mul3A_302 = vector.broadcast %mul3A_301 : f32 to vector<320x320xf32>
    %mul3A_303 = arith.mulf %dot_general3A_300, %mul3A_302 : vector<320x320xf32>
    %max3A_304 = arith.constant 0.000000e+00 : f32
    %max3A_305 = vector.broadcast %max3A_304 : f32 to vector<320x320xf32>
    %max3A_306 = arith.maximumf %mul3A_303, %max3A_305 : vector<320x320xf32>
    %square3A = arith.mulf %max3A_306, %max3A_306 : vector<320x320xf32>
    %mul3A_307 = arith.mulf %square3A, %convert_element_type3A_237 : vector<320x320xf32>
    %dot_general3A_308 = arith.constant dense<0.000000e+00> : vector<320x256xf32>
    %dot_general3A_309 = tpu.matmul %mul3A_307, %slice3A_279, %dot_general3A_308 {dimension_numbers = #tpu.dot_dimension_numbers<[1], [0], [0], [1], [0, 0, 1, 1], [], []>, transpose_lhs_hint = false} : vector<320x320xf32>, vector<320x256xf32>, vector<320x256xf32> -> vector<320x256xf32>
    %mul3A_310 = arith.mulf %slice3A_278, %dot_general3A_309 : vector<320x256xf32>
    %convert_element_type3A_311 = arith.truncf %mul3A_310 : vector<320x256xf32> to vector<320x256xbf16>
    %slice3A_312 = vector.extract_strided_slice %get3A_33 {offsets = [0, 0, 0], sizes = [1, 256, 128], strides = [1, 1, 1]} : vector<2x256x128xf32> to vector<1x256x128xf32>
    %squeeze3A_313 = vector.shape_cast %slice3A_312 : vector<1x256x128xf32> to vector<256x128xf32>
    %dot_general3A_314 = arith.constant dense<0.000000e+00> : vector<320x128xf32>
    %dot_general3A_315 = tpu.matmul %convert_element_type3A_311, %squeeze3A_313, %dot_general3A_314 {dimension_numbers = #tpu.dot_dimension_numbers<[1], [0], [0], [1], [0, 0, 1, 1], [], []>, transpose_lhs_hint = false} : vector<320x256xbf16>, vector<256x128xf32>, vector<320x128xf32> -> vector<320x128xf32>
    %add3A_316 = arith.addf %add3A_171, %dot_general3A_315 : vector<320x128xf32>
    %slice3A_317 = vector.extract_strided_slice %get3A_36 {offsets = [0, 0], sizes = [1, 128], strides = [1, 1]} : vector<2x128xf32> to vector<1x128xf32>
    %add3A_318 = vector.broadcast %slice3A_317 : vector<1x128xf32> to vector<320x128xf32>
    %add3A_319 = arith.addf %add3A_316, %add3A_318 : vector<320x128xf32>
    %reduce_sum3A_320 = arith.constant dense<0.000000e+00> : vector<320xf32>
    %reduce_sum3A_321 = vector.multi_reduction <add>, %add3A_319, %reduce_sum3A_320 [1] : vector<320x128xf32> to vector<320xf32>
    %broadcast_in_dim3A_322 = vector.shape_cast %reduce_sum3A_321 : vector<320xf32> to vector<320x1xf32>
    %div3A_323 = arith.constant 1.280000e+02 : f32
    %div3A_324 = vector.broadcast %div3A_323 : f32 to vector<320x1xf32>
    %div3A_325 = arith.divf %broadcast_in_dim3A_322, %div3A_324 : vector<320x1xf32>
    %sub3A_326 = vector.broadcast %div3A_325 : vector<320x1xf32> to vector<320x128xf32>
    %sub3A_327 = arith.subf %add3A_319, %sub3A_326 : vector<320x128xf32>
    %integer_pow3A_328 = arith.mulf %sub3A_327, %sub3A_327 : vector<320x128xf32>
    %reduce_sum3A_329 = arith.constant dense<0.000000e+00> : vector<320xf32>
    %reduce_sum3A_330 = vector.multi_reduction <add>, %integer_pow3A_328, %reduce_sum3A_329 [1] : vector<320x128xf32> to vector<320xf32>
    %broadcast_in_dim3A_331 = vector.shape_cast %reduce_sum3A_330 : vector<320xf32> to vector<320x1xf32>
    %div3A_332 = arith.constant 1.280000e+02 : f32
    %div3A_333 = vector.broadcast %div3A_332 : f32 to vector<320x1xf32>
    %div3A_334 = arith.divf %broadcast_in_dim3A_331, %div3A_333 : vector<320x1xf32>
    %sub3A_335 = vector.broadcast %div3A_325 : vector<320x1xf32> to vector<320x128xf32>
    %sub3A_336 = arith.subf %add3A_319, %sub3A_335 : vector<320x128xf32>
    %add3A_337 = arith.constant 9.99999974E-6 : f32
    %add3A_338 = vector.broadcast %add3A_337 : f32 to vector<320x1xf32>
    %add3A_339 = arith.addf %div3A_334, %add3A_338 : vector<320x1xf32>
    %sqrt3A_340 = math.sqrt %add3A_339 : vector<320x1xf32>
    %div3A_341 = vector.broadcast %sqrt3A_340 : vector<320x1xf32> to vector<320x128xf32>
    %div3A_342 = arith.divf %sub3A_336, %div3A_341 : vector<320x128xf32>
    %slice3A_343 = vector.extract_strided_slice %get3A_6 {offsets = [1, 0], sizes = [1, 128], strides = [1, 1]} : vector<2x128xf32> to vector<1x128xf32>
    %mul3A_344 = vector.broadcast %slice3A_343 : vector<1x128xf32> to vector<320x128xf32>
    %mul3A_345 = arith.mulf %div3A_342, %mul3A_344 : vector<320x128xf32>
    %slice3A_346 = vector.extract_strided_slice %get3A_9 {offsets = [1, 0], sizes = [1, 128], strides = [1, 1]} : vector<2x128xf32> to vector<1x128xf32>
    %add3A_347 = vector.broadcast %slice3A_346 : vector<1x128xf32> to vector<320x128xf32>
    %add3A_348 = arith.addf %mul3A_345, %add3A_347 : vector<320x128xf32>
    %convert_element_type3A_349 = arith.truncf %add3A_348 : vector<320x128xf32> to vector<320x128xbf16>
    %slice3A_350 = vector.extract_strided_slice %get3A_13 {offsets = [1, 0, 0], sizes = [1, 128, 512], strides = [1, 1, 1]} : vector<2x128x512xf32> to vector<1x128x512xf32>
    %squeeze3A_351 = vector.shape_cast %slice3A_350 : vector<1x128x512xf32> to vector<128x512xf32>
    %dot_general3A_352 = arith.constant dense<0.000000e+00> : vector<320x512xf32>
    %dot_general3A_353 = tpu.matmul %convert_element_type3A_349, %squeeze3A_351, %dot_general3A_352 {dimension_numbers = #tpu.dot_dimension_numbers<[1], [0], [0], [1], [0, 0, 1, 1], [], []>, transpose_lhs_hint = false} : vector<320x128xbf16>, vector<128x512xf32>, vector<320x512xf32> -> vector<320x512xf32>
    %slice3A_354 = vector.extract_strided_slice %get3A_16 {offsets = [1, 0], sizes = [1, 512], strides = [1, 1]} : vector<2x512xf32> to vector<1x512xf32>
    %add3A_355 = vector.broadcast %slice3A_354 : vector<1x512xf32> to vector<320x512xf32>
    %add3A_356 = arith.addf %dot_general3A_353, %add3A_355 : vector<320x512xf32>
    %logistic3A_357 = arith.negf %add3A_356 : vector<320x512xf32>
    %logistic3A_358 = math.exp %logistic3A_357 : vector<320x512xf32>
    %logistic3A_359 = arith.constant 1.000000e+00 : f32
    %logistic3A_360 = vector.broadcast %logistic3A_359 : f32 to vector<320x512xf32>
    %logistic3A_361 = arith.addf %logistic3A_360, %logistic3A_358 : vector<320x512xf32>
    %logistic3A_362 = arith.divf %logistic3A_360, %logistic3A_361 : vector<320x512xf32>
    %mul3A_363 = arith.mulf %add3A_356, %logistic3A_362 : vector<320x512xf32>
    %slice3A_364 = vector.extract_strided_slice %mul3A_363 {offsets = [0, 0], sizes = [320, 256], strides = [1, 1]} : vector<320x512xf32> to vector<320x256xf32>
    %slice3A_365 = vector.extract_strided_slice %mul3A_363 {offsets = [0, 256], sizes = [320, 256], strides = [1, 1]} : vector<320x512xf32> to vector<320x256xf32>
    %slice3A_366 = vector.extract_strided_slice %get3A_20 {offsets = [1, 0, 0], sizes = [1, 128, 64], strides = [1, 1, 1]} : vector<2x128x64xf32> to vector<1x128x64xf32>
    %squeeze3A_367 = vector.shape_cast %slice3A_366 : vector<1x128x64xf32> to vector<128x64xf32>
    %dot_general3A_368 = arith.constant dense<0.000000e+00> : vector<320x64xf32>
    %dot_general3A_369 = tpu.matmul %add3A_348, %squeeze3A_367, %dot_general3A_368 {dimension_numbers = #tpu.dot_dimension_numbers<[1], [0], [0], [1], [0, 0, 1, 1], [], []>, transpose_lhs_hint = false} : vector<320x128xf32>, vector<128x64xf32>, vector<320x64xf32> -> vector<320x64xf32>
    %slice3A_370 = vector.extract_strided_slice %get3A_23 {offsets = [1, 0], sizes = [1, 64], strides = [1, 1]} : vector<2x64xf32> to vector<1x64xf32>
    %add3A_371 = vector.broadcast %slice3A_370 : vector<1x64xf32> to vector<320x64xf32>
    %add3A_372 = arith.addf %dot_general3A_369, %add3A_371 : vector<320x64xf32>
    %slice3A_373 = vector.extract_strided_slice %get3A_26 {offsets = [2, 0], sizes = [1, 64], strides = [1, 1]} : vector<4x64xf32> to vector<1x64xf32>
    %mul3A_374 = vector.broadcast %slice3A_373 : vector<1x64xf32> to vector<320x64xf32>
    %mul3A_375 = arith.mulf %add3A_372, %mul3A_374 : vector<320x64xf32>
    %slice3A_376 = vector.extract_strided_slice %get3A_29 {offsets = [2, 0], sizes = [1, 64], strides = [1, 1]} : vector<4x64xf32> to vector<1x64xf32>
    %add3A_377 = vector.broadcast %slice3A_376 : vector<1x64xf32> to vector<320x64xf32>
    %add3A_378 = arith.addf %mul3A_375, %add3A_377 : vector<320x64xf32>
    %slice3A_379 = vector.extract_strided_slice %get3A_26 {offsets = [3, 0], sizes = [1, 64], strides = [1, 1]} : vector<4x64xf32> to vector<1x64xf32>
    %mul3A_380 = vector.broadcast %slice3A_379 : vector<1x64xf32> to vector<320x64xf32>
    %mul3A_381 = arith.mulf %add3A_372, %mul3A_380 : vector<320x64xf32>
    %slice3A_382 = vector.extract_strided_slice %get3A_29 {offsets = [3, 0], sizes = [1, 64], strides = [1, 1]} : vector<4x64xf32> to vector<1x64xf32>
    %add3A_383 = vector.broadcast %slice3A_382 : vector<1x64xf32> to vector<320x64xf32>
    %add3A_384 = arith.addf %mul3A_381, %add3A_383 : vector<320x64xf32>
    %dot_general3A_385 = arith.constant dense<0.000000e+00> : vector<320x320xf32>
    %dot_general3A_386 = tpu.matmul %add3A_378, %add3A_384, %dot_general3A_385 {dimension_numbers = #tpu.dot_dimension_numbers<[1], [1], [0], [0], [0, 0, 1, 0], [], []>, transpose_lhs_hint = false} : vector<320x64xf32>, vector<320x64xf32>, vector<320x320xf32> -> vector<320x320xf32>
    %mul3A_387 = arith.constant 1.562500e-02 : f32
    %mul3A_388 = vector.broadcast %mul3A_387 : f32 to vector<320x320xf32>
    %mul3A_389 = arith.mulf %dot_general3A_386, %mul3A_388 : vector<320x320xf32>
    %max3A_390 = arith.constant 0.000000e+00 : f32
    %max3A_391 = vector.broadcast %max3A_390 : f32 to vector<320x320xf32>
    %max3A_392 = arith.maximumf %mul3A_389, %max3A_391 : vector<320x320xf32>
    %square3A_393 = arith.mulf %max3A_392, %max3A_392 : vector<320x320xf32>
    %mul3A_394 = arith.mulf %square3A_393, %convert_element_type3A_237 : vector<320x320xf32>
    %dot_general3A_395 = arith.constant dense<0.000000e+00> : vector<320x256xf32>
    %dot_general3A_396 = tpu.matmul %mul3A_394, %slice3A_365, %dot_general3A_395 {dimension_numbers = #tpu.dot_dimension_numbers<[1], [0], [0], [1], [0, 0, 1, 1], [], []>, transpose_lhs_hint = false} : vector<320x320xf32>, vector<320x256xf32>, vector<320x256xf32> -> vector<320x256xf32>
    %mul3A_397 = arith.mulf %slice3A_364, %dot_general3A_396 : vector<320x256xf32>
    %convert_element_type3A_398 = arith.truncf %mul3A_397 : vector<320x256xf32> to vector<320x256xbf16>
    %slice3A_399 = vector.extract_strided_slice %get3A_33 {offsets = [1, 0, 0], sizes = [1, 256, 128], strides = [1, 1, 1]} : vector<2x256x128xf32> to vector<1x256x128xf32>
    %squeeze3A_400 = vector.shape_cast %slice3A_399 : vector<1x256x128xf32> to vector<256x128xf32>
    %dot_general3A_401 = arith.constant dense<0.000000e+00> : vector<320x128xf32>
    %dot_general3A_402 = tpu.matmul %convert_element_type3A_398, %squeeze3A_400, %dot_general3A_401 {dimension_numbers = #tpu.dot_dimension_numbers<[1], [0], [0], [1], [0, 0, 1, 1], [], []>, transpose_lhs_hint = false} : vector<320x256xbf16>, vector<256x128xf32>, vector<320x128xf32> -> vector<320x128xf32>
    %add3A_403 = arith.addf %add3A_319, %dot_general3A_402 : vector<320x128xf32>
    %slice3A_404 = vector.extract_strided_slice %get3A_36 {offsets = [1, 0], sizes = [1, 128], strides = [1, 1]} : vector<2x128xf32> to vector<1x128xf32>
    %add3A_405 = vector.broadcast %slice3A_404 : vector<1x128xf32> to vector<320x128xf32>
    %add3A_406 = arith.addf %add3A_403, %add3A_405 : vector<320x128xf32>
    %iota3A_407 = tpu.iota {dimensions = array<i32: 0>} : vector<5x320xi32>
    %iota3A_408 = tpu.iota {dimensions = array<i32: 1>} : vector<5x320xi32>
    %jit3A_409 = arith.constant 64 : i32
    %div3A_410 = vector.broadcast %jit3A_409 : i32 to vector<5x320xi32>
    %div3A_411 = arith.divsi %iota3A_408, %div3A_410 : vector<5x320xi32>
    %sign3A_412 = arith.constant 0 : i32
    %sign3A_413 = vector.broadcast %sign3A_412 : i32 to vector<5x320xi32>
    %sign3A_414 = arith.cmpi sgt, %iota3A_408, %sign3A_413 : vector<5x320xi32>
    %sign3A_415 = arith.extui %sign3A_414 : vector<5x320xi1> to vector<5x320xi32>
    %sign3A_416 = arith.constant 0 : i32
    %sign3A_417 = vector.broadcast %sign3A_416 : i32 to vector<5x320xi32>
    %sign3A_418 = arith.cmpi slt, %iota3A_408, %sign3A_417 : vector<5x320xi32>
    %sign3A_419 = arith.extui %sign3A_418 : vector<5x320xi1> to vector<5x320xi32>
    %sign3A_420 = arith.subi %sign3A_415, %sign3A_419 : vector<5x320xi32>
    %sign3A_421 = arith.constant 0 : i32
    %sign3A_422 = arith.cmpi sgt, %jit3A_409, %sign3A_421 : i32
    %sign3A_423 = arith.extui %sign3A_422 : i1 to i32
    %sign3A_424 = arith.constant 0 : i32
    %sign3A_425 = arith.cmpi slt, %jit3A_409, %sign3A_424 : i32
    %sign3A_426 = arith.extui %sign3A_425 : i1 to i32
    %sign3A_427 = arith.subi %sign3A_423, %sign3A_426 : i32
    %ne3A_428 = vector.broadcast %sign3A_427 : i32 to vector<5x320xi32>
    %ne3A_429 = arith.cmpi ne, %sign3A_420, %ne3A_428 : vector<5x320xi32>
    %rem3A_430 = vector.broadcast %jit3A_409 : i32 to vector<5x320xi32>
    %rem3A_431 = arith.remsi %iota3A_408, %rem3A_430 : vector<5x320xi32>
    %ne3A_432 = arith.constant 0 : i32
    %ne3A_433 = vector.broadcast %ne3A_432 : i32 to vector<5x320xi32>
    %ne3A_434 = arith.cmpi ne, %rem3A_431, %ne3A_433 : vector<5x320xi32>
    %and3A_435 = arith.andi %ne3A_429, %ne3A_434 : vector<5x320xi1>
    %sub3A_436 = arith.constant 1 : i32
    %sub3A_437 = vector.broadcast %sub3A_436 : i32 to vector<5x320xi32>
    %sub3A_438 = arith.subi %div3A_411, %sub3A_437 : vector<5x320xi32>
    %select_n3A_439 = arith.select %and3A_435, %sub3A_438, %div3A_411 : vector<5x320xi1>, vector<5x320xi32>
    %eq3A_440 = arith.cmpi eq, %select_n3A_439, %iota3A_407 : vector<5x320xi32>
    %jit3A_441 = arith.constant 1.562500e-02 : f32
    %jit3A_442 = arith.constant 0.000000e+00 : f32
    %broadcast_in_dim3A_443 = vector.broadcast %jit3A_441 : f32 to vector<5x320xf32>
    %broadcast_in_dim3A_444 = vector.broadcast %jit3A_442 : f32 to vector<5x320xf32>
    %select_n3A_445 = arith.select %eq3A_440, %broadcast_in_dim3A_443, %broadcast_in_dim3A_444 : vector<5x320xi1>, vector<5x320xf32>
    %dot_general3A_446 = arith.constant dense<0.000000e+00> : vector<5x128xf32>
    %dot_general3A_447 = tpu.matmul %select_n3A_445, %add3A_406, %dot_general3A_446 {dimension_numbers = #tpu.dot_dimension_numbers<[1], [0], [0], [1], [0, 0, 1, 1], [], []>, transpose_lhs_hint = false} : vector<5x320xf32>, vector<320x128xf32>, vector<5x128xf32> -> vector<5x128xf32>
    %reduce_sum3A_448 = arith.constant dense<0.000000e+00> : vector<5xf32>
    %reduce_sum3A_449 = vector.multi_reduction <add>, %dot_general3A_447, %reduce_sum3A_448 [1] : vector<5x128xf32> to vector<5xf32>
    %broadcast_in_dim3A_450 = vector.shape_cast %reduce_sum3A_449 : vector<5xf32> to vector<5x1xf32>
    %div3A_451 = arith.constant 1.280000e+02 : f32
    %div3A_452 = vector.broadcast %div3A_451 : f32 to vector<5x1xf32>
    %div3A_453 = arith.divf %broadcast_in_dim3A_450, %div3A_452 : vector<5x1xf32>
    %sub3A_454 = vector.broadcast %div3A_453 : vector<5x1xf32> to vector<5x128xf32>
    %sub3A_455 = arith.subf %dot_general3A_447, %sub3A_454 : vector<5x128xf32>
    %integer_pow3A_456 = arith.mulf %sub3A_455, %sub3A_455 : vector<5x128xf32>
    %reduce_sum3A_457 = arith.constant dense<0.000000e+00> : vector<5xf32>
    %reduce_sum3A_458 = vector.multi_reduction <add>, %integer_pow3A_456, %reduce_sum3A_457 [1] : vector<5x128xf32> to vector<5xf32>
    %broadcast_in_dim3A_459 = vector.shape_cast %reduce_sum3A_458 : vector<5xf32> to vector<5x1xf32>
    %div3A_460 = arith.constant 1.280000e+02 : f32
    %div3A_461 = vector.broadcast %div3A_460 : f32 to vector<5x1xf32>
    %div3A_462 = arith.divf %broadcast_in_dim3A_459, %div3A_461 : vector<5x1xf32>
    %sub3A_463 = vector.broadcast %div3A_453 : vector<5x1xf32> to vector<5x128xf32>
    %sub3A_464 = arith.subf %dot_general3A_447, %sub3A_463 : vector<5x128xf32>
    %add3A_465 = arith.constant 9.99999974E-6 : f32
    %add3A_466 = vector.broadcast %add3A_465 : f32 to vector<5x1xf32>
    %add3A_467 = arith.addf %div3A_462, %add3A_466 : vector<5x1xf32>
    %sqrt3A_468 = math.sqrt %add3A_467 : vector<5x1xf32>
    %div3A_469 = vector.broadcast %sqrt3A_468 : vector<5x1xf32> to vector<5x128xf32>
    %div3A_470 = arith.divf %sub3A_464, %div3A_469 : vector<5x128xf32>
    %mul3A_471 = vector.broadcast %get3A_39 : vector<1x128xf32> to vector<5x128xf32>
    %mul3A_472 = arith.mulf %div3A_470, %mul3A_471 : vector<5x128xf32>
    %add3A_473 = vector.broadcast %get3A_42 : vector<1x128xf32> to vector<5x128xf32>
    %add3A_474 = arith.addf %mul3A_472, %add3A_473 : vector<5x128xf32>
    %ge3A_475 = arith.constant 0.000000e+00 : f32
    %ge3A_476 = vector.broadcast %ge3A_475 : f32 to vector<5x128xf32>
    %ge3A_477 = arith.cmpf oge, %add3A_474, %ge3A_476 : vector<5x128xf32>
    %mul3A_478 = arith.constant 0.00999999977 : f32
    %mul3A_479 = vector.broadcast %mul3A_478 : f32 to vector<5x128xf32>
    %mul3A_480 = arith.mulf %mul3A_479, %add3A_474 : vector<5x128xf32>
    %select_n3A_481 = arith.select %ge3A_477, %add3A_474, %mul3A_480 : vector<5x128xi1>, vector<5x128xf32>
    %dot_general3A_482 = arith.constant dense<0.000000e+00> : vector<5x128xf32>
    %dot_general3A_483 = tpu.matmul %select_n3A_481, %get3A_45, %dot_general3A_482 {dimension_numbers = #tpu.dot_dimension_numbers<[1], [0], [0], [1], [0, 0, 1, 1], [], []>, transpose_lhs_hint = false} : vector<5x128xf32>, vector<128x128xf32>, vector<5x128xf32> -> vector<5x128xf32>
    %add3A_484 = vector.broadcast %get3A_48 : vector<1x128xf32> to vector<5x128xf32>
    %add3A_485 = arith.addf %dot_general3A_483, %add3A_484 : vector<5x128xf32>
    %iota3A_486 = tpu.iota {dimensions = array<i32: 1>} : vector<1x5xi32>
    %lt3A_487 = arith.constant 5 : i32
    %lt3A_488 = vector.broadcast %lt3A_487 : i32 to vector<1x5xi32>
    %lt3A_489 = arith.cmpi slt, %iota3A_486, %lt3A_488 : vector<1x5xi32>
    %broadcast_in_dim3A_490 = arith.constant 1.000000e+00 : f32
    %broadcast_in_dim3A_491 = vector.broadcast %broadcast_in_dim3A_490 : f32 to vector<1x128xf32>
    %mul3A_492 = arith.mulf %dot_general3A_447, %dot_general3A_447 : vector<5x128xf32>
    %dot_general3A_493 = arith.constant dense<0.000000e+00> : vector<1x5xf32>
    %dot_general3A_494 = tpu.matmul %broadcast_in_dim3A_491, %mul3A_492, %dot_general3A_493 {dimension_numbers = #tpu.dot_dimension_numbers<[1], [1], [0], [0], [0, 0, 1, 0], [], []>, transpose_lhs_hint = false} : vector<1x128xf32>, vector<5x128xf32>, vector<1x5xf32> -> vector<1x5xf32>
    %jit3A_495 = arith.constant -1.000000e+00 : f32
    %broadcast_in_dim3A_496 = vector.broadcast %jit3A_495 : f32 to vector<1x5xf32>
    %select_n3A_497 = arith.select %lt3A_489, %dot_general3A_494, %broadcast_in_dim3A_496 : vector<1x5xi1>, vector<1x5xf32>
    %reduce_max3A_498 = vector.shape_cast %select_n3A_497 : vector<1x5xf32> to vector<1x1x5xf32>
    %reduce_max3A_499 = arith.constant dense<0xFF800000> : vector<1xf32>
    %reduce_max3A_500 = vector.multi_reduction <maximumf>, %reduce_max3A_498, %reduce_max3A_499 [1, 2] : vector<1x1x5xf32> to vector<1xf32>
    %reduce_max3A_501 = vector.shape_cast %reduce_max3A_500 : vector<1xf32> to vector<1x1x1xf32>
    %reduce_max3A_502 = vector.extract %reduce_max3A_501[0, 0, 0] : f32 from vector<1x1x1xf32>
    %eq3A_503 = vector.broadcast %reduce_max3A_502 : f32 to vector<1x5xf32>
    %eq3A_504 = arith.cmpf oeq, %select_n3A_497, %eq3A_503 : vector<1x5xf32>
    %jit3A_505 = arith.constant 5 : i32
    %broadcast_in_dim3A_506 = vector.broadcast %jit3A_505 : i32 to vector<1x5xi32>
    %select_n3A_507 = arith.select %eq3A_504, %iota3A_486, %broadcast_in_dim3A_506 : vector<1x5xi1>, vector<1x5xi32>
    %reduce_min3A_508 = vector.shape_cast %select_n3A_507 : vector<1x5xi32> to vector<1x1x5xi32>
    %reduce_min3A_509 = arith.constant dense<2147483647> : vector<1xi32>
    %reduce_min3A_510 = vector.multi_reduction <minsi>, %reduce_min3A_508, %reduce_min3A_509 [1, 2] : vector<1x1x5xi32> to vector<1xi32>
    %reduce_min3A_511 = vector.shape_cast %reduce_min3A_510 : vector<1xi32> to vector<1x1x1xi32>
    %reduce_min3A_512 = vector.extract %reduce_min3A_511[0, 0, 0] : i32 from vector<1x1x1xi32>
    %eq3A_513 = vector.broadcast %reduce_min3A_512 : i32 to vector<1x5xi32>
    %eq3A_514 = arith.cmpi eq, %iota3A_486, %eq3A_513 : vector<1x5xi32>
    %convert_element_type3A_515 = arith.extui %eq3A_514 : vector<1x5xi1> to vector<1x5xi32>
    %convert_element_type3A_516 = arith.sitofp %convert_element_type3A_515 : vector<1x5xi32> to vector<1x5xf32>
    %dot_general3A_517 = arith.constant dense<0.000000e+00> : vector<1x128xf32>
    %dot_general3A_518 = tpu.matmul %convert_element_type3A_516, %dot_general3A_447, %dot_general3A_517 {dimension_numbers = #tpu.dot_dimension_numbers<[1], [0], [0], [1], [0, 0, 1, 1], [], []>, transpose_lhs_hint = false} : vector<1x5xf32>, vector<5x128xf32>, vector<1x128xf32> -> vector<1x128xf32>
    %mul3A_519 = arith.mulf %dot_general3A_518, %dot_general3A_518 : vector<1x128xf32>
    %reduce_sum3A_520 = vector.shape_cast %mul3A_519 : vector<1x128xf32> to vector<1x1x128xf32>
    %reduce_sum3A_521 = arith.constant dense<0.000000e+00> : vector<1xf32>
    %reduce_sum3A_522 = vector.multi_reduction <add>, %reduce_sum3A_520, %reduce_sum3A_521 [1, 2] : vector<1x1x128xf32> to vector<1xf32>
    %reduce_sum3A_523 = vector.shape_cast %reduce_sum3A_522 : vector<1xf32> to vector<1x1x1xf32>
    %reduce_sum3A_524 = vector.extract %reduce_sum3A_523[0, 0, 0] : f32 from vector<1x1x1xf32>
    %sqrt3A_525 = math.sqrt %reduce_sum3A_524 : f32
    %dot_general3A_526 = arith.constant dense<0.000000e+00> : vector<1x5xf32>
    %dot_general3A_527 = tpu.matmul %dot_general3A_518, %dot_general3A_447, %dot_general3A_526 {dimension_numbers = #tpu.dot_dimension_numbers<[1], [1], [0], [0], [0, 0, 1, 0], [], []>, transpose_lhs_hint = false} : vector<1x128xf32>, vector<5x128xf32>, vector<1x5xf32> -> vector<1x5xf32>
    %max3A_528 = arith.constant 0.000000e+00 : f32
    %max3A_529 = vector.broadcast %max3A_528 : f32 to vector<1x5xf32>
    %max3A_530 = arith.maximumf %dot_general3A_494, %max3A_529 : vector<1x5xf32>
    %sqrt3A_531 = math.sqrt %max3A_530 : vector<1x5xf32>
    %mul3A_532 = vector.broadcast %sqrt3A_525 : f32 to vector<1x5xf32>
    %mul3A_533 = arith.mulf %mul3A_532, %sqrt3A_531 : vector<1x5xf32>
    %max3A_534 = arith.constant 9.99999993E-9 : f32
    %max3A_535 = vector.broadcast %max3A_534 : f32 to vector<1x5xf32>
    %max3A_536 = arith.maximumf %mul3A_533, %max3A_535 : vector<1x5xf32>
    %div3A_537 = arith.divf %dot_general3A_527, %max3A_536 : vector<1x5xf32>
    %jit3A_538 = arith.constant -3.000000e+00 : f32
    %broadcast_in_dim3A_539 = vector.broadcast %jit3A_538 : f32 to vector<1x5xf32>
    %select_n3A_540 = arith.select %lt3A_489, %div3A_537, %broadcast_in_dim3A_539 : vector<1x5xi1>, vector<1x5xf32>
    %iota3A_541 = tpu.iota {dimensions = array<i32: 0>} : vector<5x5xi32>
    %iota3A_542 = tpu.iota {dimensions = array<i32: 1>} : vector<5x5xi32>
    %eq3A_543 = arith.cmpi eq, %iota3A_541, %iota3A_542 : vector<5x5xi32>
    %convert_element_type3A_544 = arith.extui %eq3A_543 : vector<5x5xi1> to vector<5x5xi32>
    %convert_element_type3A_545 = arith.sitofp %convert_element_type3A_544 : vector<5x5xi32> to vector<5x5xf32>
    %dot_general3A_546 = arith.constant dense<0.000000e+00> : vector<5x1xf32>
    %dot_general3A_547 = tpu.matmul %convert_element_type3A_545, %select_n3A_540, %dot_general3A_546 {dimension_numbers = #tpu.dot_dimension_numbers<[1], [1], [0], [0], [0, 0, 1, 0], [], []>, transpose_lhs_hint = false} : vector<5x5xf32>, vector<1x5xf32>, vector<5x1xf32> -> vector<5x1xf32>
    %gt3A_548 = vector.broadcast %select_n3A_540 : vector<1x5xf32> to vector<5x5xf32>
    %gt3A_549 = vector.broadcast %dot_general3A_547 : vector<5x1xf32> to vector<5x5xf32>
    %gt3A_550 = arith.cmpf ogt, %gt3A_548, %gt3A_549 : vector<5x5xf32>
    %and3A_551 = vector.broadcast %lt3A_489 : vector<1x5xi1> to vector<5x5xi1>
    %and3A_552 = arith.andi %gt3A_550, %and3A_551 : vector<5x5xi1>
    %jit3A_553 = arith.constant 1.000000e+00 : f32
    %jit3A_554 = arith.constant 0.000000e+00 : f32
    %broadcast_in_dim3A_555 = vector.broadcast %jit3A_553 : f32 to vector<5x5xf32>
    %broadcast_in_dim3A_556 = vector.broadcast %jit3A_554 : f32 to vector<5x5xf32>
    %select_n3A_557 = arith.select %and3A_552, %broadcast_in_dim3A_555, %broadcast_in_dim3A_556 : vector<5x5xi1>, vector<5x5xf32>
    %eq3A_558 = vector.broadcast %select_n3A_540 : vector<1x5xf32> to vector<5x5xf32>
    %eq3A_559 = vector.broadcast %dot_general3A_547 : vector<5x1xf32> to vector<5x5xf32>
    %eq3A_560 = arith.cmpf oeq, %eq3A_558, %eq3A_559 : vector<5x5xf32>
    %lt3A_561 = arith.cmpi slt, %iota3A_542, %iota3A_541 : vector<5x5xi32>
    %and3A_562 = arith.andi %eq3A_560, %lt3A_561 : vector<5x5xi1>
    %and3A_563 = vector.broadcast %lt3A_489 : vector<1x5xi1> to vector<5x5xi1>
    %and3A_564 = arith.andi %and3A_562, %and3A_563 : vector<5x5xi1>
    %jit3A_565 = arith.constant 1.000000e+00 : f32
    %jit3A_566 = arith.constant 0.000000e+00 : f32
    %broadcast_in_dim3A_567 = vector.broadcast %jit3A_565 : f32 to vector<5x5xf32>
    %broadcast_in_dim3A_568 = vector.broadcast %jit3A_566 : f32 to vector<5x5xf32>
    %select_n3A_569 = arith.select %and3A_564, %broadcast_in_dim3A_567, %broadcast_in_dim3A_568 : vector<5x5xi1>, vector<5x5xf32>
    %broadcast_in_dim3A_570 = arith.constant 1.000000e+00 : f32
    %broadcast_in_dim3A_571 = vector.broadcast %broadcast_in_dim3A_570 : f32 to vector<5x1xf32>
    %add3A_572 = arith.addf %select_n3A_557, %select_n3A_569 : vector<5x5xf32>
    %dot_general3A_573 = arith.constant dense<0.000000e+00> : vector<5x1xf32>
    %dot_general3A_574 = tpu.matmul %add3A_572, %broadcast_in_dim3A_571, %dot_general3A_573 {dimension_numbers = #tpu.dot_dimension_numbers<[1], [0], [0], [1], [0, 0, 1, 1], [], []>, transpose_lhs_hint = false} : vector<5x5xf32>, vector<5x1xf32>, vector<5x1xf32> -> vector<5x1xf32>
    %iota3A_575 = tpu.iota {dimensions = array<i32: 0>} : vector<5x1xi32>
    %lt3A_576 = arith.constant 5 : i32
    %lt3A_577 = vector.broadcast %lt3A_576 : i32 to vector<5x1xi32>
    %lt3A_578 = arith.cmpi slt, %iota3A_575, %lt3A_577 : vector<5x1xi32>
    %jit3A_579 = arith.constant -1.000000e+00 : f32
    %broadcast_in_dim3A_580 = vector.broadcast %jit3A_579 : f32 to vector<5x1xf32>
    %select_n3A_581 = arith.select %lt3A_578, %dot_general3A_574, %broadcast_in_dim3A_580 : vector<5x1xi1>, vector<5x1xf32>
    %iota3A_582 = tpu.iota {dimensions = array<i32: 1>} : vector<5x64xi32>
    %convert_element_type3A_583 = arith.sitofp %iota3A_582 : vector<5x64xi32> to vector<5x64xf32>
    %eq3A_584 = vector.broadcast %select_n3A_581 : vector<5x1xf32> to vector<5x64xf32>
    %eq3A_585 = arith.cmpf oeq, %eq3A_584, %convert_element_type3A_583 : vector<5x64xf32>
    %jit3A_586 = arith.constant 1.000000e+00 : f32
    %jit3A_587 = arith.constant 0.000000e+00 : f32
    %broadcast_in_dim3A_588 = vector.broadcast %jit3A_586 : f32 to vector<5x64xf32>
    %broadcast_in_dim3A_589 = vector.broadcast %jit3A_587 : f32 to vector<5x64xf32>
    %select_n3A_590 = arith.select %eq3A_585, %broadcast_in_dim3A_588, %broadcast_in_dim3A_589 : vector<5x64xi1>, vector<5x64xf32>
    %dot_general3A_591 = arith.constant dense<0.000000e+00> : vector<64x128xf32>
    %dot_general3A_592 = tpu.matmul %select_n3A_590, %dot_general3A_447, %dot_general3A_591 {dimension_numbers = #tpu.dot_dimension_numbers<[0], [0], [1], [1], [0, 1, 1, 1], [], []>, transpose_lhs_hint = false} : vector<5x64xf32>, vector<5x128xf32>, vector<64x128xf32> -> vector<64x128xf32>
    %iota3A_593 = tpu.iota {dimensions = array<i32: 0>} : vector<64x128xi32>
    %iota3A_594 = tpu.iota {dimensions = array<i32: 1>} : vector<64x128xi32>
    %ge3A_595 = arith.constant 5 : i32
    %ge3A_596 = vector.broadcast %ge3A_595 : i32 to vector<64x128xi32>
    %ge3A_597 = arith.cmpi sge, %iota3A_593, %ge3A_596 : vector<64x128xi32>
    %sub3A_598 = arith.constant 5 : i32
    %sub3A_599 = vector.broadcast %sub3A_598 : i32 to vector<64x128xi32>
    %sub3A_600 = arith.subi %iota3A_593, %sub3A_599 : vector<64x128xi32>
    %jit3A_601 = arith.constant 128 : i32
    %eq3A_602 = arith.constant 0 : i32
    %eq3A_603 = arith.cmpi eq, %jit3A_601, %eq3A_602 : i32
    %jit3A_604 = arith.constant 1 : i32
    %select_n3A_605 = arith.select %eq3A_603, %jit3A_604, %jit3A_601 : i32
    %rem3A_606 = vector.broadcast %select_n3A_605 : i32 to vector<64x128xi32>
    %rem3A_607 = arith.remsi %sub3A_600, %rem3A_606 : vector<64x128xi32>
    %ne3A_608 = arith.constant 0 : i32
    %ne3A_609 = vector.broadcast %ne3A_608 : i32 to vector<64x128xi32>
    %ne3A_610 = arith.cmpi ne, %rem3A_607, %ne3A_609 : vector<64x128xi32>
    %lt3A_611 = arith.constant 0 : i32
    %lt3A_612 = vector.broadcast %lt3A_611 : i32 to vector<64x128xi32>
    %lt3A_613 = arith.cmpi slt, %rem3A_607, %lt3A_612 : vector<64x128xi32>
    %lt3A_614 = arith.constant 0 : i32
    %lt3A_615 = arith.cmpi slt, %select_n3A_605, %lt3A_614 : i32
    %ne3A_616 = vector.broadcast %lt3A_615 : i1 to vector<64x128xi1>
    %ne3A_617 = vector.broadcast %ne3A_616 : vector<64x128xi1> to vector<64x128xi1>
    %ne3A_618 = arith.xori %lt3A_613, %ne3A_617 : vector<64x128xi1>
    %and3A_619 = arith.andi %ne3A_618, %ne3A_610 : vector<64x128xi1>
    %add3A_620 = vector.broadcast %select_n3A_605 : i32 to vector<64x128xi32>
    %add3A_621 = arith.addi %rem3A_607, %add3A_620 : vector<64x128xi32>
    %select_n3A_622 = arith.select %and3A_619, %add3A_621, %rem3A_607 : vector<64x128xi1>, vector<64x128xi32>
    %eq3A_623 = arith.cmpi eq, %iota3A_594, %select_n3A_622 : vector<64x128xi32>
    %and3A_624 = arith.andi %ge3A_597, %eq3A_623 : vector<64x128xi1>
    %jit3A_625 = arith.constant 1.000000e+00 : f32
    %jit3A_626 = arith.constant 0.000000e+00 : f32
    %broadcast_in_dim3A_627 = vector.broadcast %jit3A_625 : f32 to vector<64x128xf32>
    %broadcast_in_dim3A_628 = vector.broadcast %jit3A_626 : f32 to vector<64x128xf32>
    %select_n3A_629 = arith.select %and3A_624, %broadcast_in_dim3A_627, %broadcast_in_dim3A_628 : vector<64x128xi1>, vector<64x128xf32>
    %add3A_630 = arith.addf %dot_general3A_592, %select_n3A_629 : vector<64x128xf32>
    %reduce_sum3A_631 = arith.constant dense<0.000000e+00> : vector<64xf32>
    %reduce_sum3A_632 = vector.multi_reduction <add>, %add3A_630, %reduce_sum3A_631 [1] : vector<64x128xf32> to vector<64xf32>
    %broadcast_in_dim3A_633 = vector.shape_cast %reduce_sum3A_632 : vector<64xf32> to vector<64x1xf32>
    %div3A_634 = arith.constant 1.280000e+02 : f32
    %div3A_635 = vector.broadcast %div3A_634 : f32 to vector<64x1xf32>
    %div3A_636 = arith.divf %broadcast_in_dim3A_633, %div3A_635 : vector<64x1xf32>
    %sub3A_637 = vector.broadcast %div3A_636 : vector<64x1xf32> to vector<64x128xf32>
    %sub3A_638 = arith.subf %add3A_630, %sub3A_637 : vector<64x128xf32>
    %integer_pow3A_639 = arith.mulf %sub3A_638, %sub3A_638 : vector<64x128xf32>
    %reduce_sum3A_640 = arith.constant dense<0.000000e+00> : vector<64xf32>
    %reduce_sum3A_641 = vector.multi_reduction <add>, %integer_pow3A_639, %reduce_sum3A_640 [1] : vector<64x128xf32> to vector<64xf32>
    %broadcast_in_dim3A_642 = vector.shape_cast %reduce_sum3A_641 : vector<64xf32> to vector<64x1xf32>
    %div3A_643 = arith.constant 1.280000e+02 : f32
    %div3A_644 = vector.broadcast %div3A_643 : f32 to vector<64x1xf32>
    %div3A_645 = arith.divf %broadcast_in_dim3A_642, %div3A_644 : vector<64x1xf32>
    %sub3A_646 = vector.broadcast %div3A_636 : vector<64x1xf32> to vector<64x128xf32>
    %sub3A_647 = arith.subf %add3A_630, %sub3A_646 : vector<64x128xf32>
    %add3A_648 = arith.constant 9.99999974E-6 : f32
    %add3A_649 = vector.broadcast %add3A_648 : f32 to vector<64x1xf32>
    %add3A_650 = arith.addf %div3A_645, %add3A_649 : vector<64x1xf32>
    %sqrt3A_651 = math.sqrt %add3A_650 : vector<64x1xf32>
    %div3A_652 = vector.broadcast %sqrt3A_651 : vector<64x1xf32> to vector<64x128xf32>
    %div3A_653 = arith.divf %sub3A_647, %div3A_652 : vector<64x128xf32>
    %slice3A_654 = vector.extract_strided_slice %get3A_6 {offsets = [0, 0], sizes = [1, 128], strides = [1, 1]} : vector<2x128xf32> to vector<1x128xf32>
    %mul3A_655 = vector.broadcast %slice3A_654 : vector<1x128xf32> to vector<64x128xf32>
    %mul3A_656 = arith.mulf %div3A_653, %mul3A_655 : vector<64x128xf32>
    %slice3A_657 = vector.extract_strided_slice %get3A_9 {offsets = [0, 0], sizes = [1, 128], strides = [1, 1]} : vector<2x128xf32> to vector<1x128xf32>
    %add3A_658 = vector.broadcast %slice3A_657 : vector<1x128xf32> to vector<64x128xf32>
    %add3A_659 = arith.addf %mul3A_656, %add3A_658 : vector<64x128xf32>
    %convert_element_type3A_660 = arith.truncf %add3A_659 : vector<64x128xf32> to vector<64x128xbf16>
    %slice3A_661 = vector.extract_strided_slice %get3A_13 {offsets = [0, 0, 0], sizes = [1, 128, 512], strides = [1, 1, 1]} : vector<2x128x512xf32> to vector<1x128x512xf32>
    %squeeze3A_662 = vector.shape_cast %slice3A_661 : vector<1x128x512xf32> to vector<128x512xf32>
    %dot_general3A_663 = arith.constant dense<0.000000e+00> : vector<64x512xf32>
    %dot_general3A_664 = tpu.matmul %convert_element_type3A_660, %squeeze3A_662, %dot_general3A_663 {dimension_numbers = #tpu.dot_dimension_numbers<[1], [0], [0], [1], [0, 0, 1, 1], [], []>, transpose_lhs_hint = false} : vector<64x128xbf16>, vector<128x512xf32>, vector<64x512xf32> -> vector<64x512xf32>
    %slice3A_665 = vector.extract_strided_slice %get3A_16 {offsets = [0, 0], sizes = [1, 512], strides = [1, 1]} : vector<2x512xf32> to vector<1x512xf32>
    %add3A_666 = vector.broadcast %slice3A_665 : vector<1x512xf32> to vector<64x512xf32>
    %add3A_667 = arith.addf %dot_general3A_664, %add3A_666 : vector<64x512xf32>
    %logistic3A_668 = arith.negf %add3A_667 : vector<64x512xf32>
    %logistic3A_669 = math.exp %logistic3A_668 : vector<64x512xf32>
    %logistic3A_670 = arith.constant 1.000000e+00 : f32
    %logistic3A_671 = vector.broadcast %logistic3A_670 : f32 to vector<64x512xf32>
    %logistic3A_672 = arith.addf %logistic3A_671, %logistic3A_669 : vector<64x512xf32>
    %logistic3A_673 = arith.divf %logistic3A_671, %logistic3A_672 : vector<64x512xf32>
    %mul3A_674 = arith.mulf %add3A_667, %logistic3A_673 : vector<64x512xf32>
    %slice3A_675 = vector.extract_strided_slice %mul3A_674 {offsets = [0, 0], sizes = [64, 256], strides = [1, 1]} : vector<64x512xf32> to vector<64x256xf32>
    %slice3A_676 = vector.extract_strided_slice %mul3A_674 {offsets = [0, 256], sizes = [64, 256], strides = [1, 1]} : vector<64x512xf32> to vector<64x256xf32>
    %slice3A_677 = vector.extract_strided_slice %get3A_20 {offsets = [0, 0, 0], sizes = [1, 128, 64], strides = [1, 1, 1]} : vector<2x128x64xf32> to vector<1x128x64xf32>
    %squeeze3A_678 = vector.shape_cast %slice3A_677 : vector<1x128x64xf32> to vector<128x64xf32>
    %dot_general3A_679 = arith.constant dense<0.000000e+00> : vector<64x64xf32>
    %dot_general3A_680 = tpu.matmul %add3A_659, %squeeze3A_678, %dot_general3A_679 {dimension_numbers = #tpu.dot_dimension_numbers<[1], [0], [0], [1], [0, 0, 1, 1], [], []>, transpose_lhs_hint = false} : vector<64x128xf32>, vector<128x64xf32>, vector<64x64xf32> -> vector<64x64xf32>
    %slice3A_681 = vector.extract_strided_slice %get3A_23 {offsets = [0, 0], sizes = [1, 64], strides = [1, 1]} : vector<2x64xf32> to vector<1x64xf32>
    %add3A_682 = vector.broadcast %slice3A_681 : vector<1x64xf32> to vector<64x64xf32>
    %add3A_683 = arith.addf %dot_general3A_680, %add3A_682 : vector<64x64xf32>
    %slice3A_684 = vector.extract_strided_slice %get3A_26 {offsets = [0, 0], sizes = [1, 64], strides = [1, 1]} : vector<4x64xf32> to vector<1x64xf32>
    %mul3A_685 = vector.broadcast %slice3A_684 : vector<1x64xf32> to vector<64x64xf32>
    %mul3A_686 = arith.mulf %add3A_683, %mul3A_685 : vector<64x64xf32>
    %slice3A_687 = vector.extract_strided_slice %get3A_29 {offsets = [0, 0], sizes = [1, 64], strides = [1, 1]} : vector<4x64xf32> to vector<1x64xf32>
    %add3A_688 = vector.broadcast %slice3A_687 : vector<1x64xf32> to vector<64x64xf32>
    %add3A_689 = arith.addf %mul3A_686, %add3A_688 : vector<64x64xf32>
    %slice3A_690 = vector.extract_strided_slice %get3A_26 {offsets = [1, 0], sizes = [1, 64], strides = [1, 1]} : vector<4x64xf32> to vector<1x64xf32>
    %mul3A_691 = vector.broadcast %slice3A_690 : vector<1x64xf32> to vector<64x64xf32>
    %mul3A_692 = arith.mulf %add3A_683, %mul3A_691 : vector<64x64xf32>
    %slice3A_693 = vector.extract_strided_slice %get3A_29 {offsets = [1, 0], sizes = [1, 64], strides = [1, 1]} : vector<4x64xf32> to vector<1x64xf32>
    %add3A_694 = vector.broadcast %slice3A_693 : vector<1x64xf32> to vector<64x64xf32>
    %add3A_695 = arith.addf %mul3A_692, %add3A_694 : vector<64x64xf32>
    %dot_general3A_696 = arith.constant dense<0.000000e+00> : vector<64x64xf32>
    %dot_general3A_697 = tpu.matmul %add3A_689, %add3A_695, %dot_general3A_696 {dimension_numbers = #tpu.dot_dimension_numbers<[1], [1], [0], [0], [0, 0, 1, 0], [], []>, transpose_lhs_hint = false} : vector<64x64xf32>, vector<64x64xf32>, vector<64x64xf32> -> vector<64x64xf32>
    %mul3A_698 = arith.constant 1.562500e-02 : f32
    %mul3A_699 = vector.broadcast %mul3A_698 : f32 to vector<64x64xf32>
    %mul3A_700 = arith.mulf %dot_general3A_697, %mul3A_699 : vector<64x64xf32>
    %max3A_701 = arith.constant 0.000000e+00 : f32
    %max3A_702 = vector.broadcast %max3A_701 : f32 to vector<64x64xf32>
    %max3A_703 = arith.maximumf %mul3A_700, %max3A_702 : vector<64x64xf32>
    %square3A_704 = arith.mulf %max3A_703, %max3A_703 : vector<64x64xf32>
    %dot_general3A_705 = arith.constant dense<0.000000e+00> : vector<64x256xf32>
    %dot_general3A_706 = tpu.matmul %square3A_704, %slice3A_676, %dot_general3A_705 {dimension_numbers = #tpu.dot_dimension_numbers<[1], [0], [0], [1], [0, 0, 1, 1], [], []>, transpose_lhs_hint = false} : vector<64x64xf32>, vector<64x256xf32>, vector<64x256xf32> -> vector<64x256xf32>
    %mul3A_707 = arith.mulf %slice3A_675, %dot_general3A_706 : vector<64x256xf32>
    %convert_element_type3A_708 = arith.truncf %mul3A_707 : vector<64x256xf32> to vector<64x256xbf16>
    %slice3A_709 = vector.extract_strided_slice %get3A_33 {offsets = [0, 0, 0], sizes = [1, 256, 128], strides = [1, 1, 1]} : vector<2x256x128xf32> to vector<1x256x128xf32>
    %squeeze3A_710 = vector.shape_cast %slice3A_709 : vector<1x256x128xf32> to vector<256x128xf32>
    %dot_general3A_711 = arith.constant dense<0.000000e+00> : vector<64x128xf32>
    %dot_general3A_712 = tpu.matmul %convert_element_type3A_708, %squeeze3A_710, %dot_general3A_711 {dimension_numbers = #tpu.dot_dimension_numbers<[1], [0], [0], [1], [0, 0, 1, 1], [], []>, transpose_lhs_hint = false} : vector<64x256xbf16>, vector<256x128xf32>, vector<64x128xf32> -> vector<64x128xf32>
    %add3A_713 = arith.addf %add3A_630, %dot_general3A_712 : vector<64x128xf32>
    %slice3A_714 = vector.extract_strided_slice %get3A_36 {offsets = [0, 0], sizes = [1, 128], strides = [1, 1]} : vector<2x128xf32> to vector<1x128xf32>
    %add3A_715 = vector.broadcast %slice3A_714 : vector<1x128xf32> to vector<64x128xf32>
    %add3A_716 = arith.addf %add3A_713, %add3A_715 : vector<64x128xf32>
    %reduce_sum3A_717 = arith.constant dense<0.000000e+00> : vector<64xf32>
    %reduce_sum3A_718 = vector.multi_reduction <add>, %add3A_716, %reduce_sum3A_717 [1] : vector<64x128xf32> to vector<64xf32>
    %broadcast_in_dim3A_719 = vector.shape_cast %reduce_sum3A_718 : vector<64xf32> to vector<64x1xf32>
    %div3A_720 = arith.constant 1.280000e+02 : f32
    %div3A_721 = vector.broadcast %div3A_720 : f32 to vector<64x1xf32>
    %div3A_722 = arith.divf %broadcast_in_dim3A_719, %div3A_721 : vector<64x1xf32>
    %sub3A_723 = vector.broadcast %div3A_722 : vector<64x1xf32> to vector<64x128xf32>
    %sub3A_724 = arith.subf %add3A_716, %sub3A_723 : vector<64x128xf32>
    %integer_pow3A_725 = arith.mulf %sub3A_724, %sub3A_724 : vector<64x128xf32>
    %reduce_sum3A_726 = arith.constant dense<0.000000e+00> : vector<64xf32>
    %reduce_sum3A_727 = vector.multi_reduction <add>, %integer_pow3A_725, %reduce_sum3A_726 [1] : vector<64x128xf32> to vector<64xf32>
    %broadcast_in_dim3A_728 = vector.shape_cast %reduce_sum3A_727 : vector<64xf32> to vector<64x1xf32>
    %div3A_729 = arith.constant 1.280000e+02 : f32
    %div3A_730 = vector.broadcast %div3A_729 : f32 to vector<64x1xf32>
    %div3A_731 = arith.divf %broadcast_in_dim3A_728, %div3A_730 : vector<64x1xf32>
    %sub3A_732 = vector.broadcast %div3A_722 : vector<64x1xf32> to vector<64x128xf32>
    %sub3A_733 = arith.subf %add3A_716, %sub3A_732 : vector<64x128xf32>
    %add3A_734 = arith.constant 9.99999974E-6 : f32
    %add3A_735 = vector.broadcast %add3A_734 : f32 to vector<64x1xf32>
    %add3A_736 = arith.addf %div3A_731, %add3A_735 : vector<64x1xf32>
    %sqrt3A_737 = math.sqrt %add3A_736 : vector<64x1xf32>
    %div3A_738 = vector.broadcast %sqrt3A_737 : vector<64x1xf32> to vector<64x128xf32>
    %div3A_739 = arith.divf %sub3A_733, %div3A_738 : vector<64x128xf32>
    %slice3A_740 = vector.extract_strided_slice %get3A_6 {offsets = [1, 0], sizes = [1, 128], strides = [1, 1]} : vector<2x128xf32> to vector<1x128xf32>
    %mul3A_741 = vector.broadcast %slice3A_740 : vector<1x128xf32> to vector<64x128xf32>
    %mul3A_742 = arith.mulf %div3A_739, %mul3A_741 : vector<64x128xf32>
    %slice3A_743 = vector.extract_strided_slice %get3A_9 {offsets = [1, 0], sizes = [1, 128], strides = [1, 1]} : vector<2x128xf32> to vector<1x128xf32>
    %add3A_744 = vector.broadcast %slice3A_743 : vector<1x128xf32> to vector<64x128xf32>
    %add3A_745 = arith.addf %mul3A_742, %add3A_744 : vector<64x128xf32>
    %convert_element_type3A_746 = arith.truncf %add3A_745 : vector<64x128xf32> to vector<64x128xbf16>
    %slice3A_747 = vector.extract_strided_slice %get3A_13 {offsets = [1, 0, 0], sizes = [1, 128, 512], strides = [1, 1, 1]} : vector<2x128x512xf32> to vector<1x128x512xf32>
    %squeeze3A_748 = vector.shape_cast %slice3A_747 : vector<1x128x512xf32> to vector<128x512xf32>
    %dot_general3A_749 = arith.constant dense<0.000000e+00> : vector<64x512xf32>
    %dot_general3A_750 = tpu.matmul %convert_element_type3A_746, %squeeze3A_748, %dot_general3A_749 {dimension_numbers = #tpu.dot_dimension_numbers<[1], [0], [0], [1], [0, 0, 1, 1], [], []>, transpose_lhs_hint = false} : vector<64x128xbf16>, vector<128x512xf32>, vector<64x512xf32> -> vector<64x512xf32>
    %slice3A_751 = vector.extract_strided_slice %get3A_16 {offsets = [1, 0], sizes = [1, 512], strides = [1, 1]} : vector<2x512xf32> to vector<1x512xf32>
    %add3A_752 = vector.broadcast %slice3A_751 : vector<1x512xf32> to vector<64x512xf32>
    %add3A_753 = arith.addf %dot_general3A_750, %add3A_752 : vector<64x512xf32>
    %logistic3A_754 = arith.negf %add3A_753 : vector<64x512xf32>
    %logistic3A_755 = math.exp %logistic3A_754 : vector<64x512xf32>
    %logistic3A_756 = arith.constant 1.000000e+00 : f32
    %logistic3A_757 = vector.broadcast %logistic3A_756 : f32 to vector<64x512xf32>
    %logistic3A_758 = arith.addf %logistic3A_757, %logistic3A_755 : vector<64x512xf32>
    %logistic3A_759 = arith.divf %logistic3A_757, %logistic3A_758 : vector<64x512xf32>
    %mul3A_760 = arith.mulf %add3A_753, %logistic3A_759 : vector<64x512xf32>
    %slice3A_761 = vector.extract_strided_slice %mul3A_760 {offsets = [0, 0], sizes = [64, 256], strides = [1, 1]} : vector<64x512xf32> to vector<64x256xf32>
    %slice3A_762 = vector.extract_strided_slice %mul3A_760 {offsets = [0, 256], sizes = [64, 256], strides = [1, 1]} : vector<64x512xf32> to vector<64x256xf32>
    %slice3A_763 = vector.extract_strided_slice %get3A_20 {offsets = [1, 0, 0], sizes = [1, 128, 64], strides = [1, 1, 1]} : vector<2x128x64xf32> to vector<1x128x64xf32>
    %squeeze3A_764 = vector.shape_cast %slice3A_763 : vector<1x128x64xf32> to vector<128x64xf32>
    %dot_general3A_765 = arith.constant dense<0.000000e+00> : vector<64x64xf32>
    %dot_general3A_766 = tpu.matmul %add3A_745, %squeeze3A_764, %dot_general3A_765 {dimension_numbers = #tpu.dot_dimension_numbers<[1], [0], [0], [1], [0, 0, 1, 1], [], []>, transpose_lhs_hint = false} : vector<64x128xf32>, vector<128x64xf32>, vector<64x64xf32> -> vector<64x64xf32>
    %slice3A_767 = vector.extract_strided_slice %get3A_23 {offsets = [1, 0], sizes = [1, 64], strides = [1, 1]} : vector<2x64xf32> to vector<1x64xf32>
    %add3A_768 = vector.broadcast %slice3A_767 : vector<1x64xf32> to vector<64x64xf32>
    %add3A_769 = arith.addf %dot_general3A_766, %add3A_768 : vector<64x64xf32>
    %slice3A_770 = vector.extract_strided_slice %get3A_26 {offsets = [2, 0], sizes = [1, 64], strides = [1, 1]} : vector<4x64xf32> to vector<1x64xf32>
    %mul3A_771 = vector.broadcast %slice3A_770 : vector<1x64xf32> to vector<64x64xf32>
    %mul3A_772 = arith.mulf %add3A_769, %mul3A_771 : vector<64x64xf32>
    %slice3A_773 = vector.extract_strided_slice %get3A_29 {offsets = [2, 0], sizes = [1, 64], strides = [1, 1]} : vector<4x64xf32> to vector<1x64xf32>
    %add3A_774 = vector.broadcast %slice3A_773 : vector<1x64xf32> to vector<64x64xf32>
    %add3A_775 = arith.addf %mul3A_772, %add3A_774 : vector<64x64xf32>
    %slice3A_776 = vector.extract_strided_slice %get3A_26 {offsets = [3, 0], sizes = [1, 64], strides = [1, 1]} : vector<4x64xf32> to vector<1x64xf32>
    %mul3A_777 = vector.broadcast %slice3A_776 : vector<1x64xf32> to vector<64x64xf32>
    %mul3A_778 = arith.mulf %add3A_769, %mul3A_777 : vector<64x64xf32>
    %slice3A_779 = vector.extract_strided_slice %get3A_29 {offsets = [3, 0], sizes = [1, 64], strides = [1, 1]} : vector<4x64xf32> to vector<1x64xf32>
    %add3A_780 = vector.broadcast %slice3A_779 : vector<1x64xf32> to vector<64x64xf32>
    %add3A_781 = arith.addf %mul3A_778, %add3A_780 : vector<64x64xf32>
    %dot_general3A_782 = arith.constant dense<0.000000e+00> : vector<64x64xf32>
    %dot_general3A_783 = tpu.matmul %add3A_775, %add3A_781, %dot_general3A_782 {dimension_numbers = #tpu.dot_dimension_numbers<[1], [1], [0], [0], [0, 0, 1, 0], [], []>, transpose_lhs_hint = false} : vector<64x64xf32>, vector<64x64xf32>, vector<64x64xf32> -> vector<64x64xf32>
    %mul3A_784 = arith.constant 1.562500e-02 : f32
    %mul3A_785 = vector.broadcast %mul3A_784 : f32 to vector<64x64xf32>
    %mul3A_786 = arith.mulf %dot_general3A_783, %mul3A_785 : vector<64x64xf32>
    %max3A_787 = arith.constant 0.000000e+00 : f32
    %max3A_788 = vector.broadcast %max3A_787 : f32 to vector<64x64xf32>
    %max3A_789 = arith.maximumf %mul3A_786, %max3A_788 : vector<64x64xf32>
    %square3A_790 = arith.mulf %max3A_789, %max3A_789 : vector<64x64xf32>
    %dot_general3A_791 = arith.constant dense<0.000000e+00> : vector<64x256xf32>
    %dot_general3A_792 = tpu.matmul %square3A_790, %slice3A_762, %dot_general3A_791 {dimension_numbers = #tpu.dot_dimension_numbers<[1], [0], [0], [1], [0, 0, 1, 1], [], []>, transpose_lhs_hint = false} : vector<64x64xf32>, vector<64x256xf32>, vector<64x256xf32> -> vector<64x256xf32>
    %mul3A_793 = arith.mulf %slice3A_761, %dot_general3A_792 : vector<64x256xf32>
    %convert_element_type3A_794 = arith.truncf %mul3A_793 : vector<64x256xf32> to vector<64x256xbf16>
    %slice3A_795 = vector.extract_strided_slice %get3A_33 {offsets = [1, 0, 0], sizes = [1, 256, 128], strides = [1, 1, 1]} : vector<2x256x128xf32> to vector<1x256x128xf32>
    %squeeze3A_796 = vector.shape_cast %slice3A_795 : vector<1x256x128xf32> to vector<256x128xf32>
    %dot_general3A_797 = arith.constant dense<0.000000e+00> : vector<64x128xf32>
    %dot_general3A_798 = tpu.matmul %convert_element_type3A_794, %squeeze3A_796, %dot_general3A_797 {dimension_numbers = #tpu.dot_dimension_numbers<[1], [0], [0], [1], [0, 0, 1, 1], [], []>, transpose_lhs_hint = false} : vector<64x256xbf16>, vector<256x128xf32>, vector<64x128xf32> -> vector<64x128xf32>
    %add3A_799 = arith.addf %add3A_716, %dot_general3A_798 : vector<64x128xf32>
    %slice3A_800 = vector.extract_strided_slice %get3A_36 {offsets = [1, 0], sizes = [1, 128], strides = [1, 1]} : vector<2x128xf32> to vector<1x128xf32>
    %add3A_801 = vector.broadcast %slice3A_800 : vector<1x128xf32> to vector<64x128xf32>
    %add3A_802 = arith.addf %add3A_799, %add3A_801 : vector<64x128xf32>
    %broadcast_in_dim3A_803 = arith.constant 1.562500e-02 : f32
    %broadcast_in_dim3A_804 = vector.broadcast %broadcast_in_dim3A_803 : f32 to vector<1x64xf32>
    %dot_general3A_805 = arith.constant dense<0.000000e+00> : vector<1x128xf32>
    %dot_general3A_806 = tpu.matmul %broadcast_in_dim3A_804, %add3A_802, %dot_general3A_805 {dimension_numbers = #tpu.dot_dimension_numbers<[1], [0], [0], [1], [0, 0, 1, 1], [], []>, transpose_lhs_hint = false} : vector<1x64xf32>, vector<64x128xf32>, vector<1x128xf32> -> vector<1x128xf32>
    %reduce_sum3A_807 = arith.constant dense<0.000000e+00> : vector<1xf32>
    %reduce_sum3A_808 = vector.multi_reduction <add>, %dot_general3A_806, %reduce_sum3A_807 [1] : vector<1x128xf32> to vector<1xf32>
    %broadcast_in_dim3A_809 = vector.shape_cast %reduce_sum3A_808 : vector<1xf32> to vector<1x1xf32>
    %div3A_810 = arith.constant 1.280000e+02 : f32
    %div3A_811 = vector.broadcast %div3A_810 : f32 to vector<1x1xf32>
    %div3A_812 = arith.divf %broadcast_in_dim3A_809, %div3A_811 : vector<1x1xf32>
    %sub3A_813 = vector.broadcast %div3A_812 : vector<1x1xf32> to vector<1x128xf32>
    %sub3A_814 = arith.subf %dot_general3A_806, %sub3A_813 : vector<1x128xf32>
    %integer_pow3A_815 = arith.mulf %sub3A_814, %sub3A_814 : vector<1x128xf32>
    %reduce_sum3A_816 = arith.constant dense<0.000000e+00> : vector<1xf32>
    %reduce_sum3A_817 = vector.multi_reduction <add>, %integer_pow3A_815, %reduce_sum3A_816 [1] : vector<1x128xf32> to vector<1xf32>
    %broadcast_in_dim3A_818 = vector.shape_cast %reduce_sum3A_817 : vector<1xf32> to vector<1x1xf32>
    %div3A_819 = arith.constant 1.280000e+02 : f32
    %div3A_820 = vector.broadcast %div3A_819 : f32 to vector<1x1xf32>
    %div3A_821 = arith.divf %broadcast_in_dim3A_818, %div3A_820 : vector<1x1xf32>
    %sub3A_822 = vector.broadcast %div3A_812 : vector<1x1xf32> to vector<1x128xf32>
    %sub3A_823 = arith.subf %dot_general3A_806, %sub3A_822 : vector<1x128xf32>
    %add3A_824 = arith.constant 9.99999974E-6 : f32
    %add3A_825 = vector.broadcast %add3A_824 : f32 to vector<1x1xf32>
    %add3A_826 = arith.addf %div3A_821, %add3A_825 : vector<1x1xf32>
    %sqrt3A_827 = math.sqrt %add3A_826 : vector<1x1xf32>
    %div3A_828 = vector.broadcast %sqrt3A_827 : vector<1x1xf32> to vector<1x128xf32>
    %div3A_829 = arith.divf %sub3A_823, %div3A_828 : vector<1x128xf32>
    %mul3A_830 = arith.mulf %div3A_829, %get3A_39 : vector<1x128xf32>
    %add3A_831 = arith.addf %mul3A_830, %get3A_42 : vector<1x128xf32>
    %ge3A_832 = arith.constant 0.000000e+00 : f32
    %ge3A_833 = vector.broadcast %ge3A_832 : f32 to vector<1x128xf32>
    %ge3A_834 = arith.cmpf oge, %add3A_831, %ge3A_833 : vector<1x128xf32>
    %mul3A_835 = arith.constant 0.00999999977 : f32
    %mul3A_836 = vector.broadcast %mul3A_835 : f32 to vector<1x128xf32>
    %mul3A_837 = arith.mulf %mul3A_836, %add3A_831 : vector<1x128xf32>
    %select_n3A_838 = arith.select %ge3A_834, %add3A_831, %mul3A_837 : vector<1x128xi1>, vector<1x128xf32>
    %dot_general3A_839 = arith.constant dense<0.000000e+00> : vector<1x128xf32>
    %dot_general3A_840 = tpu.matmul %select_n3A_838, %get3A_45, %dot_general3A_839 {dimension_numbers = #tpu.dot_dimension_numbers<[1], [0], [0], [1], [0, 0, 1, 1], [], []>, transpose_lhs_hint = false} : vector<1x128xf32>, vector<128x128xf32>, vector<1x128xf32> -> vector<1x128xf32>
    %add3A_841 = arith.addf %dot_general3A_840, %get3A_48 : vector<1x128xf32>
    %iota3A_842 = tpu.iota {dimensions = array<i32: 1>} : vector<1x272xi32>
    %lt3A_843 = arith.constant 257 : i32
    %lt3A_844 = vector.broadcast %lt3A_843 : i32 to vector<1x272xi32>
    %lt3A_845 = arith.cmpi slt, %iota3A_842, %lt3A_844 : vector<1x272xi32>
    %convert_element_type3A_846 = arith.extui %lt3A_845 : vector<1x272xi1> to vector<1x272xi32>
    %convert_element_type3A_847 = arith.sitofp %convert_element_type3A_846 : vector<1x272xi32> to vector<1x272xf32>
    %get3A_848 = arith.constant 0 : index
    %get3A_849 = arith.constant 0 : index
    %get3A_850 = arith.constant 0 : index
    %get3A_851 = vector.load %arg2[%get3A_848, %get3A_849, %get3A_850] : memref<1x272x128xf32, #tpu.memory_space<vmem>>, vector<1x272x128xf32>
    %get3A_852 = vector.shape_cast %get3A_851 : vector<1x272x128xf32> to vector<272x128xf32>
    %dot_general3A_853 = arith.constant dense<0.000000e+00> : vector<1x128xf32>
    %dot_general3A_854 = tpu.matmul %convert_element_type3A_847, %get3A_852, %dot_general3A_853 {dimension_numbers = #tpu.dot_dimension_numbers<[1], [0], [0], [1], [0, 0, 1, 1], [], []>, transpose_lhs_hint = false} : vector<1x272xf32>, vector<272x128xf32>, vector<1x128xf32> -> vector<1x128xf32>
    %broadcast_in_dim3A_855 = arith.constant 1.000000e+00 : f32
    %broadcast_in_dim3A_856 = vector.broadcast %broadcast_in_dim3A_855 : f32 to vector<1x5xf32>
    %dot_general3A_857 = arith.constant dense<0.000000e+00> : vector<1x128xf32>
    %dot_general3A_858 = tpu.matmul %broadcast_in_dim3A_856, %add3A_485, %dot_general3A_857 {dimension_numbers = #tpu.dot_dimension_numbers<[1], [0], [0], [1], [0, 0, 1, 1], [], []>, transpose_lhs_hint = false} : vector<1x5xf32>, vector<5x128xf32>, vector<1x128xf32> -> vector<1x128xf32>
    %add3A_859 = arith.addf %dot_general3A_854, %dot_general3A_858 : vector<1x128xf32>
    %add3A_860 = arith.addf %add3A_859, %add3A_841 : vector<1x128xf32>
    %mul3A_861 = arith.constant 0.00380228134 : f32
    %mul3A_862 = vector.broadcast %mul3A_861 : f32 to vector<1x128xf32>
    %mul3A_863 = arith.mulf %add3A_860, %mul3A_862 : vector<1x128xf32>
    %reduce_sum3A_864 = arith.constant dense<0.000000e+00> : vector<1xf32>
    %reduce_sum3A_865 = vector.multi_reduction <add>, %mul3A_863, %reduce_sum3A_864 [1] : vector<1x128xf32> to vector<1xf32>
    %broadcast_in_dim3A_866 = vector.shape_cast %reduce_sum3A_865 : vector<1xf32> to vector<1x1xf32>
    %div3A_867 = arith.constant 1.280000e+02 : f32
    %div3A_868 = vector.broadcast %div3A_867 : f32 to vector<1x1xf32>
    %div3A_869 = arith.divf %broadcast_in_dim3A_866, %div3A_868 : vector<1x1xf32>
    %sub3A_870 = vector.broadcast %div3A_869 : vector<1x1xf32> to vector<1x128xf32>
    %sub3A_871 = arith.subf %mul3A_863, %sub3A_870 : vector<1x128xf32>
    %integer_pow3A_872 = arith.mulf %sub3A_871, %sub3A_871 : vector<1x128xf32>
    %reduce_sum3A_873 = arith.constant dense<0.000000e+00> : vector<1xf32>
    %reduce_sum3A_874 = vector.multi_reduction <add>, %integer_pow3A_872, %reduce_sum3A_873 [1] : vector<1x128xf32> to vector<1xf32>
    %broadcast_in_dim3A_875 = vector.shape_cast %reduce_sum3A_874 : vector<1xf32> to vector<1x1xf32>
    %div3A_876 = arith.constant 1.280000e+02 : f32
    %div3A_877 = vector.broadcast %div3A_876 : f32 to vector<1x1xf32>
    %div3A_878 = arith.divf %broadcast_in_dim3A_875, %div3A_877 : vector<1x1xf32>
    %sub3A_879 = vector.broadcast %div3A_869 : vector<1x1xf32> to vector<1x128xf32>
    %sub3A_880 = arith.subf %mul3A_863, %sub3A_879 : vector<1x128xf32>
    %add3A_881 = arith.constant 9.99999974E-6 : f32
    %add3A_882 = vector.broadcast %add3A_881 : f32 to vector<1x1xf32>
    %add3A_883 = arith.addf %div3A_878, %add3A_882 : vector<1x1xf32>
    %sqrt3A_884 = math.sqrt %add3A_883 : vector<1x1xf32>
    %div3A_885 = vector.broadcast %sqrt3A_884 : vector<1x1xf32> to vector<1x128xf32>
    %div3A_886 = arith.divf %sub3A_880, %div3A_885 : vector<1x128xf32>
    %get3A_887 = arith.constant 0 : index
    %get3A_888 = arith.constant 0 : index
    %get3A_889 = vector.load %arg17[%get3A_887, %get3A_888] : memref<1x128xf32, #tpu.memory_space<vmem>>, vector<1x128xf32>
    %mul3A_890 = arith.mulf %div3A_886, %get3A_889 : vector<1x128xf32>
    %get3A_891 = arith.constant 0 : index
    %get3A_892 = arith.constant 0 : index
    %get3A_893 = vector.load %arg18[%get3A_891, %get3A_892] : memref<1x128xf32, #tpu.memory_space<vmem>>, vector<1x128xf32>
    %add3A_894 = arith.addf %mul3A_890, %get3A_893 : vector<1x128xf32>
    %ge3A_895 = arith.constant 0.000000e+00 : f32
    %ge3A_896 = vector.broadcast %ge3A_895 : f32 to vector<1x128xf32>
    %ge3A_897 = arith.cmpf oge, %add3A_894, %ge3A_896 : vector<1x128xf32>
    %mul3A_898 = arith.constant 0.00999999977 : f32
    %mul3A_899 = vector.broadcast %mul3A_898 : f32 to vector<1x128xf32>
    %mul3A_900 = arith.mulf %mul3A_899, %add3A_894 : vector<1x128xf32>
    %select_n3A_901 = arith.select %ge3A_897, %add3A_894, %mul3A_900 : vector<1x128xi1>, vector<1x128xf32>
    %get3A_902 = arith.constant 0 : index
    %get3A_903 = arith.constant 0 : index
    %get3A_904 = vector.load %arg19[%get3A_902, %get3A_903] : memref<128x64xf32, #tpu.memory_space<vmem>>, vector<128x64xf32>
    %dot_general3A_905 = arith.constant dense<0.000000e+00> : vector<1x64xf32>
    %dot_general3A_906 = tpu.matmul %select_n3A_901, %get3A_904, %dot_general3A_905 {dimension_numbers = #tpu.dot_dimension_numbers<[1], [0], [0], [1], [0, 0, 1, 1], [], []>, transpose_lhs_hint = false} : vector<1x128xf32>, vector<128x64xf32>, vector<1x64xf32> -> vector<1x64xf32>
    %get3A_907 = arith.constant 0 : index
    %get3A_908 = arith.constant 0 : index
    %get3A_909 = vector.load %arg20[%get3A_907, %get3A_908] : memref<1x64xf32, #tpu.memory_space<vmem>>, vector<1x64xf32>
    %add3A_910 = arith.addf %dot_general3A_906, %get3A_909 : vector<1x64xf32>
    %swap3A = arith.constant 0 : index
    %swap3A_911 = arith.constant 0 : index
    %swap3A_912 = arith.constant 0 : index
    %swap3A_913 = vector.load %arg21[%swap3A, %swap3A_911, %swap3A_912] : memref<1x1x64xf32, #tpu.memory_space<vmem>>, vector<1x1x64xf32>
    %swap3A_914 = vector.shape_cast %swap3A_913 : vector<1x1x64xf32> to vector<1x64xf32>
    %swap3A_915 = vector.shape_cast %add3A_910 : vector<1x64xf32> to vector<1x1x64xf32>
    tpu.vector_store %arg21[%swap3A, %swap3A_911, %swap3A_912], %swap3A_915 {strides = array<i32>} : memref<1x1x64xf32, #tpu.memory_space<vmem>>, vector<1x1x64xf32>,
    return
  }
  func.func @transform_0(%arg0: i32) -> (i32, i32, i32) {
    %c0_i32 = arith.constant 0 : i32
    %c0_i32_0 = arith.constant 0 : i32
    %c0_i32_1 = arith.constant 0 : i32
    return %arg0, %c0_i32, %c0_i32_0 : i32, i32, i32
  }
  func.func @transform_1(%arg0: i32) -> (i32, i32, i32) {
    %c0_i32 = arith.constant 0 : i32
    %c0_i32_0 = arith.constant 0 : i32
    %c0_i32_1 = arith.constant 0 : i32
    return %arg0, %c0_i32, %c0_i32_0 : i32, i32, i32
  }
  func.func @transform_2(%arg0: i32) -> (i32, i32) {
    %c0_i32 = arith.constant 0 : i32
    %c0_i32_0 = arith.constant 0 : i32
    %c0_i32_1 = arith.constant 0 : i32
    return %c0_i32, %c0_i32_0 : i32, i32
  }
  func.func @transform_3(%arg0: i32) -> (i32, i32) {
    %c0_i32 = arith.constant 0 : i32
    %c0_i32_0 = arith.constant 0 : i32
    %c0_i32_1 = arith.constant 0 : i32
    return %c0_i32, %c0_i32_0 : i32, i32
  }
  func.func @transform_4(%arg0: i32) -> (i32, i32, i32) {
    %c0_i32 = arith.constant 0 : i32
    %c0_i32_0 = arith.constant 0 : i32
    %c0_i32_1 = arith.constant 0 : i32
    %c0_i32_2 = arith.constant 0 : i32
    return %c0_i32, %c0_i32_0, %c0_i32_1 : i32, i32, i32
  }
  func.func @transform_5(%arg0: i32) -> (i32, i32) {
    %c0_i32 = arith.constant 0 : i32
    %c0_i32_0 = arith.constant 0 : i32
    %c0_i32_1 = arith.constant 0 : i32
    return %c0_i32, %c0_i32_0 : i32, i32
  }
  func.func @transform_6(%arg0: i32) -> (i32, i32, i32) {
    %c0_i32 = arith.constant 0 : i32
    %c0_i32_0 = arith.constant 0 : i32
    %c0_i32_1 = arith.constant 0 : i32
    %c0_i32_2 = arith.constant 0 : i32
    return %c0_i32, %c0_i32_0, %c0_i32_1 : i32, i32, i32
  }
  func.func @transform_7(%arg0: i32) -> (i32, i32) {
    %c0_i32 = arith.constant 0 : i32
    %c0_i32_0 = arith.constant 0 : i32
    %c0_i32_1 = arith.constant 0 : i32
    return %c0_i32, %c0_i32_0 : i32, i32
  }
  func.func @transform_8(%arg0: i32) -> (i32, i32) {
    %c0_i32 = arith.constant 0 : i32
    %c0_i32_0 = arith.constant 0 : i32
    %c0_i32_1 = arith.constant 0 : i32
    return %c0_i32, %c0_i32_0 : i32, i32
  }
  func.func @transform_9(%arg0: i32) -> (i32, i32) {
    %c0_i32 = arith.constant 0 : i32
    %c0_i32_0 = arith.constant 0 : i32
    %c0_i32_1 = arith.constant 0 : i32
    return %c0_i32, %c0_i32_0 : i32, i32
  }
  func.func @transform_10(%arg0: i32) -> (i32, i32, i32) {
    %c0_i32 = arith.constant 0 : i32
    %c0_i32_0 = arith.constant 0 : i32
    %c0_i32_1 = arith.constant 0 : i32
    %c0_i32_2 = arith.constant 0 : i32
    return %c0_i32, %c0_i32_0, %c0_i32_1 : i32, i32, i32
  }
  func.func @transform_11(%arg0: i32) -> (i32, i32) {
    %c0_i32 = arith.constant 0 : i32
    %c0_i32_0 = arith.constant 0 : i32
    %c0_i32_1 = arith.constant 0 : i32
    return %c0_i32, %c0_i32_0 : i32, i32
  }
  func.func @transform_12(%arg0: i32) -> (i32, i32) {
    %c0_i32 = arith.constant 0 : i32
    %c0_i32_0 = arith.constant 0 : i32
    %c0_i32_1 = arith.constant 0 : i32
    return %c0_i32, %c0_i32_0 : i32, i32
  }
  func.func @transform_13(%arg0: i32) -> (i32, i32) {
    %c0_i32 = arith.constant 0 : i32
    %c0_i32_0 = arith.constant 0 : i32
    %c0_i32_1 = arith.constant 0 : i32
    return %c0_i32, %c0_i32_0 : i32, i32
  }
  func.func @transform_14(%arg0: i32) -> (i32, i32) {
    %c0_i32 = arith.constant 0 : i32
    %c0_i32_0 = arith.constant 0 : i32
    %c0_i32_1 = arith.constant 0 : i32
    return %c0_i32, %c0_i32_0 : i32, i32
  }
  func.func @transform_15(%arg0: i32) -> (i32, i32) {
    %c0_i32 = arith.constant 0 : i32
    %c0_i32_0 = arith.constant 0 : i32
    %c0_i32_1 = arith.constant 0 : i32
    return %c0_i32, %c0_i32_0 : i32, i32
  }
  func.func @transform_16(%arg0: i32) -> (i32, i32) {
    %c0_i32 = arith.constant 0 : i32
    %c0_i32_0 = arith.constant 0 : i32
    %c0_i32_1 = arith.constant 0 : i32
    return %c0_i32, %c0_i32_0 : i32, i32
  }
  func.func @transform_17(%arg0: i32) -> (i32, i32) {
    %c0_i32 = arith.constant 0 : i32
    %c0_i32_0 = arith.constant 0 : i32
    %c0_i32_1 = arith.constant 0 : i32
    return %c0_i32, %c0_i32_0 : i32, i32
  }
  func.func @transform_18(%arg0: i32) -> (i32, i32) {
    %c0_i32 = arith.constant 0 : i32
    %c0_i32_0 = arith.constant 0 : i32
    %c0_i32_1 = arith.constant 0 : i32
    return %c0_i32, %c0_i32_0 : i32, i32
  }
  func.func @transform_19(%arg0: i32) -> (i32, i32) {
    %c0_i32 = arith.constant 0 : i32
    %c0_i32_0 = arith.constant 0 : i32
    %c0_i32_1 = arith.constant 0 : i32
    return %c0_i32, %c0_i32_0 : i32, i32
  }
  func.func @transform_20(%arg0: i32) -> (i32, i32, i32) {
    %c0_i32 = arith.constant 0 : i32
    %c0_i32_0 = arith.constant 0 : i32
    %c0_i32_1 = arith.constant 0 : i32
    return %arg0, %c0_i32, %c0_i32_0 : i32, i32, i32
  }
}

</mosaic_0001>

<sc_bundles>
// kernel: kernel.7.cloned.1.call-start
scs
__scs_entry_jumppad:
0x0: {  	(pc) =	sbr.rel $0x88, $3  }
0x1: {  	(tag) =	ssettag $0x0;
	lr =	simm.s32 $0x1  }
0x2: {  	[smem:$0x3F8C] =	sst lr;
	_ =	strace $0xD0000000  }
0x3: {  	_ = 	snop  }
0x4: {  	_ = 	snop  }
0x5: {  	_ = 	snop  }
0x6: {  	_ = 	snop  }
0x7: {  	_ = 	snop  }
__scs_overlays_trampoline_lowered:
0x8: {  	[smem:$0x3F9B] =	sst s0  }
0x9: {  	[smem:$0x3F9C] =	sst s1  }
0xa: {  	[smem:$0x3F9D] =	sst s2  }
0xb: {  	[smem:$0x3F9E] =	sst s3  }
0xc: {  	[smem:$0x3F9F] =	sst s4  }
0xd: {  	[smem:$0x3FA0] =	sst s5  }
0xe: {  	[smem:$0x3FA1] =	sst s6  }
0xf: {  	[smem:$0x3FA2] =	sst s7  }
0x10: {  	[smem:$0x3FA3] =	sst s8  }
0x11: {  	[smem:$0x3FA4] =	sst s9;
	s0 =	simm.s32 @!p0 $0x0  }
0x12: {  	s1 =	sld [smem:$0x3F8A];
	s0 =	simm.s32 @p0 $0x1  }
0x13: {  	[smem:$0x3FA5] =	sst s0;
	s0 =	simm.s32 @!p1 $0x0  }
0x14: {  	s2 =	sld [smem:$0x3F89];
	s0 =	simm.s32 @p1 $0x1  }
0x15: {  	[smem:$0x3FA6] =	sst s0;
	s0 =	simm.s32 @!p2 $0x0  }
0x16: {  	s3 =	sld [smem:$0x3FDB];
	s0 =	simm.s32 @p2 $0x1  }
0x17: {  	s4 =	simm.s32 $0x1BF5;
	[smem:$0x3FA8] =	sst s0  }
0x18: {  	s0 =	sld [smem:$0x3F8B];
	_ =	swait.ge [sflag:s4], $0x0  }
0x19: {  	s7 =	sld [smem:$0x3F8C]  }
0x1a: {  	s8 =	sadd.s32 $0xFFFFE003, lr  }
0x1b: {  	s9 =	sadd.s32 $0xFFFFFEF7, lr;
	s5 =	simm.s32 $0xFFFFFFFF;
	p2 =	slt.u32 s8, $0xFFFFF086  }
0x1c: {  	p1 =	slt.u32 s9, $0xF7A;
	s5 =	simm.s32 @!p2 $0x0  }
0x1d: {  	s5 =	simm.s32 @p1 $0x1;
	p0 =	seq.s32 s7, s2  }
0x1e: {  	s7 =	smul.u32 @!p0 $0xF7A, s2;
	p2 =	seq.s32 @!p0 s5, $0x0  }
0x1f: {  	s9 =	smul.u32 $0xF7A, s1;
	s8 =	simm.s32 @!p0 $0x1BF5;
	p2 =	por !p2, p0  }
0x20: {  	[sflag:s8] =	ssyncset.s32 @!p0 $0xFFFFF086;
	s6 =	sadd.s32 @!p0 s3, s7;
	s7 =	simm.s32 @!p0 $0x108  }
0x21: {  	s3 =	sadd.s32 s3, s9;
	s6 =	sadd.s32 @!p0 $0x88, s6;
	s7 =	simm.s32 @p2 $0x1082  }
0x22: {  	[simem:s7], [sflag:s8] =	dma.local @!p0 [hbm:s6], $0xF7A  }
0x23: {  	s9 =	sor.u32 $0xD0000000, s2;
	s6 =	simm.s32 $0x108;
	_ =	swait.ge @!p0 [sflag:s8], $0x0  }
0x24: {  	s3 =	sadd.s32 $0x88, s3;
	s6 =	simm.s32 @!p1 $0x1082;
	[sflag:s4] =	ssyncset.s32 $0xFFFFF086  }
0x25: {  	[simem:s6], [sflag:s4] =	dma.local [hbm:s3], $0xF7A  }
0x26: {  	[smem:$0x3F8C] =	sst s1;
	(tag) =	ssettag s2;
	_ =	strace s9  }
0x27: {  	s1 =	sld [smem:$0x3F9C]  }
0x28: {  	s2 =	sld [smem:$0x3F9D]  }
0x29: {  	s4 =	sld [smem:$0x3F9F]  }
0x2a: {  	p0 =	seq.s32 s5, $0x0;
	s5 =	sld [smem:$0x3FA0]  }
0x2b: {  	s6 =	sld [smem:$0x3FA1]  }
0x2c: {  	s7 =	sld [smem:$0x3FA2]  }
0x2d: {  	s3 =	simm.s32 $0x108;
	s8 =	sld [smem:$0x3FA3]  }
0x2e: {  	s3 =	simm.s32 @!p0 $0x1082;
	s9 =	sld [smem:$0x3FA4]  }
0x2f: {  	lr =	sadd.s32 s0, s3;
	s0 =	sld [smem:$0x3F9B]  }
0x30: {  	s3 =	sld [smem:$0x3F9E]  }
0x31: {  	[smem:$0x3FA7] =	sst s10  }
0x32: {  	s10 =	sld [smem:$0x3FA5];
	_ =	sdelay $0x3  }
0x33: {  	p0 =	seq.s32 s10, $0x1;
	s10 =	sld [smem:$0x3FA7];
	_ =	sdelay $0x3  }
0x34: {  	[smem:$0x3FA7] =	sst s10  }
0x35: {  	s10 =	sld [smem:$0x3FA6];
	_ =	sdelay $0x3  }
0x36: {  	p1 =	seq.s32 s10, $0x1;
	s10 =	sld [smem:$0x3FA7];
	_ =	sdelay $0x3  }
0x37: {  	[smem:$0x3FA7] =	sst s10  }
0x38: {  	s10 =	sld [smem:$0x3FA8]  }
0x39: {  	_ = 	snop;
	(pc) =	sbr.ind lr, $3  }
0x3a: {  	_ = 	snop  }
0x3b: {  	_ = 	snop  }
0x3c: {  	p2 =	seq.s32 s10, $0x1;
	s10 =	sld [smem:$0x3FA7]  }
0x3d: {  	_ =	shalt  }
0x3e: {  	_ =	shalt  }
0x3f: {  	_ =	shalt  }
0x40: {  	_ =	shalt  }
0x41: {  	_ =	shalt  }
0x42: {  	_ =	shalt  }
0x43: {  	_ =	shalt  }
0x44: {  	_ =	shalt  }
0x45: {  	_ =	shalt  }
0x46: {  	_ =	shalt  }
0x47: {  	_ =	shalt  }
0x48: {  	_ =	shalt  }
0x49: {  	_ =	shalt  }
0x4a: {  	_ =	shalt  }
0x4b: {  	_ =	shalt  }
0x4c: {  	_ =	shalt  }
0x4d: {  	_ =	shalt  }
0x4e: {  	_ =	shalt  }
0x4f: {  	_ =	shalt  }
0x50: {  	_ =	shalt  }
0x51: {  	_ =	shalt  }
0x52: {  	_ =	shalt  }
0x53: {  	_ =	shalt  }
0x54: {  	_ =	shalt  }
0x55: {  	_ =	shalt  }
0x56: {  	_ =	shalt  }
0x57: {  	_ =	shalt  }
0x58: {  	_ =	shalt  }
0x59: {  	_ =	shalt  }
0x5a: {  	_ =	shalt  }
0x5b: {  	_ =	shalt  }
0x5c: {  	_ =	shalt  }
0x5d: {  	_ =	shalt  }
0x5e: {  	_ =	shalt  }
0x5f: {  	_ =	shalt  }
0x60: {  	_ =	shalt  }
0x61: {  	_ =	shalt  }
0x62: {  	_ =	shalt  }
0x63: {  	_ =	shalt  }
0x64: {  	_ =	shalt  }
0x65: {  	_ =	shalt  }
0x66: {  	_ =	shalt  }
0x67: {  	_ =	shalt  }
0x68: {  	_ =	shalt  }
0x69: {  	_ =	shalt  }
0x6a: {  	_ =	shalt  }
0x6b: {  	_ =	shalt  }
0x6c: {  	_ =	shalt  }
0x6d: {  	_ =	shalt  }
0x6e: {  	_ =	shalt  }
0x6f: {  	_ =	shalt  }
0x70: {  	_ =	shalt  }
0x71: {  	_ =	shalt  }
0x72: {  	_ =	shalt  }
0x73: {  	_ =	shalt  }
0x74: {  	_ =	shalt  }
0x75: {  	_ =	shalt  }
0x76: {  	_ =	shalt  }
0x77: {  	_ =	shalt  }
0x78: {  	_ =	shalt  }
0x79: {  	_ =	shalt  }
0x7a: {  	_ =	shalt  }
0x7b: {  	_ =	shalt  }
0x7c: {  	_ =	shalt  }
0x7d: {  	_ =	shalt  }
0x7e: {  	_ =	shalt  }
0x7f: {  	_ =	shalt  }
0x80: {  	_ =	shalt  }
0x81: {  	_ =	shalt  }
0x82: {  	_ =	shalt  }
0x83: {  	_ =	shalt  }
0x84: {  	_ =	shalt  }
0x85: {  	_ =	shalt  }
0x86: {  	_ =	shalt  }
0x87: {  	_ =	shalt  }
.Lfunc_end0:
.L_simem_size_0:
called_computation_lowered:
.L_overlay_start_0:
0x88: {  	s2 =	sld [smem:$0x3FD9]  }
0x89: {  	s3 =	sld [smem:$0x3FFE];
	_ =	sdelay $0x1  }
0x8a: {  	s1 =	srdreg.scid  }
0x8b: {  	s0 =	sand.u32 $0x1, s1  }
0x8c: {  	s16 =	sshll.u32 s0, $0xA;
	s2 =	sadd.s32 s3, s2  }
0x8d: {  	s2 =	sadd.s32 s2, s16  }
0x8e: {  	[smem:$0x3FB3] =	sst s2  }
0x8f: {  	_ = 	snop  }
0x90: {  	(tm) =	ssettm $0x1  }
0x91: {  	s17 =	sld [smem:$0x3FFB];
	_ =	sdelay $0x3  }
0x92: {  	_ =	strace s17  }
0x93: {  	s2 =	sld [smem:$0x3FFC];
	_ =	sdelay $0x3  }
0x94: {  	_ =	strace s2  }
0x95: {  	s2 =	sld [smem:$0x3FFD];
	_ =	sdelay $0x3  }
0x96: {  	_ =	strace s2  }
0x97: {  	_ =	strace $0x8FFFFFFF  }
0x98: {  	s18 =	sld [smem:$0x3FDB];
	_ =	sdelay $0x1  }
0x99: {  	s19 =	simm.s32 $_scs_section_size  }
0x9a: {  	s4 =	simm.s32 $_size__tile_overlayer_lowered;
	s5 =	simm.s32 $_tile_overlayer_lowered  }
0x9b: {  	s22 =	simm.s32 $0x1BFF;
	s21 =	sshll.u32 s5, $0x1;
	s2 =	sadd.s32 s19, s18  }
0x9c: {  	s6 =	simm.s32 $0x0;
	s20 =	sshll.u32 s4, $0x1;
	s4 =	sadd.s32 s21, s2  }
0x9d: {  	[timem:s6], [sflag:s22] =	dma.local [hbm:s4], s20  }
0x9e: {  	_ =	swait.ge [sflag:s22], s20  }
0x9f: {  	s3 =	ssub.s32 $0x0, s20;
	[sflag:s22] =	ssyncset.done $0x0  }
0xa0: {  	[sflag:s22] =	ssyncadd.s32 s3;
	_ =	sdelay $0x1  }
0xa1: {  	s23 =	simm.s32 $0x1B8B  }
0xa2: {  	_ =	swait.ge [sflag:s23], $0x1  }
0xa3: {  	[sflag:s23] =	ssyncset.done $0x0  }
0xa4: {  	s25 =	simm.s32 $0x1B8E;
	s24 =	sld [smem:$0x3FFE];
	[sflag:s23] =	ssyncadd.s32 $0xFFFFFFFF  }
0xa5: {  	s26 =	simm.s32 $execute0_lowered;
	[smem:$0x3FD2] =	sst s25  }
0xa6: {  	s4 =	sshll.u32 s26, $0x1;
	_ =	strace $0x80000046;
	[dreg:$0x1] =	wrdreg $0xFFFFFFFF  }
0xa7: {  	s28 =	simm.s32 $_size_execute0_lowered;
	s2 =	sadd.s32 s2, s4;
	[dreg:$0x0] =	wrdreg $0x0  }
0xa8: {  	s4 =	sshll.u32 s28, $0x1;
	[dreg:$0x2] =	wrdreg s2  }
0xa9: {  	[dreg:$0x3] =	wrdreg s4  }
0xaa: {  	[dreg:$0x4] =	wrdreg $0xC0  }
0xab: {  	_ =	task [dreg:s6], $0x5FFFF  }
0xac: {  	[dreg:$0x1] =	wrdreg $0xFFFFFFFF  }
0xad: {  	[dreg:$0x0] =	wrdreg $0x60  }
0xae: {  	[dreg:$0x2] =	wrdreg s24  }
0xaf: {  	[dreg:$0x3] =	wrdreg $0x9  }
0xb0: {  	_ =	task.clear_ibuf [dreg:s6], $0x4FFFF;
	_ =	strace $0x90000046  }
0xb1: {  	s29 =	simm.s32 $0x9;
	_ =	strace $0x80000048  }
0xb2: {  	_ =	swait.ge [sflag:s29], $0x1  }
0xb3: {  	[sflag:s29] =	ssyncadd.s32 $0xFFFFFFFF  }
0xb4: {  	_ =	strace $0x90000048  }
0xb5: {  	_ =	sfence  }
0xb6: {  	s30 =	sld [smem:$0x0];
	_ =	sdelay $0x2  }
0xb7: {  	s31 =	sshll.u32 s1, $0xD;
	s1 =	sshrl.u32 s1, $0x2  }
0xb8: {  	s3 =	sand.u32 $0x4000, s31;
	s1 =	sadd.s32 s1, s30  }
0xb9: {  	s0 =	sor.u32 s3, s0;
	s1 =	sshll.u32 s1, $0x11  }
0xba: {  	s0 =	sor.u32 s1, s0  }
0xbb: {  	s0 =	sadd.s32 $0x8F2B, s0  }
0xbc: {  	[sflag:s0] =	ssyncadd.remote.s32 $0x1  }
0xbd: {  	_ =	sfence.sel $0xFFFF  }
0xbe: {  	[dreg:$0x0] =	wrdreg $0xFFFFFFFF;
	(pc) =	sbr.abs _section_cstart, $3  }
0xbf: {  	[dreg:$0x1] =	wrdreg $0xFFFFFFFF  }
0xc0: {  	_ =	task.clear_ibuf [dreg:s6], $0x2FFFF;
	_ =	strace $0x9FFFFFFF  }
0xc1: {  	(tm) =	ssettm $0x7FFFFFFF  }
tec
execute0_lowered:
.L_overlay_start_1:
0x0: {  	(tag) =	ssettag $0x1  }
0x1: {  	s0 =	rddreg [dreg:$0x0]  }
0x2: {  	s2 =	simm.s32 $0x0;
	s5 =	stileid.u32;
	s1 =	srdreg.scid  }
0x3: {  	s28 =	simm.s32 $0x3;
	s29 =	simm.s32 $0x80;
	s30 =	simm.s32 $0x4080  }
0x4: {  	s31 =	simm.s32 $0x4100;
	[smem:$0x7FF] =	sst s2;
	s4 =	sshll.u32 s5, $0x1  }
0x5: {  	s1 =	sand.u32 $0x1, s1;
	s6 =	sadd.s32 $0x2000, s0;
	s5 =	sshrl.u32 s5, $0x2  }
0x6: {  	s14 =	sadd.s32 $0x2800, s0;
	_ =	strace $0x80000047;
	[dreg:$0x2] =	wrdreg s6  }
0x7: {  	s25 =	sadd.s32 $0x200000, s0;
	s16 =	sadd.s32 $0x3000, s0;
	[dreg:$0x4] =	wrdreg s14  }
0x8: {  	s18 =	sadd.s32 $0x3800, s0;
	s20 =	sadd.s32 $0x4000, s0;
	[dreg:$0x6] =	wrdreg s16  }
0x9: {  	s22 =	sadd.s32 $0x4800, s0;
	s24 =	sadd.s32 $0x5000, s0;
	[dreg:$0x8] =	wrdreg s18  }
0xa: {  	s4 =	sand.u32 $0x6, s4;
	s9 =	smul.u32 $0x4400, s5;
	[dreg:$0xa] =	wrdreg s20  }
0xb: {  	s7 =	sshll.u32 s5, $0xE;
	s11 =	smul.u32 $0x220000, s5;
	[dreg:$0xc] =	wrdreg s22  }
0xc: {  	[dreg:$0xe] =	wrdreg s24;
	s4 =	sor.u32 s1, s4;
	s1 =	ssub.s32 $0x2, s1  }
0xd: {  	s8 =	sshll.u32 s4, $0xB;
	s10 =	sshrl.u32 s1, $0x1;
	s12 =	sshrl.u32 s11, $0x3  }
0xe: {  	s7 =	sor.u32 s7, s8;
	s8 =	sadd.s32 s9, s8;
	s6 =	sadd.s32 s25, s12  }
0xf: {  	s1 =	ssub.s32 s1, s10;
	s10 =	sshll.u32 s8, $0x4;
	s8 =	sadd.s32 $0x40000, s6  }
0x10: {  	s3 =	sadd.s32 $0x100000, s0;
	s15 =	sadd.s32 $0x40800, s6;
	[dreg:$0x3] =	wrdreg s8  }
0x11: {  	p0 =	sne.s32 s4, $0x0;
	s17 =	sadd.s32 $0x41000, s6;
	[dreg:$0x5] =	wrdreg s15  }
0x12: {  	s7 =	sshrl.u32 s7, $0x3;
	s19 =	sadd.s32 $0x41800, s6;
	[dreg:$0x7] =	wrdreg s17  }
0x13: {  	s21 =	sadd.s32 $0x42000, s6;
	s23 =	sadd.s32 $0x42800, s6;
	[dreg:$0x9] =	wrdreg s19  }
0x14: {  	s5 =	sadd.s32 s0, s7;
	s7 =	sadd.s32 s25, s10;
	[dreg:$0xb] =	wrdreg s21  }
0x15: {  	[dreg:$0xd] =	wrdreg s23;
	s25 =	sadd.s32 $0x43000, s6;
	s0 =	sadd.s32 $0x5800, s0  }
0x16: {  	s26 =	sadd.s32 $0x10, s5;
	s13 =	sadd.s32 $0x20, s5;
	[dreg:$0xf] =	wrdreg s25  }
0x17: {  	s11 =	sadd.s32 $0x800, s7;
	[dreg:$0x10] =	wrdreg s0;
	s25 =	smax.u32 s1, $0x1  }
0x18: {  	s12 =	sadd.s32 $0x30, s5;
	s14 =	sadd.s32 $0x40, s5;
	s15 =	sadd.s32 $0x1800, s7  }
0x19: {  	s16 =	sadd.s32 $0x50, s5;
	s17 =	sadd.s32 $0x2000, s7;
	s18 =	sadd.s32 $0x60, s5  }
0x1a: {  	s19 =	sadd.s32 $0x2800, s7;
	s20 =	sadd.s32 $0x70, s5;
	[dreg:$0x12] =	wrdreg s7  }
0x1b: {  	s21 =	sadd.s32 $0x3000, s7;
	s1 =	sadd.s32 $0x5000, s7;
	[dreg:$0x14] =	wrdreg s13  }
0x1c: {  	s22 =	sadd.s32 $0x80, s5;
	s10 =	sadd.s32 $0xC0, s5;
	[dreg:$0x13] =	wrdreg s1  }
0x1d: {  	s4 =	smov.u32 s26;
	s26 =	sadd.s32 $0x43800, s6;
	[dreg:$0x15] =	wrdreg s10  }
0x1e: {  	s23 =	sadd.s32 $0x3800, s7;
	s1 =	sadd.s32 $0x5800, s7;
	[dreg:$0x11] =	wrdreg s26  }
0x1f: {  	s24 =	sadd.s32 $0x90, s5;
	s10 =	sadd.s32 $0xD0, s5;
	[dreg:$0x16] =	wrdreg s1  }
0x20: {  	s8 =	sadd.s32 $0xA0, s5;
	[dreg:$0x17] =	wrdreg s10;
	s1 =	sadd.s32 $0x6000, s7  }
0x21: {  	s9 =	sadd.s32 $0x4800, s7;
	s10 =	sadd.s32 $0xE0, s5;
	[dreg:$0x18] =	wrdreg s1  }
.Ltmp0:
0x22: {  	[dreg:$0x19] =	wrdreg s10;
	s1 =	sadd.s32 $0x6800, s7;
	(pc) =	sbr.rel .LBB2_1-.Ltmp0, $4  }
0x23: {  	s0 =	simm.s32 $0x1;
	s10 =	sadd.s32 $0xF0, s5;
	[dreg:$0x1a] =	wrdreg s1  }
0x24: {  	s13 =	sadd.s32 $0x1000, s7;
	[dreg:$0x1b] =	wrdreg s10;
	s1 =	sadd.s32 $0x7000, s7  }
0x25: {  	s6 =	sadd.s32 $0x4000, s7;
	s10 =	sadd.s32 $0x7800, s7;
	[dreg:$0x1c] =	wrdreg s1  }
0x26: {  	s26 =	sadd.s32 $0xB0, s5;
	[dreg:$0x1d] =	wrdreg s10;
	s1 =	simm.s32 $0x2  }
.LBB2_3:
0x27: {  	s25 =	sadd.s32 $0xFFFFFFFF, s25  }
0x28: {  	p1 =	sne.s32 s25, $0x0  }
.Ltmp1:
0x29: {  	_ = 	snop;
	(pc) =	sbr.rel @!p1 .LBB2_4-.Ltmp1, $1  }
0x2a: {  	_ =	sdelay $0x3  }
.LBB2_1:
0x2b: {  	[tilespmem:s2], [sflag:$0x3] =	stream.linear.gather [hbm4b:s5+s2], $0x80, $0x38;
	[tilespmem:$0x8100] =	vst v63  }
0x2c: {  	_ =	swait.ge [sflag:s28], $0x80  }
0x2d: {  	[sflag:s28] =	ssyncset.done $0x0  }
0x2e: {  	[sflag:s28] =	ssyncadd.s32 $0xFFFFFF80  }
0x2f: {  	[tilespmem:s29], [sflag:$0x1] =	stream.indirect.gather [hbm4b:s3+s29], $0x80, s2, s29, $0xb8;
	[tilespmem:$0x8100] =	vst v63  }
0x30: {  	_ = 	snop  }
0x31: {  	[tilespmem:s30], [sflag:$0x3] =	stream.linear.gather [hbm4b:s4+s2], $0x80, $0x38;
	[tilespmem:$0x8100] =	vst v63  }
0x32: {  	_ =	swait.ge [sflag:s28], $0x80  }
0x33: {  	[sflag:s28] =	ssyncset.done $0x0  }
0x34: {  	[sflag:s28] =	ssyncadd.s32 $0xFFFFFF80  }
0x35: {  	[tilespmem:s31], [sflag:$0x2] =	stream.indirect.gather [hbm4b:s3+s29], $0x80, s30, s29, $0xb8;
	[tilespmem:$0x8100] =	vst v63  }
0x36: {  	_ =	swait.ge [sflag:s0], $0x4000  }
0x37: {  	[sflag:s0] =	ssyncset.done $0x0  }
0x38: {  	[sflag:s0] =	ssyncadd.s32 $0xFFFFC000  }
0x39: {  	[hbm4b:s7+s2] =	stream.linear.scatter [tilespmem:s29], [sflag:$0x3], $0x4000, $0x38;
	[tilespmem:$0x8100] =	vst v63  }
0x3a: {  	_ =	swait.ge [sflag:s28], $0x4000  }
0x3b: {  	[sflag:s28] =	ssyncset.done $0x0  }
0x3c: {  	s10 =	rddreg [dreg:$0x14];
	[sflag:s28] =	ssyncadd.s32 $0xFFFFC000  }
0x3d: {  	[tilespmem:s2], [sflag:$0x3] =	stream.linear.gather [hbm4b:s10+s2], $0x80, $0x38;
	[tilespmem:$0x8100] =	vst v63  }
0x3e: {  	_ =	swait.ge [sflag:s28], $0x80  }
0x3f: {  	[sflag:s28] =	ssyncset.done $0x0  }
0x40: {  	[sflag:s28] =	ssyncadd.s32 $0xFFFFFF80  }
0x41: {  	[tilespmem:s29], [sflag:$0x1] =	stream.indirect.gather [hbm4b:s3+s29], $0x80, s2, s29, $0xb8;
	[tilespmem:$0x8100] =	vst v63  }
0x42: {  	_ =	swait.ge [sflag:s1], $0x4000  }
0x43: {  	[sflag:s1] =	ssyncset.done $0x0  }
0x44: {  	[sflag:s1] =	ssyncadd.s32 $0xFFFFC000  }
0x45: {  	[hbm4b:s11+s2] =	stream.linear.scatter [tilespmem:s31], [sflag:$0x3], $0x4000, $0x38;
	[tilespmem:$0x8100] =	vst v63  }
0x46: {  	_ =	swait.ge [sflag:s28], $0x4000  }
0x47: {  	[sflag:s28] =	ssyncset.done $0x0  }
0x48: {  	[sflag:s28] =	ssyncadd.s32 $0xFFFFC000  }
0x49: {  	[tilespmem:s30], [sflag:$0x3] =	stream.linear.gather [hbm4b:s12+s2], $0x80, $0x38;
	[tilespmem:$0x8100] =	vst v63  }
0x4a: {  	_ =	swait.ge [sflag:s28], $0x80  }
0x4b: {  	[sflag:s28] =	ssyncset.done $0x0  }
0x4c: {  	[sflag:s28] =	ssyncadd.s32 $0xFFFFFF80  }
0x4d: {  	[tilespmem:s31], [sflag:$0x2] =	stream.indirect.gather [hbm4b:s3+s29], $0x80, s30, s29, $0xb8;
	[tilespmem:$0x8100] =	vst v63  }
0x4e: {  	_ =	swait.ge [sflag:s0], $0x4000  }
0x4f: {  	[sflag:s0] =	ssyncset.done $0x0  }
0x50: {  	[sflag:s0] =	ssyncadd.s32 $0xFFFFC000  }
0x51: {  	[hbm4b:s13+s2] =	stream.linear.scatter [tilespmem:s29], [sflag:$0x3], $0x4000, $0x38;
	[tilespmem:$0x8100] =	vst v63  }
0x52: {  	_ =	swait.ge [sflag:s28], $0x4000  }
0x53: {  	[sflag:s28] =	ssyncset.done $0x0  }
0x54: {  	[sflag:s28] =	ssyncadd.s32 $0xFFFFC000  }
0x55: {  	[tilespmem:s2], [sflag:$0x3] =	stream.linear.gather [hbm4b:s14+s2], $0x80, $0x38;
	[tilespmem:$0x8100] =	vst v63  }
0x56: {  	_ =	swait.ge [sflag:s28], $0x80  }
0x57: {  	[sflag:s28] =	ssyncset.done $0x0  }
0x58: {  	[sflag:s28] =	ssyncadd.s32 $0xFFFFFF80  }
0x59: {  	[tilespmem:s29], [sflag:$0x1] =	stream.indirect.gather [hbm4b:s3+s29], $0x80, s2, s29, $0xb8;
	[tilespmem:$0x8100] =	vst v63  }
0x5a: {  	_ =	swait.ge [sflag:s1], $0x4000  }
0x5b: {  	[sflag:s1] =	ssyncset.done $0x0  }
0x5c: {  	[sflag:s1] =	ssyncadd.s32 $0xFFFFC000  }
0x5d: {  	[hbm4b:s15+s2] =	stream.linear.scatter [tilespmem:s31], [sflag:$0x3], $0x4000, $0x38;
	[tilespmem:$0x8100] =	vst v63  }
0x5e: {  	_ =	swait.ge [sflag:s28], $0x4000  }
0x5f: {  	[sflag:s28] =	ssyncset.done $0x0  }
0x60: {  	[sflag:s28] =	ssyncadd.s32 $0xFFFFC000  }
0x61: {  	[tilespmem:s30], [sflag:$0x3] =	stream.linear.gather [hbm4b:s16+s2], $0x80, $0x38;
	[tilespmem:$0x8100] =	vst v63  }
0x62: {  	_ =	swait.ge [sflag:s28], $0x80  }
0x63: {  	[sflag:s28] =	ssyncset.done $0x0  }
0x64: {  	[sflag:s28] =	ssyncadd.s32 $0xFFFFFF80  }
0x65: {  	[tilespmem:s31], [sflag:$0x2] =	stream.indirect.gather [hbm4b:s3+s29], $0x80, s30, s29, $0xb8;
	[tilespmem:$0x8100] =	vst v63  }
0x66: {  	_ =	swait.ge [sflag:s0], $0x4000  }
0x67: {  	[sflag:s0] =	ssyncset.done $0x0  }
0x68: {  	[sflag:s0] =	ssyncadd.s32 $0xFFFFC000  }
0x69: {  	[hbm4b:s17+s2] =	stream.linear.scatter [tilespmem:s29], [sflag:$0x3], $0x4000, $0x38;
	[tilespmem:$0x8100] =	vst v63  }
0x6a: {  	_ =	swait.ge [sflag:s28], $0x4000  }
0x6b: {  	[sflag:s28] =	ssyncset.done $0x0  }
0x6c: {  	[sflag:s28] =	ssyncadd.s32 $0xFFFFC000  }
0x6d: {  	[tilespmem:s2], [sflag:$0x3] =	stream.linear.gather [hbm4b:s18+s2], $0x80, $0x38;
	[tilespmem:$0x8100] =	vst v63  }
0x6e: {  	_ =	swait.ge [sflag:s28], $0x80  }
0x6f: {  	[sflag:s28] =	ssyncset.done $0x0  }
0x70: {  	[sflag:s28] =	ssyncadd.s32 $0xFFFFFF80  }
0x71: {  	[tilespmem:s29], [sflag:$0x1] =	stream.indirect.gather [hbm4b:s3+s29], $0x80, s2, s29, $0xb8;
	[tilespmem:$0x8100] =	vst v63  }
0x72: {  	_ =	swait.ge [sflag:s1], $0x4000  }
0x73: {  	[sflag:s1] =	ssyncset.done $0x0  }
0x74: {  	[sflag:s1] =	ssyncadd.s32 $0xFFFFC000  }
0x75: {  	[hbm4b:s19+s2] =	stream.linear.scatter [tilespmem:s31], [sflag:$0x3], $0x4000, $0x38;
	[tilespmem:$0x8100] =	vst v63  }
0x76: {  	_ =	swait.ge [sflag:s28], $0x4000  }
0x77: {  	[sflag:s28] =	ssyncset.done $0x0  }
0x78: {  	[sflag:s28] =	ssyncadd.s32 $0xFFFFC000  }
0x79: {  	[tilespmem:s30], [sflag:$0x3] =	stream.linear.gather [hbm4b:s20+s2], $0x80, $0x38;
	[tilespmem:$0x8100] =	vst v63  }
0x7a: {  	_ =	swait.ge [sflag:s28], $0x80  }
0x7b: {  	[sflag:s28] =	ssyncset.done $0x0  }
0x7c: {  	[sflag:s28] =	ssyncadd.s32 $0xFFFFFF80  }
0x7d: {  	[tilespmem:s31], [sflag:$0x2] =	stream.indirect.gather [hbm4b:s3+s29], $0x80, s30, s29, $0xb8;
	[tilespmem:$0x8100] =	vst v63  }
0x7e: {  	_ =	swait.ge [sflag:s0], $0x4000  }
0x7f: {  	[sflag:s0] =	ssyncset.done $0x0  }
0x80: {  	[sflag:s0] =	ssyncadd.s32 $0xFFFFC000  }
0x81: {  	[hbm4b:s21+s2] =	stream.linear.scatter [tilespmem:s29], [sflag:$0x3], $0x4000, $0x38;
	[tilespmem:$0x8100] =	vst v63  }
0x82: {  	_ =	swait.ge [sflag:s28], $0x4000  }
0x83: {  	[sflag:s28] =	ssyncset.done $0x0  }
0x84: {  	[sflag:s28] =	ssyncadd.s32 $0xFFFFC000  }
0x85: {  	[tilespmem:s2], [sflag:$0x3] =	stream.linear.gather [hbm4b:s22+s2], $0x80, $0x38;
	[tilespmem:$0x8100] =	vst v63  }
0x86: {  	_ =	swait.ge [sflag:s28], $0x80  }
0x87: {  	[sflag:s28] =	ssyncset.done $0x0  }
0x88: {  	[sflag:s28] =	ssyncadd.s32 $0xFFFFFF80  }
0x89: {  	[tilespmem:s29], [sflag:$0x1] =	stream.indirect.gather [hbm4b:s3+s29], $0x80, s2, s29, $0xb8;
	[tilespmem:$0x8100] =	vst v63  }
0x8a: {  	_ =	swait.ge [sflag:s1], $0x4000  }
0x8b: {  	[sflag:s1] =	ssyncset.done $0x0  }
0x8c: {  	[sflag:s1] =	ssyncadd.s32 $0xFFFFC000  }
0x8d: {  	[hbm4b:s23+s2] =	stream.linear.scatter [tilespmem:s31], [sflag:$0x3], $0x4000, $0x38;
	[tilespmem:$0x8100] =	vst v63  }
0x8e: {  	_ =	swait.ge [sflag:s28], $0x4000  }
0x8f: {  	[sflag:s28] =	ssyncset.done $0x0  }
0x90: {  	[sflag:s28] =	ssyncadd.s32 $0xFFFFC000  }
0x91: {  	[tilespmem:s30], [sflag:$0x3] =	stream.linear.gather [hbm4b:s24+s2], $0x80, $0x38;
	[tilespmem:$0x8100] =	vst v63  }
0x92: {  	_ =	swait.ge [sflag:s28], $0x80  }
0x93: {  	[sflag:s28] =	ssyncset.done $0x0  }
0x94: {  	[sflag:s28] =	ssyncadd.s32 $0xFFFFFF80  }
0x95: {  	[tilespmem:s31], [sflag:$0x2] =	stream.indirect.gather [hbm4b:s3+s29], $0x80, s30, s29, $0xb8;
	[tilespmem:$0x8100] =	vst v63  }
0x96: {  	_ =	swait.ge [sflag:s0], $0x4000  }
0x97: {  	[sflag:s0] =	ssyncset.done $0x0  }
0x98: {  	[sflag:s0] =	ssyncadd.s32 $0xFFFFC000  }
0x99: {  	[hbm4b:s6+s2] =	stream.linear.scatter [tilespmem:s29], [sflag:$0x3], $0x4000, $0x38;
	[tilespmem:$0x8100] =	vst v63  }
0x9a: {  	_ =	swait.ge [sflag:s28], $0x4000  }
0x9b: {  	[sflag:s28] =	ssyncset.done $0x0  }
0x9c: {  	[sflag:s28] =	ssyncadd.s32 $0xFFFFC000  }
0x9d: {  	[tilespmem:s2], [sflag:$0x3] =	stream.linear.gather [hbm4b:s8+s2], $0x80, $0x38;
	[tilespmem:$0x8100] =	vst v63  }
0x9e: {  	_ =	swait.ge [sflag:s28], $0x80  }
0x9f: {  	[sflag:s28] =	ssyncset.done $0x0  }
0xa0: {  	[sflag:s28] =	ssyncadd.s32 $0xFFFFFF80  }
0xa1: {  	[tilespmem:s29], [sflag:$0x1] =	stream.indirect.gather [hbm4b:s3+s29], $0x80, s2, s29, $0xb8;
	[tilespmem:$0x8100] =	vst v63  }
0xa2: {  	_ =	swait.ge [sflag:s1], $0x4000  }
0xa3: {  	[sflag:s1] =	ssyncset.done $0x0  }
0xa4: {  	[sflag:s1] =	ssyncadd.s32 $0xFFFFC000  }
0xa5: {  	[hbm4b:s9+s2] =	stream.linear.scatter [tilespmem:s31], [sflag:$0x3], $0x4000, $0x38;
	[tilespmem:$0x8100] =	vst v63  }
0xa6: {  	_ =	swait.ge [sflag:s28], $0x4000  }
0xa7: {  	[sflag:s28] =	ssyncset.done $0x0  }
0xa8: {  	[sflag:s28] =	ssyncadd.s32 $0xFFFFC000  }
0xa9: {  	[tilespmem:s30], [sflag:$0x3] =	stream.linear.gather [hbm4b:s26+s2], $0x80, $0x38;
	[tilespmem:$0x8100] =	vst v63  }
0xaa: {  	_ =	swait.ge [sflag:s28], $0x80  }
0xab: {  	[sflag:s28] =	ssyncset.done $0x0  }
0xac: {  	[sflag:s28] =	ssyncadd.s32 $0xFFFFFF80  }
0xad: {  	[tilespmem:s31], [sflag:$0x2] =	stream.indirect.gather [hbm4b:s3+s29], $0x80, s30, s29, $0xb8;
	[tilespmem:$0x8100] =	vst v63  }
0xae: {  	_ =	swait.ge [sflag:s0], $0x4000  }
0xaf: {  	[sflag:s0] =	ssyncset.done $0x0  }
0xb0: {  	s10 =	rddreg [dreg:$0x13];
	[sflag:s0] =	ssyncadd.s32 $0xFFFFC000  }
0xb1: {  	[hbm4b:s10+s2] =	stream.linear.scatter [tilespmem:s29], [sflag:$0x3], $0x4000, $0x38;
	[tilespmem:$0x8100] =	vst v63  }
0xb2: {  	_ =	swait.ge [sflag:s28], $0x4000  }
0xb3: {  	[sflag:s28] =	ssyncset.done $0x0  }
0xb4: {  	s10 =	rddreg [dreg:$0x15];
	[sflag:s28] =	ssyncadd.s32 $0xFFFFC000  }
0xb5: {  	[tilespmem:s2], [sflag:$0x3] =	stream.linear.gather [hbm4b:s10+s2], $0x80, $0x38;
	[tilespmem:$0x8100] =	vst v63  }
0xb6: {  	_ =	swait.ge [sflag:s28], $0x80  }
0xb7: {  	[sflag:s28] =	ssyncset.done $0x0  }
0xb8: {  	[sflag:s28] =	ssyncadd.s32 $0xFFFFFF80  }
0xb9: {  	[tilespmem:s29], [sflag:$0x1] =	stream.indirect.gather [hbm4b:s3+s29], $0x80, s2, s29, $0xb8;
	[tilespmem:$0x8100] =	vst v63  }
0xba: {  	_ =	swait.ge [sflag:s1], $0x4000  }
0xbb: {  	[sflag:s1] =	ssyncset.done $0x0  }
0xbc: {  	s10 =	rddreg [dreg:$0x16];
	[sflag:s1] =	ssyncadd.s32 $0xFFFFC000  }
0xbd: {  	[hbm4b:s10+s2] =	stream.linear.scatter [tilespmem:s31], [sflag:$0x3], $0x4000, $0x38;
	[tilespmem:$0x8100] =	vst v63  }
0xbe: {  	_ =	swait.ge [sflag:s28], $0x4000  }
0xbf: {  	[sflag:s28] =	ssyncset.done $0x0  }
0xc0: {  	s10 =	rddreg [dreg:$0x17];
	[sflag:s28] =	ssyncadd.s32 $0xFFFFC000  }
0xc1: {  	[tilespmem:s30], [sflag:$0x3] =	stream.linear.gather [hbm4b:s10+s2], $0x80, $0x38;
	[tilespmem:$0x8100] =	vst v63  }
0xc2: {  	_ =	swait.ge [sflag:s28], $0x80  }
0xc3: {  	[sflag:s28] =	ssyncset.done $0x0  }
0xc4: {  	[sflag:s28] =	ssyncadd.s32 $0xFFFFFF80  }
0xc5: {  	[tilespmem:s31], [sflag:$0x2] =	stream.indirect.gather [hbm4b:s3+s29], $0x80, s30, s29, $0xb8;
	[tilespmem:$0x8100] =	vst v63  }
0xc6: {  	_ =	swait.ge [sflag:s0], $0x4000  }
0xc7: {  	[sflag:s0] =	ssyncset.done $0x0  }
0xc8: {  	s10 =	rddreg [dreg:$0x18];
	[sflag:s0] =	ssyncadd.s32 $0xFFFFC000  }
0xc9: {  	[hbm4b:s10+s2] =	stream.linear.scatter [tilespmem:s29], [sflag:$0x3], $0x4000, $0x38;
	[tilespmem:$0x8100] =	vst v63  }
0xca: {  	_ =	swait.ge [sflag:s28], $0x4000  }
0xcb: {  	[sflag:s28] =	ssyncset.done $0x0  }
0xcc: {  	s10 =	rddreg [dreg:$0x19];
	[sflag:s28] =	ssyncadd.s32 $0xFFFFC000  }
0xcd: {  	[tilespmem:s2], [sflag:$0x3] =	stream.linear.gather [hbm4b:s10+s2], $0x80, $0x38;
	[tilespmem:$0x8100] =	vst v63  }
0xce: {  	_ =	swait.ge [sflag:s28], $0x80  }
0xcf: {  	[sflag:s28] =	ssyncset.done $0x0  }
0xd0: {  	[sflag:s28] =	ssyncadd.s32 $0xFFFFFF80  }
0xd1: {  	[tilespmem:s29], [sflag:$0x1] =	stream.indirect.gather [hbm4b:s3+s29], $0x80, s2, s29, $0xb8;
	[tilespmem:$0x8100] =	vst v63  }
0xd2: {  	_ =	swait.ge [sflag:s1], $0x4000  }
0xd3: {  	[sflag:s1] =	ssyncset.done $0x0  }
0xd4: {  	s10 =	rddreg [dreg:$0x1a];
	[sflag:s1] =	ssyncadd.s32 $0xFFFFC000  }
0xd5: {  	[hbm4b:s10+s2] =	stream.linear.scatter [tilespmem:s31], [sflag:$0x3], $0x4000, $0x38;
	[tilespmem:$0x8100] =	vst v63  }
0xd6: {  	_ =	swait.ge [sflag:s28], $0x4000  }
0xd7: {  	[sflag:s28] =	ssyncset.done $0x0  }
0xd8: {  	s10 =	rddreg [dreg:$0x1b];
	[sflag:s28] =	ssyncadd.s32 $0xFFFFC000  }
0xd9: {  	[tilespmem:s30], [sflag:$0x3] =	stream.linear.gather [hbm4b:s10+s2], $0x80, $0x38;
	[tilespmem:$0x8100] =	vst v63  }
0xda: {  	_ =	swait.ge [sflag:s28], $0x80  }
0xdb: {  	[sflag:s28] =	ssyncset.done $0x0  }
0xdc: {  	[sflag:s28] =	ssyncadd.s32 $0xFFFFFF80  }
0xdd: {  	[tilespmem:s31], [sflag:$0x2] =	stream.indirect.gather [hbm4b:s3+s29], $0x80, s30, s29, $0xb8;
	[tilespmem:$0x8100] =	vst v63  }
0xde: {  	_ =	swait.ge [sflag:s0], $0x4000  }
0xdf: {  	[sflag:s0] =	ssyncset.done $0x0  }
0xe0: {  	s10 =	rddreg [dreg:$0x1c];
	[sflag:s0] =	ssyncadd.s32 $0xFFFFC000  }
0xe1: {  	[hbm4b:s10+s2] =	stream.linear.scatter [tilespmem:s29], [sflag:$0x3], $0x4000, $0x38;
	[tilespmem:$0x8100] =	vst v63  }
0xe2: {  	_ =	swait.ge [sflag:s28], $0x4000  }
0xe3: {  	[sflag:s28] =	ssyncset.done $0x0  }
0xe4: {  	[sflag:s28] =	ssyncadd.s32 $0xFFFFC000  }
0xe5: {  	_ =	swait.ge [sflag:s1], $0x4000  }
0xe6: {  	[sflag:s1] =	ssyncset.done $0x0  }
.Ltmp2:
0xe7: {  	s10 =	rddreg [dreg:$0x1d];
	[sflag:s1] =	ssyncadd.s32 $0xFFFFC000;
	(pc) =	sbr.rel @p0 .LBB2_3-.Ltmp2, $4  }
0xe8: {  	[hbm4b:s10+s2] =	stream.linear.scatter [tilespmem:s31], [sflag:$0x3], $0x4000, $0x38;
	[tilespmem:$0x8100] =	vst v63  }
0xe9: {  	_ =	swait.ge [sflag:s28], $0x4000  }
0xea: {  	[sflag:s28] =	ssyncset.done $0x0  }
0xeb: {  	[sflag:s28] =	ssyncadd.s32 $0xFFFFC000  }
0xec: {  	s7 =	smov.u32 s5  }
0xed: {  	s5 =	smov.u32 s26;
	s26 =	smov.u32 s9;
	s9 =	smov.u32 s8  }
0xee: {  	s8 =	smov.u32 s6;
	s6 =	smov.u32 s24;
	s24 =	smov.u32 s23  }
0xef: {  	s23 =	smov.u32 s22;
	s22 =	smov.u32 s21;
	s21 =	smov.u32 s20  }
0xf0: {  	s20 =	smov.u32 s19;
	s19 =	smov.u32 s18;
	s18 =	smov.u32 s17  }
0xf1: {  	s17 =	smov.u32 s16;
	s16 =	smov.u32 s15;
	s15 =	smov.u32 s14  }
0xf2: {  	s14 =	smov.u32 s13;
	s13 =	smov.u32 s12;
	s12 =	rddreg [dreg:$0x2]  }
0xf3: {  	[tilespmem:s29], [sflag:$0x3] =	stream.linear.gather [hbm4b:s12+s2], $0x4000, $0x38;
	[tilespmem:$0x8100] =	vst v63  }
0xf4: {  	_ =	swait.ge [sflag:s28], $0x4000  }
0xf5: {  	s10 =	smov.u32 s4;
	[sflag:s28] =	ssyncset.done $0x0  }
0xf6: {  	s4 =	smov.u32 s10;
	s10 =	rddreg [dreg:$0x3];
	[sflag:s28] =	ssyncadd.s32 $0xFFFFC000  }
0xf7: {  	[hbm4b:s10+s2] =	stream.linear.scatter [tilespmem:s29], [sflag:$0x3], $0x4000, $0x38;
	[tilespmem:$0x8100] =	vst v63  }
0xf8: {  	_ =	swait.ge [sflag:s28], $0x4000  }
0xf9: {  	[sflag:s28] =	ssyncset.done $0x0  }
0xfa: {  	s10 =	rddreg [dreg:$0x4];
	[sflag:s28] =	ssyncadd.s32 $0xFFFFC000  }
0xfb: {  	[tilespmem:s29], [sflag:$0x3] =	stream.linear.gather [hbm4b:s10+s2], $0x4000, $0x38;
	[tilespmem:$0x8100] =	vst v63  }
0xfc: {  	_ =	swait.ge [sflag:s28], $0x4000  }
0xfd: {  	[sflag:s28] =	ssyncset.done $0x0  }
0xfe: {  	s10 =	rddreg [dreg:$0x5];
	[sflag:s28] =	ssyncadd.s32 $0xFFFFC000  }
0xff: {  	[hbm4b:s10+s2] =	stream.linear.scatter [tilespmem:s29], [sflag:$0x3], $0x4000, $0x38;
	[tilespmem:$0x8100] =	vst v63  }
0x100: {  	_ =	swait.ge [sflag:s28], $0x4000  }
0x101: {  	[sflag:s28] =	ssyncset.done $0x0  }
0x102: {  	s10 =	rddreg [dreg:$0x6];
	[sflag:s28] =	ssyncadd.s32 $0xFFFFC000  }
0x103: {  	[tilespmem:s29], [sflag:$0x3] =	stream.linear.gather [hbm4b:s10+s2], $0x4000, $0x38;
	[tilespmem:$0x8100] =	vst v63  }
0x104: {  	_ =	swait.ge [sflag:s28], $0x4000  }
0x105: {  	[sflag:s28] =	ssyncset.done $0x0  }
0x106: {  	s10 =	rddreg [dreg:$0x7];
	[sflag:s28] =	ssyncadd.s32 $0xFFFFC000  }
0x107: {  	[hbm4b:s10+s2] =	stream.linear.scatter [tilespmem:s29], [sflag:$0x3], $0x4000, $0x38;
	[tilespmem:$0x8100] =	vst v63  }
0x108: {  	_ =	swait.ge [sflag:s28], $0x4000  }
0x109: {  	[sflag:s28] =	ssyncset.done $0x0  }
0x10a: {  	s10 =	rddreg [dreg:$0x8];
	[sflag:s28] =	ssyncadd.s32 $0xFFFFC000  }
0x10b: {  	[tilespmem:s29], [sflag:$0x3] =	stream.linear.gather [hbm4b:s10+s2], $0x4000, $0x38;
	[tilespmem:$0x8100] =	vst v63  }
0x10c: {  	_ =	swait.ge [sflag:s28], $0x4000  }
0x10d: {  	[sflag:s28] =	ssyncset.done $0x0  }
0x10e: {  	s10 =	rddreg [dreg:$0x9];
	[sflag:s28] =	ssyncadd.s32 $0xFFFFC000  }
0x10f: {  	[hbm4b:s10+s2] =	stream.linear.scatter [tilespmem:s29], [sflag:$0x3], $0x4000, $0x38;
	[tilespmem:$0x8100] =	vst v63  }
0x110: {  	_ =	swait.ge [sflag:s28], $0x4000  }
0x111: {  	[sflag:s28] =	ssyncset.done $0x0  }
0x112: {  	s10 =	rddreg [dreg:$0xa];
	[sflag:s28] =	ssyncadd.s32 $0xFFFFC000  }
0x113: {  	[tilespmem:s29], [sflag:$0x3] =	stream.linear.gather [hbm4b:s10+s2], $0x4000, $0x38;
	[tilespmem:$0x8100] =	vst v63  }
0x114: {  	_ =	swait.ge [sflag:s28], $0x4000  }
0x115: {  	[sflag:s28] =	ssyncset.done $0x0  }
0x116: {  	s10 =	rddreg [dreg:$0xb];
	[sflag:s28] =	ssyncadd.s32 $0xFFFFC000  }
0x117: {  	[hbm4b:s10+s2] =	stream.linear.scatter [tilespmem:s29], [sflag:$0x3], $0x4000, $0x38;
	[tilespmem:$0x8100] =	vst v63  }
0x118: {  	_ =	swait.ge [sflag:s28], $0x4000  }
0x119: {  	[sflag:s28] =	ssyncset.done $0x0  }
0x11a: {  	s10 =	rddreg [dreg:$0xc];
	[sflag:s28] =	ssyncadd.s32 $0xFFFFC000  }
0x11b: {  	[tilespmem:s29], [sflag:$0x3] =	stream.linear.gather [hbm4b:s10+s2], $0x4000, $0x38;
	[tilespmem:$0x8100] =	vst v63  }
0x11c: {  	_ =	swait.ge [sflag:s28], $0x4000  }
0x11d: {  	[sflag:s28] =	ssyncset.done $0x0  }
0x11e: {  	s10 =	rddreg [dreg:$0xd];
	[sflag:s28] =	ssyncadd.s32 $0xFFFFC000  }
0x11f: {  	[hbm4b:s10+s2] =	stream.linear.scatter [tilespmem:s29], [sflag:$0x3], $0x4000, $0x38;
	[tilespmem:$0x8100] =	vst v63  }
0x120: {  	_ =	swait.ge [sflag:s28], $0x4000  }
0x121: {  	s12 =	smov.u32 s13;
	s13 =	smov.u32 s14;
	[sflag:s28] =	ssyncset.done $0x0  }
0x122: {  	s14 =	smov.u32 s15;
	s10 =	rddreg [dreg:$0xe];
	[sflag:s28] =	ssyncadd.s32 $0xFFFFC000  }
0x123: {  	[tilespmem:s29], [sflag:$0x3] =	stream.linear.gather [hbm4b:s10+s2], $0x4000, $0x38;
	[tilespmem:$0x8100] =	vst v63  }
0x124: {  	s15 =	smov.u32 s16;
	s16 =	smov.u32 s17;
	_ =	swait.ge [sflag:s28], $0x4000  }
0x125: {  	s17 =	smov.u32 s18;
	s18 =	smov.u32 s19;
	[sflag:s28] =	ssyncset.done $0x0  }
0x126: {  	s19 =	smov.u32 s20;
	s10 =	rddreg [dreg:$0xf];
	[sflag:s28] =	ssyncadd.s32 $0xFFFFC000  }
0x127: {  	[hbm4b:s10+s2] =	stream.linear.scatter [tilespmem:s29], [sflag:$0x3], $0x4000, $0x38;
	[tilespmem:$0x8100] =	vst v63  }
0x128: {  	s20 =	smov.u32 s21;
	s21 =	smov.u32 s22;
	_ =	swait.ge [sflag:s28], $0x4000  }
0x129: {  	s22 =	smov.u32 s23;
	s23 =	smov.u32 s24;
	[sflag:s28] =	ssyncset.done $0x0  }
0x12a: {  	s24 =	smov.u32 s6;
	s10 =	rddreg [dreg:$0x10];
	[sflag:s28] =	ssyncadd.s32 $0xFFFFC000  }
0x12b: {  	[tilespmem:s29], [sflag:$0x3] =	stream.linear.gather [hbm4b:s10+s2], $0x4000, $0x38;
	[tilespmem:$0x8100] =	vst v63  }
0x12c: {  	s6 =	smov.u32 s8;
	s8 =	smov.u32 s9;
	_ =	swait.ge [sflag:s28], $0x4000  }
0x12d: {  	s9 =	smov.u32 s26;
	s26 =	smov.u32 s5;
	[sflag:s28] =	ssyncset.done $0x0  }
.Ltmp3:
0x12e: {  	s10 =	rddreg [dreg:$0x11];
	[sflag:s28] =	ssyncadd.s32 $0xFFFFC000;
	(pc) =	sbr.rel .LBB2_3-.Ltmp3, $4  }
0x12f: {  	[hbm4b:s10+s2] =	stream.linear.scatter [tilespmem:s29], [sflag:$0x3], $0x4000, $0x38;
	[tilespmem:$0x8100] =	vst v63  }
0x130: {  	s5 =	smov.u32 s7;
	s7 =	rddreg [dreg:$0x12];
	_ =	swait.ge [sflag:s28], $0x4000  }
0x131: {  	[sflag:s28] =	ssyncset.done $0x0  }
0x132: {  	[sflag:s28] =	ssyncadd.s32 $0xFFFFC000  }
.LBB2_4:
0x133: {  	_ =	sfence.sel $0x180000  }
0x134: {  	[bflag:$0x0] =	sbarrier.arrive $0xFFFF  }
0x135: {  	_ =	strace $0x90000047  }
0x136: {  	s0 =	stileid.u32;
	[bflag:$0x2] =	sbarrier.arrive $0xFFFF  }
0x137: {  	p0 =	sne.s32 s0, $0x0;
	s0 =	rddreg [dreg:$0x1]  }
0x138: {  	s0 =	sadd.s32 @!p0 $0x100000, s0  }
0x139: {  	[sflag:s0] =	ssyncadd.tile.s32 @!p0 $0x1;
	_ =	shalt  }
.Lfunc_end2:
_tile_overlayer_lowered:
.L_overlay_start_2:
0x13a: {  	(tag) =	ssettag $0x2  }
0x13b: {  	s0 =	rddreg [dreg:$0x0];
	s2 =	stileid.u32  }
0x13c: {  	s1 =	rddreg [dreg:$0x1];
	p0 =	sne.s32 s2, $0x0  }
0x13d: {  	s3 =	rddreg [dreg:$0x2];
	[bflag:$0x3] =	sbarrier.arrive $0xFFFF;
	s2 =	simm.s32 @!p0 $0x1C03  }
0x13e: {  	[timem:s3], [sflag:s2] =	dma.local @!p0 [hbm:s0], s1  }
0x13f: {  	s0 =	simm.s32 @!p0 $0x3  }
0x140: {  	_ =	swait.ge @!p0 [sflag:s0], s1  }
0x141: {  	s1 =	ssub.s32 @!p0 $0x0, s1;
	[sflag:s0] =	ssyncset.done @!p0 $0x0  }
0x142: {  	[sflag:s0] =	ssyncadd.s32 @!p0 s1  }
0x143: {  	[bflag:$0x3] =	sbarrier.arrive $0xFFFF  }
0x144: {  	_ =	shalt  }

</sc_bundles>
